<compile_context>
chip_gen: v7x
topology: tpu7x:2x2x1
jax: 0.10.2.dev20260603
libtpu: 0.0.44.dev20260713+nightly
codegen_flags: <defaults>
</compile_context>

<pallas_src>
import functools

import jax
import jax.numpy as jnp
from jax import lax
from jax.experimental import pallas as pl
from jax.experimental.pallas import tpu as pltpu
from jax.experimental.pallas import tpu_sc as plsc

VOCAB = 1000000
EMB_DIM = 64
BATCH = 4096
HIST = 50
N = BATCH * HIST
NW = 32
G = 128
GPW = N // NW // G
K = 5
UPW = GPW // K
UNITS = NW * UPW


@functools.partial(
    pl.kernel,
    mesh=plsc.VectorSubcoreMesh(core_axis_name="c", subcore_axis_name="s"),
    out_type=jax.ShapeDtypeStruct((UNITS, K, G, EMB_DIM), jnp.float32),
    scratch_types=[
        pltpu.VMEM((GPW, G), jnp.int32),
        pltpu.VMEM((K, G, EMB_DIM), jnp.float32),
        pltpu.VMEM((K, G, EMB_DIM), jnp.float32),
        pltpu.SemaphoreType.DMA,
        pltpu.SemaphoreType.DMA,
        pltpu.SemaphoreType.DMA,
        pltpu.SemaphoreType.DMA,
    ],
    compiler_params=pltpu.CompilerParams(use_tc_tiling_on_sc=False),
)
def _sc_gather(idx_hbm, table_hbm, out_hbm, idx_v, rows0, rows1,
               g0, g1, o0, o1):
    wid = lax.axis_index("s") * 2 + lax.axis_index("c")
    rows = (rows0, rows1)
    gsem = (g0, g1)
    osem = (o0, o1)

    pltpu.sync_copy(idx_hbm.at[wid], idx_v)

    gathers = [None, None]
    outs = [None, None]

    def fire_unit(i):
        b = i % 2
        cps = []
        for j in range(K):
            cps.append(
                pltpu.async_copy(
                    table_hbm.at[idx_v.at[i * K + j]], rows[b].at[j], gsem[b]
                )
            )
        gathers[b] = cps

    def retire_unit(i):
        b = i % 2
        for cp in gathers[b]:
            cp.wait()
        gathers[b] = None
        outs[b] = pltpu.async_copy(
            rows[b], out_hbm.at[wid * UPW + i], osem[b]
        )

    for i in range(UPW):
        b = i % 2
        if outs[b] is not None:
            outs[b].wait()
            outs[b] = None
        fire_unit(i)
        if i >= 1:
            retire_unit(i - 1)
    retire_unit(UPW - 1)
    for b in range(2):
        if outs[b] is not None:
            outs[b].wait()


def kernel(batch, table):
    idx = batch.reshape(NW, GPW, G).astype(jnp.int32)
    out = _sc_gather(idx, table)
    return out.reshape(BATCH, HIST, EMB_DIM)

# --- scband reference (transcript-rebuilt; emitter-appended) ---
"""Pipeline reference for scband-embeddings-module-78030965834427 (READ-ONLY COPY).

The authoritative reference and input builder live on the scoring server;
editing this copy changes nothing except your own understanding.
"""

import jax, jax.numpy as jnp
import numpy as np

VOCAB = 1000000
EMB_DIM = 64
BATCH = 4096
HIST = 50

def setup_inputs(seed: int = 0) -> dict:
    key = jax.random.key(seed)
    k_idx, k_tab = jax.random.split(key)
    batch = jax.random.randint(k_idx, (BATCH, HIST), 0, VOCAB, dtype=jnp.int64)
    # Embedding table (vocab.get_embeddings()); padding_idx=0 row kept as-is in forward.
    table = jax.random.normal(k_tab, (VOCAB, EMB_DIM), dtype=jnp.float32)
    return {"batch": batch, "table": table}

def reference(batch, table):
    # Faithful to torch.nn.Embedding forward: pure row gather from the table.
    out = jnp.take(table, batch, axis=0)  # [BATCH, HIST, EMB_DIM]
    return out

if __name__ == "__main__":
    import jax
    _d = setup_inputs()
    print(jax.jit(kernel)(*tuple(_d.values())))

</pallas_src>

<mosaic_0001>
#map = affine_map<(d0, d1) -> (0, 0, 0)>
#map1 = affine_map<(d0, d1) -> (0, 0)>
#map2 = affine_map<(d0, d1) -> (0, 0, 0, 0)>
module attributes {stable_mosaic.version = 14 : i64} {
  func.func @_sc_gather(%arg0: i32, %arg1: i32, %arg2: memref<32x50x128xi32, #tpu.memory_space<hbm>>, %arg3: memref<1000000x64xf32, #tpu.memory_space<hbm>>, %arg4: memref<320x5x128x64xf32, #tpu.memory_space<hbm>>, %arg5: memref<50x128xi32, #tpu.memory_space<vmem>>, %arg6: memref<5x128x64xf32, #tpu.memory_space<vmem>>, %arg7: memref<5x128x64xf32, #tpu.memory_space<vmem>>, %arg8: memref<!tpu.dma_semaphore, #tpu.memory_space<semaphore_mem>>, %arg9: memref<!tpu.dma_semaphore, #tpu.memory_space<semaphore_mem>>, %arg10: memref<!tpu.dma_semaphore, #tpu.memory_space<semaphore_mem>>, %arg11: memref<!tpu.dma_semaphore, #tpu.memory_space<semaphore_mem>>) attributes {dimension_semantics = [#tpu.dimension_semantics<core_parallel>, #tpu.dimension_semantics<subcore_parallel>], iteration_bounds = array<i64: 2, 16>, scalar_prefetch = 0 : i64, scratch_operands = 7 : i64, tpu.core_type = #tpu.core_type<sc_vector_subcore>, window_params = [{transform_indices = #map}, {transform_indices = #map1}, {transform_indices = #map2}]} {
    %mul3A = arith.constant 2 : i32
    %mul3A_0 = arith.muli %arg1, %mul3A : i32
    %add3A = arith.addi %mul3A_0, %arg0 : i32
    "tpu.region"() ({
      %run_scoped3A = tpu.sem_alloc : memref<!tpu.dma_semaphore, #tpu.memory_space<semaphore_mem>>
      %dma_start3A_1439 = arith.constant 0 : i32
      %dma_start3A_1440 = arith.constant 0 : i32
      %dma_start3A_1441 = tpu.memref_slice %arg2[%add3A, %dma_start3A_1439, %dma_start3A_1440] : memref<32x50x128xi32, #tpu.memory_space<hbm>> -> memref<1x50x128xi32, #tpu.memory_space<hbm>>
      %dma_start3A_1442 = tpu.memref_squeeze %dma_start3A_1441 : memref<1x50x128xi32, #tpu.memory_space<hbm>> -> memref<50x128xi32, #tpu.memory_space<hbm>>
      %dma_start3A_1443 = arith.constant 0 : i32
      %dma_start3A_1444 = arith.constant 0 : i32
      %dma_start3A_1445 = tpu.memref_slice %arg2[%add3A, %dma_start3A_1443, %dma_start3A_1444] : memref<32x50x128xi32, #tpu.memory_space<hbm>> -> memref<1x50x128xi32, #tpu.memory_space<hbm>>
      %dma_start3A_1446 = tpu.memref_squeeze %dma_start3A_1445 : memref<1x50x128xi32, #tpu.memory_space<hbm>> -> memref<50x128xi32, #tpu.memory_space<hbm>>
      tpu.enqueue_dma source(%dma_start3A_1446 : memref<50x128xi32, #tpu.memory_space<hbm>>) target(%arg5 : memref<50x128xi32, #tpu.memory_space<vmem>>) target_semaphore(%run_scoped3A : memref<!tpu.dma_semaphore, #tpu.memory_space<semaphore_mem>>)
      %dma_wait3A_1447 = arith.constant 0 : i32
      %dma_wait3A_1448 = arith.constant 0 : i32
      %dma_wait3A_1449 = tpu.memref_slice %arg2[%add3A, %dma_wait3A_1447, %dma_wait3A_1448] : memref<32x50x128xi32, #tpu.memory_space<hbm>> -> memref<1x50x128xi32, #tpu.memory_space<hbm>>
      %dma_wait3A_1450 = tpu.memref_squeeze %dma_wait3A_1449 : memref<1x50x128xi32, #tpu.memory_space<hbm>> -> memref<50x128xi32, #tpu.memory_space<hbm>>
      %dma_wait3A_1451 = arith.constant 0 : i32
      %dma_wait3A_1452 = arith.constant 0 : i32
      %dma_wait3A_1453 = tpu.memref_slice %arg2[%add3A, %dma_wait3A_1451, %dma_wait3A_1452] : memref<32x50x128xi32, #tpu.memory_space<hbm>> -> memref<1x50x128xi32, #tpu.memory_space<hbm>>
      %dma_wait3A_1454 = tpu.memref_squeeze %dma_wait3A_1453 : memref<1x50x128xi32, #tpu.memory_space<hbm>> -> memref<50x128xi32, #tpu.memory_space<hbm>>
      tpu.wait_dma2 semaphore(%run_scoped3A : memref<!tpu.dma_semaphore, #tpu.memory_space<semaphore_mem>>) src(%dma_wait3A_1454 : memref<50x128xi32, #tpu.memory_space<hbm>>) dst(%arg5 : memref<50x128xi32, #tpu.memory_space<vmem>>)
      tpu.yield
    }) : () -> ()
    %dma_start3A = arith.constant 0 : i32
    %dma_start3A_1 = arith.constant 0 : i32
    %dma_start3A_2 = arith.constant 0 : i32
    %dma_start3A_3 = arith.constant 0 : i32
    %dma_start3A_4 = tpu.memref_slice %arg6[%dma_start3A_1, %dma_start3A_2, %dma_start3A_3] : memref<5x128x64xf32, #tpu.memory_space<vmem>> -> memref<1x128x64xf32, #tpu.memory_space<vmem>>
    %dma_start3A_5 = tpu.memref_squeeze %dma_start3A_4 : memref<1x128x64xf32, #tpu.memory_space<vmem>> -> memref<128x64xf32, #tpu.memory_space<vmem>>
    %dma_start3A_6 = arith.constant 0 : i32
    %dma_start3A_7 = tpu.memref_slice %arg5[%dma_start3A, %dma_start3A_6] : memref<50x128xi32, #tpu.memory_space<vmem>> -> memref<1x128xi32, #tpu.memory_space<vmem>>
    %dma_start3A_8 = tpu.memref_squeeze %dma_start3A_7 : memref<1x128xi32, #tpu.memory_space<vmem>> -> memref<128xi32, #tpu.memory_space<vmem>>
    %dma_start3A_9 = arith.constant 0 : i32
    %dma_start3A_10 = arith.constant 0 : i32
    %dma_start3A_11 = tpu.memref_slice %arg3[%dma_start3A_9, %dma_start3A_10] : memref<1000000x64xf32, #tpu.memory_space<hbm>> -> memref<1000000x64xf32, #tpu.memory_space<hbm>>
    tpu.enqueue_indirect_dma source(%dma_start3A_11 : memref<1000000x64xf32, #tpu.memory_space<hbm>>) target(%dma_start3A_5 : memref<128x64xf32, #tpu.memory_space<vmem>>) offsets(%dma_start3A_8 : memref<128xi32, #tpu.memory_space<vmem>>) semaphore(%arg8 : memref<!tpu.dma_semaphore, #tpu.memory_space<semaphore_mem>>)
    %dma_start3A_12 = arith.constant 1 : i32
    %dma_start3A_13 = arith.constant 1 : i32
    %dma_start3A_14 = arith.constant 0 : i32
    %dma_start3A_15 = arith.constant 0 : i32
    %dma_start3A_16 = tpu.memref_slice %arg6[%dma_start3A_13, %dma_start3A_14, %dma_start3A_15] : memref<5x128x64xf32, #tpu.memory_space<vmem>> -> memref<1x128x64xf32, #tpu.memory_space<vmem>>
    %dma_start3A_17 = tpu.memref_squeeze %dma_start3A_16 : memref<1x128x64xf32, #tpu.memory_space<vmem>> -> memref<128x64xf32, #tpu.memory_space<vmem>>
    %dma_start3A_18 = arith.constant 0 : i32
    %dma_start3A_19 = tpu.memref_slice %arg5[%dma_start3A_12, %dma_start3A_18] : memref<50x128xi32, #tpu.memory_space<vmem>> -> memref<1x128xi32, #tpu.memory_space<vmem>>
    %dma_start3A_20 = tpu.memref_squeeze %dma_start3A_19 : memref<1x128xi32, #tpu.memory_space<vmem>> -> memref<128xi32, #tpu.memory_space<vmem>>
    %dma_start3A_21 = arith.constant 0 : i32
    %dma_start3A_22 = arith.constant 0 : i32
    %dma_start3A_23 = tpu.memref_slice %arg3[%dma_start3A_21, %dma_start3A_22] : memref<1000000x64xf32, #tpu.memory_space<hbm>> -> memref<1000000x64xf32, #tpu.memory_space<hbm>>
    tpu.enqueue_indirect_dma source(%dma_start3A_23 : memref<1000000x64xf32, #tpu.memory_space<hbm>>) target(%dma_start3A_17 : memref<128x64xf32, #tpu.memory_space<vmem>>) offsets(%dma_start3A_20 : memref<128xi32, #tpu.memory_space<vmem>>) semaphore(%arg8 : memref<!tpu.dma_semaphore, #tpu.memory_space<semaphore_mem>>)
    %dma_start3A_24 = arith.constant 2 : i32
    %dma_start3A_25 = arith.constant 2 : i32
    %dma_start3A_26 = arith.constant 0 : i32
    %dma_start3A_27 = arith.constant 0 : i32
    %dma_start3A_28 = tpu.memref_slice %arg6[%dma_start3A_25, %dma_start3A_26, %dma_start3A_27] : memref<5x128x64xf32, #tpu.memory_space<vmem>> -> memref<1x128x64xf32, #tpu.memory_space<vmem>>
    %dma_start3A_29 = tpu.memref_squeeze %dma_start3A_28 : memref<1x128x64xf32, #tpu.memory_space<vmem>> -> memref<128x64xf32, #tpu.memory_space<vmem>>
    %dma_start3A_30 = arith.constant 0 : i32
    %dma_start3A_31 = tpu.memref_slice %arg5[%dma_start3A_24, %dma_start3A_30] : memref<50x128xi32, #tpu.memory_space<vmem>> -> memref<1x128xi32, #tpu.memory_space<vmem>>
    %dma_start3A_32 = tpu.memref_squeeze %dma_start3A_31 : memref<1x128xi32, #tpu.memory_space<vmem>> -> memref<128xi32, #tpu.memory_space<vmem>>
    %dma_start3A_33 = arith.constant 0 : i32
    %dma_start3A_34 = arith.constant 0 : i32
    %dma_start3A_35 = tpu.memref_slice %arg3[%dma_start3A_33, %dma_start3A_34] : memref<1000000x64xf32, #tpu.memory_space<hbm>> -> memref<1000000x64xf32, #tpu.memory_space<hbm>>
    tpu.enqueue_indirect_dma source(%dma_start3A_35 : memref<1000000x64xf32, #tpu.memory_space<hbm>>) target(%dma_start3A_29 : memref<128x64xf32, #tpu.memory_space<vmem>>) offsets(%dma_start3A_32 : memref<128xi32, #tpu.memory_space<vmem>>) semaphore(%arg8 : memref<!tpu.dma_semaphore, #tpu.memory_space<semaphore_mem>>)
    %dma_start3A_36 = arith.constant 3 : i32
    %dma_start3A_37 = arith.constant 3 : i32
    %dma_start3A_38 = arith.constant 0 : i32
    %dma_start3A_39 = arith.constant 0 : i32
    %dma_start3A_40 = tpu.memref_slice %arg6[%dma_start3A_37, %dma_start3A_38, %dma_start3A_39] : memref<5x128x64xf32, #tpu.memory_space<vmem>> -> memref<1x128x64xf32, #tpu.memory_space<vmem>>
    %dma_start3A_41 = tpu.memref_squeeze %dma_start3A_40 : memref<1x128x64xf32, #tpu.memory_space<vmem>> -> memref<128x64xf32, #tpu.memory_space<vmem>>
    %dma_start3A_42 = arith.constant 0 : i32
    %dma_start3A_43 = tpu.memref_slice %arg5[%dma_start3A_36, %dma_start3A_42] : memref<50x128xi32, #tpu.memory_space<vmem>> -> memref<1x128xi32, #tpu.memory_space<vmem>>
    %dma_start3A_44 = tpu.memref_squeeze %dma_start3A_43 : memref<1x128xi32, #tpu.memory_space<vmem>> -> memref<128xi32, #tpu.memory_space<vmem>>
    %dma_start3A_45 = arith.constant 0 : i32
    %dma_start3A_46 = arith.constant 0 : i32
    %dma_start3A_47 = tpu.memref_slice %arg3[%dma_start3A_45, %dma_start3A_46] : memref<1000000x64xf32, #tpu.memory_space<hbm>> -> memref<1000000x64xf32, #tpu.memory_space<hbm>>
    tpu.enqueue_indirect_dma source(%dma_start3A_47 : memref<1000000x64xf32, #tpu.memory_space<hbm>>) target(%dma_start3A_41 : memref<128x64xf32, #tpu.memory_space<vmem>>) offsets(%dma_start3A_44 : memref<128xi32, #tpu.memory_space<vmem>>) semaphore(%arg8 : memref<!tpu.dma_semaphore, #tpu.memory_space<semaphore_mem>>)
    %dma_start3A_48 = arith.constant 4 : i32
    %dma_start3A_49 = arith.constant 4 : i32
    %dma_start3A_50 = arith.constant 0 : i32
    %dma_start3A_51 = arith.constant 0 : i32
    %dma_start3A_52 = tpu.memref_slice %arg6[%dma_start3A_49, %dma_start3A_50, %dma_start3A_51] : memref<5x128x64xf32, #tpu.memory_space<vmem>> -> memref<1x128x64xf32, #tpu.memory_space<vmem>>
    %dma_start3A_53 = tpu.memref_squeeze %dma_start3A_52 : memref<1x128x64xf32, #tpu.memory_space<vmem>> -> memref<128x64xf32, #tpu.memory_space<vmem>>
    %dma_start3A_54 = arith.constant 0 : i32
    %dma_start3A_55 = tpu.memref_slice %arg5[%dma_start3A_48, %dma_start3A_54] : memref<50x128xi32, #tpu.memory_space<vmem>> -> memref<1x128xi32, #tpu.memory_space<vmem>>
    %dma_start3A_56 = tpu.memref_squeeze %dma_start3A_55 : memref<1x128xi32, #tpu.memory_space<vmem>> -> memref<128xi32, #tpu.memory_space<vmem>>
    %dma_start3A_57 = arith.constant 0 : i32
    %dma_start3A_58 = arith.constant 0 : i32
    %dma_start3A_59 = tpu.memref_slice %arg3[%dma_start3A_57, %dma_start3A_58] : memref<1000000x64xf32, #tpu.memory_space<hbm>> -> memref<1000000x64xf32, #tpu.memory_space<hbm>>
    tpu.enqueue_indirect_dma source(%dma_start3A_59 : memref<1000000x64xf32, #tpu.memory_space<hbm>>) target(%dma_start3A_53 : memref<128x64xf32, #tpu.memory_space<vmem>>) offsets(%dma_start3A_56 : memref<128xi32, #tpu.memory_space<vmem>>) semaphore(%arg8 : memref<!tpu.dma_semaphore, #tpu.memory_space<semaphore_mem>>)
    %dma_start3A_60 = arith.constant 5 : i32
    %dma_start3A_61 = arith.constant 0 : i32
    %dma_start3A_62 = arith.constant 0 : i32
    %dma_start3A_63 = arith.constant 0 : i32
    %dma_start3A_64 = tpu.memref_slice %arg7[%dma_start3A_61, %dma_start3A_62, %dma_start3A_63] : memref<5x128x64xf32, #tpu.memory_space<vmem>> -> memref<1x128x64xf32, #tpu.memory_space<vmem>>
    %dma_start3A_65 = tpu.memref_squeeze %dma_start3A_64 : memref<1x128x64xf32, #tpu.memory_space<vmem>> -> memref<128x64xf32, #tpu.memory_space<vmem>>
    %dma_start3A_66 = arith.constant 0 : i32
    %dma_start3A_67 = tpu.memref_slice %arg5[%dma_start3A_60, %dma_start3A_66] : memref<50x128xi32, #tpu.memory_space<vmem>> -> memref<1x128xi32, #tpu.memory_space<vmem>>
    %dma_start3A_68 = tpu.memref_squeeze %dma_start3A_67 : memref<1x128xi32, #tpu.memory_space<vmem>> -> memref<128xi32, #tpu.memory_space<vmem>>
    %dma_start3A_69 = arith.constant 0 : i32
    %dma_start3A_70 = arith.constant 0 : i32
    %dma_start3A_71 = tpu.memref_slice %arg3[%dma_start3A_69, %dma_start3A_70] : memref<1000000x64xf32, #tpu.memory_space<hbm>> -> memref<1000000x64xf32, #tpu.memory_space<hbm>>
    tpu.enqueue_indirect_dma source(%dma_start3A_71 : memref<1000000x64xf32, #tpu.memory_space<hbm>>) target(%dma_start3A_65 : memref<128x64xf32, #tpu.memory_space<vmem>>) offsets(%dma_start3A_68 : memref<128xi32, #tpu.memory_space<vmem>>) semaphore(%arg9 : memref<!tpu.dma_semaphore, #tpu.memory_space<semaphore_mem>>)
    %dma_start3A_72 = arith.constant 6 : i32
    %dma_start3A_73 = arith.constant 1 : i32
    %dma_start3A_74 = arith.constant 0 : i32
    %dma_start3A_75 = arith.constant 0 : i32
    %dma_start3A_76 = tpu.memref_slice %arg7[%dma_start3A_73, %dma_start3A_74, %dma_start3A_75] : memref<5x128x64xf32, #tpu.memory_space<vmem>> -> memref<1x128x64xf32, #tpu.memory_space<vmem>>
    %dma_start3A_77 = tpu.memref_squeeze %dma_start3A_76 : memref<1x128x64xf32, #tpu.memory_space<vmem>> -> memref<128x64xf32, #tpu.memory_space<vmem>>
    %dma_start3A_78 = arith.constant 0 : i32
    %dma_start3A_79 = tpu.memref_slice %arg5[%dma_start3A_72, %dma_start3A_78] : memref<50x128xi32, #tpu.memory_space<vmem>> -> memref<1x128xi32, #tpu.memory_space<vmem>>
    %dma_start3A_80 = tpu.memref_squeeze %dma_start3A_79 : memref<1x128xi32, #tpu.memory_space<vmem>> -> memref<128xi32, #tpu.memory_space<vmem>>
    %dma_start3A_81 = arith.constant 0 : i32
    %dma_start3A_82 = arith.constant 0 : i32
    %dma_start3A_83 = tpu.memref_slice %arg3[%dma_start3A_81, %dma_start3A_82] : memref<1000000x64xf32, #tpu.memory_space<hbm>> -> memref<1000000x64xf32, #tpu.memory_space<hbm>>
    tpu.enqueue_indirect_dma source(%dma_start3A_83 : memref<1000000x64xf32, #tpu.memory_space<hbm>>) target(%dma_start3A_77 : memref<128x64xf32, #tpu.memory_space<vmem>>) offsets(%dma_start3A_80 : memref<128xi32, #tpu.memory_space<vmem>>) semaphore(%arg9 : memref<!tpu.dma_semaphore, #tpu.memory_space<semaphore_mem>>)
    %dma_start3A_84 = arith.constant 7 : i32
    %dma_start3A_85 = arith.constant 2 : i32
    %dma_start3A_86 = arith.constant 0 : i32
    %dma_start3A_87 = arith.constant 0 : i32
    %dma_start3A_88 = tpu.memref_slice %arg7[%dma_start3A_85, %dma_start3A_86, %dma_start3A_87] : memref<5x128x64xf32, #tpu.memory_space<vmem>> -> memref<1x128x64xf32, #tpu.memory_space<vmem>>
    %dma_start3A_89 = tpu.memref_squeeze %dma_start3A_88 : memref<1x128x64xf32, #tpu.memory_space<vmem>> -> memref<128x64xf32, #tpu.memory_space<vmem>>
    %dma_start3A_90 = arith.constant 0 : i32
    %dma_start3A_91 = tpu.memref_slice %arg5[%dma_start3A_84, %dma_start3A_90] : memref<50x128xi32, #tpu.memory_space<vmem>> -> memref<1x128xi32, #tpu.memory_space<vmem>>
    %dma_start3A_92 = tpu.memref_squeeze %dma_start3A_91 : memref<1x128xi32, #tpu.memory_space<vmem>> -> memref<128xi32, #tpu.memory_space<vmem>>
    %dma_start3A_93 = arith.constant 0 : i32
    %dma_start3A_94 = arith.constant 0 : i32
    %dma_start3A_95 = tpu.memref_slice %arg3[%dma_start3A_93, %dma_start3A_94] : memref<1000000x64xf32, #tpu.memory_space<hbm>> -> memref<1000000x64xf32, #tpu.memory_space<hbm>>
    tpu.enqueue_indirect_dma source(%dma_start3A_95 : memref<1000000x64xf32, #tpu.memory_space<hbm>>) target(%dma_start3A_89 : memref<128x64xf32, #tpu.memory_space<vmem>>) offsets(%dma_start3A_92 : memref<128xi32, #tpu.memory_space<vmem>>) semaphore(%arg9 : memref<!tpu.dma_semaphore, #tpu.memory_space<semaphore_mem>>)
    %dma_start3A_96 = arith.constant 8 : i32
    %dma_start3A_97 = arith.constant 3 : i32
    %dma_start3A_98 = arith.constant 0 : i32
    %dma_start3A_99 = arith.constant 0 : i32
    %dma_start3A_100 = tpu.memref_slice %arg7[%dma_start3A_97, %dma_start3A_98, %dma_start3A_99] : memref<5x128x64xf32, #tpu.memory_space<vmem>> -> memref<1x128x64xf32, #tpu.memory_space<vmem>>
    %dma_start3A_101 = tpu.memref_squeeze %dma_start3A_100 : memref<1x128x64xf32, #tpu.memory_space<vmem>> -> memref<128x64xf32, #tpu.memory_space<vmem>>
    %dma_start3A_102 = arith.constant 0 : i32
    %dma_start3A_103 = tpu.memref_slice %arg5[%dma_start3A_96, %dma_start3A_102] : memref<50x128xi32, #tpu.memory_space<vmem>> -> memref<1x128xi32, #tpu.memory_space<vmem>>
    %dma_start3A_104 = tpu.memref_squeeze %dma_start3A_103 : memref<1x128xi32, #tpu.memory_space<vmem>> -> memref<128xi32, #tpu.memory_space<vmem>>
    %dma_start3A_105 = arith.constant 0 : i32
    %dma_start3A_106 = arith.constant 0 : i32
    %dma_start3A_107 = tpu.memref_slice %arg3[%dma_start3A_105, %dma_start3A_106] : memref<1000000x64xf32, #tpu.memory_space<hbm>> -> memref<1000000x64xf32, #tpu.memory_space<hbm>>
    tpu.enqueue_indirect_dma source(%dma_start3A_107 : memref<1000000x64xf32, #tpu.memory_space<hbm>>) target(%dma_start3A_101 : memref<128x64xf32, #tpu.memory_space<vmem>>) offsets(%dma_start3A_104 : memref<128xi32, #tpu.memory_space<vmem>>) semaphore(%arg9 : memref<!tpu.dma_semaphore, #tpu.memory_space<semaphore_mem>>)
    %dma_start3A_108 = arith.constant 9 : i32
    %dma_start3A_109 = arith.constant 4 : i32
    %dma_start3A_110 = arith.constant 0 : i32
    %dma_start3A_111 = arith.constant 0 : i32
    %dma_start3A_112 = tpu.memref_slice %arg7[%dma_start3A_109, %dma_start3A_110, %dma_start3A_111] : memref<5x128x64xf32, #tpu.memory_space<vmem>> -> memref<1x128x64xf32, #tpu.memory_space<vmem>>
    %dma_start3A_113 = tpu.memref_squeeze %dma_start3A_112 : memref<1x128x64xf32, #tpu.memory_space<vmem>> -> memref<128x64xf32, #tpu.memory_space<vmem>>
    %dma_start3A_114 = arith.constant 0 : i32
    %dma_start3A_115 = tpu.memref_slice %arg5[%dma_start3A_108, %dma_start3A_114] : memref<50x128xi32, #tpu.memory_space<vmem>> -> memref<1x128xi32, #tpu.memory_space<vmem>>
    %dma_start3A_116 = tpu.memref_squeeze %dma_start3A_115 : memref<1x128xi32, #tpu.memory_space<vmem>> -> memref<128xi32, #tpu.memory_space<vmem>>
    %dma_start3A_117 = arith.constant 0 : i32
    %dma_start3A_118 = arith.constant 0 : i32
    %dma_start3A_119 = tpu.memref_slice %arg3[%dma_start3A_117, %dma_start3A_118] : memref<1000000x64xf32, #tpu.memory_space<hbm>> -> memref<1000000x64xf32, #tpu.memory_space<hbm>>
    tpu.enqueue_indirect_dma source(%dma_start3A_119 : memref<1000000x64xf32, #tpu.memory_space<hbm>>) target(%dma_start3A_113 : memref<128x64xf32, #tpu.memory_space<vmem>>) offsets(%dma_start3A_116 : memref<128xi32, #tpu.memory_space<vmem>>) semaphore(%arg9 : memref<!tpu.dma_semaphore, #tpu.memory_space<semaphore_mem>>)
    %dma_wait3A = arith.constant 0 : i32
    %dma_wait3A_120 = arith.constant 0 : i32
    %dma_wait3A_121 = arith.constant 0 : i32
    %dma_wait3A_122 = arith.constant 0 : i32
    %dma_wait3A_123 = tpu.memref_slice %arg6[%dma_wait3A_120, %dma_wait3A_121, %dma_wait3A_122] : memref<5x128x64xf32, #tpu.memory_space<vmem>> -> memref<1x128x64xf32, #tpu.memory_space<vmem>>
    %dma_wait3A_124 = tpu.memref_squeeze %dma_wait3A_123 : memref<1x128x64xf32, #tpu.memory_space<vmem>> -> memref<128x64xf32, #tpu.memory_space<vmem>>
    %dma_wait3A_125 = arith.constant 0 : i32
    %dma_wait3A_126 = tpu.memref_slice %arg5[%dma_wait3A, %dma_wait3A_125] : memref<50x128xi32, #tpu.memory_space<vmem>> -> memref<1x128xi32, #tpu.memory_space<vmem>>
    %dma_wait3A_127 = tpu.memref_squeeze %dma_wait3A_126 : memref<1x128xi32, #tpu.memory_space<vmem>> -> memref<128xi32, #tpu.memory_space<vmem>>
    %dma_wait3A_128 = arith.constant 0 : i32
    %dma_wait3A_129 = arith.constant 0 : i32
    %dma_wait3A_130 = tpu.memref_slice %arg3[%dma_wait3A_128, %dma_wait3A_129] : memref<1000000x64xf32, #tpu.memory_space<hbm>> -> memref<1000000x64xf32, #tpu.memory_space<hbm>>
    tpu.wait_indirect_dma semaphore(%arg8 : memref<!tpu.dma_semaphore, #tpu.memory_space<semaphore_mem>>) src(%dma_wait3A_130 : memref<1000000x64xf32, #tpu.memory_space<hbm>>) dst(%dma_wait3A_124 : memref<128x64xf32, #tpu.memory_space<vmem>>)
    %dma_wait3A_131 = arith.constant 1 : i32
    %dma_wait3A_132 = arith.constant 1 : i32
    %dma_wait3A_133 = arith.constant 0 : i32
    %dma_wait3A_134 = arith.constant 0 : i32
    %dma_wait3A_135 = tpu.memref_slice %arg6[%dma_wait3A_132, %dma_wait3A_133, %dma_wait3A_134] : memref<5x128x64xf32, #tpu.memory_space<vmem>> -> memref<1x128x64xf32, #tpu.memory_space<vmem>>
    %dma_wait3A_136 = tpu.memref_squeeze %dma_wait3A_135 : memref<1x128x64xf32, #tpu.memory_space<vmem>> -> memref<128x64xf32, #tpu.memory_space<vmem>>
    %dma_wait3A_137 = arith.constant 0 : i32
    %dma_wait3A_138 = tpu.memref_slice %arg5[%dma_wait3A_131, %dma_wait3A_137] : memref<50x128xi32, #tpu.memory_space<vmem>> -> memref<1x128xi32, #tpu.memory_space<vmem>>
    %dma_wait3A_139 = tpu.memref_squeeze %dma_wait3A_138 : memref<1x128xi32, #tpu.memory_space<vmem>> -> memref<128xi32, #tpu.memory_space<vmem>>
    %dma_wait3A_140 = arith.constant 0 : i32
    %dma_wait3A_141 = arith.constant 0 : i32
    %dma_wait3A_142 = tpu.memref_slice %arg3[%dma_wait3A_140, %dma_wait3A_141] : memref<1000000x64xf32, #tpu.memory_space<hbm>> -> memref<1000000x64xf32, #tpu.memory_space<hbm>>
    tpu.wait_indirect_dma semaphore(%arg8 : memref<!tpu.dma_semaphore, #tpu.memory_space<semaphore_mem>>) src(%dma_wait3A_142 : memref<1000000x64xf32, #tpu.memory_space<hbm>>) dst(%dma_wait3A_136 : memref<128x64xf32, #tpu.memory_space<vmem>>)
    %dma_wait3A_143 = arith.constant 2 : i32
    %dma_wait3A_144 = arith.constant 2 : i32
    %dma_wait3A_145 = arith.constant 0 : i32
    %dma_wait3A_146 = arith.constant 0 : i32
    %dma_wait3A_147 = tpu.memref_slice %arg6[%dma_wait3A_144, %dma_wait3A_145, %dma_wait3A_146] : memref<5x128x64xf32, #tpu.memory_space<vmem>> -> memref<1x128x64xf32, #tpu.memory_space<vmem>>
    %dma_wait3A_148 = tpu.memref_squeeze %dma_wait3A_147 : memref<1x128x64xf32, #tpu.memory_space<vmem>> -> memref<128x64xf32, #tpu.memory_space<vmem>>
    %dma_wait3A_149 = arith.constant 0 : i32
    %dma_wait3A_150 = tpu.memref_slice %arg5[%dma_wait3A_143, %dma_wait3A_149] : memref<50x128xi32, #tpu.memory_space<vmem>> -> memref<1x128xi32, #tpu.memory_space<vmem>>
    %dma_wait3A_151 = tpu.memref_squeeze %dma_wait3A_150 : memref<1x128xi32, #tpu.memory_space<vmem>> -> memref<128xi32, #tpu.memory_space<vmem>>
    %dma_wait3A_152 = arith.constant 0 : i32
    %dma_wait3A_153 = arith.constant 0 : i32
    %dma_wait3A_154 = tpu.memref_slice %arg3[%dma_wait3A_152, %dma_wait3A_153] : memref<1000000x64xf32, #tpu.memory_space<hbm>> -> memref<1000000x64xf32, #tpu.memory_space<hbm>>
    tpu.wait_indirect_dma semaphore(%arg8 : memref<!tpu.dma_semaphore, #tpu.memory_space<semaphore_mem>>) src(%dma_wait3A_154 : memref<1000000x64xf32, #tpu.memory_space<hbm>>) dst(%dma_wait3A_148 : memref<128x64xf32, #tpu.memory_space<vmem>>)
    %dma_wait3A_155 = arith.constant 3 : i32
    %dma_wait3A_156 = arith.constant 3 : i32
    %dma_wait3A_157 = arith.constant 0 : i32
    %dma_wait3A_158 = arith.constant 0 : i32
    %dma_wait3A_159 = tpu.memref_slice %arg6[%dma_wait3A_156, %dma_wait3A_157, %dma_wait3A_158] : memref<5x128x64xf32, #tpu.memory_space<vmem>> -> memref<1x128x64xf32, #tpu.memory_space<vmem>>
    %dma_wait3A_160 = tpu.memref_squeeze %dma_wait3A_159 : memref<1x128x64xf32, #tpu.memory_space<vmem>> -> memref<128x64xf32, #tpu.memory_space<vmem>>
    %dma_wait3A_161 = arith.constant 0 : i32
    %dma_wait3A_162 = tpu.memref_slice %arg5[%dma_wait3A_155, %dma_wait3A_161] : memref<50x128xi32, #tpu.memory_space<vmem>> -> memref<1x128xi32, #tpu.memory_space<vmem>>
    %dma_wait3A_163 = tpu.memref_squeeze %dma_wait3A_162 : memref<1x128xi32, #tpu.memory_space<vmem>> -> memref<128xi32, #tpu.memory_space<vmem>>
    %dma_wait3A_164 = arith.constant 0 : i32
    %dma_wait3A_165 = arith.constant 0 : i32
    %dma_wait3A_166 = tpu.memref_slice %arg3[%dma_wait3A_164, %dma_wait3A_165] : memref<1000000x64xf32, #tpu.memory_space<hbm>> -> memref<1000000x64xf32, #tpu.memory_space<hbm>>
    tpu.wait_indirect_dma semaphore(%arg8 : memref<!tpu.dma_semaphore, #tpu.memory_space<semaphore_mem>>) src(%dma_wait3A_166 : memref<1000000x64xf32, #tpu.memory_space<hbm>>) dst(%dma_wait3A_160 : memref<128x64xf32, #tpu.memory_space<vmem>>)
    %dma_wait3A_167 = arith.constant 4 : i32
    %dma_wait3A_168 = arith.constant 4 : i32
    %dma_wait3A_169 = arith.constant 0 : i32
    %dma_wait3A_170 = arith.constant 0 : i32
    %dma_wait3A_171 = tpu.memref_slice %arg6[%dma_wait3A_168, %dma_wait3A_169, %dma_wait3A_170] : memref<5x128x64xf32, #tpu.memory_space<vmem>> -> memref<1x128x64xf32, #tpu.memory_space<vmem>>
    %dma_wait3A_172 = tpu.memref_squeeze %dma_wait3A_171 : memref<1x128x64xf32, #tpu.memory_space<vmem>> -> memref<128x64xf32, #tpu.memory_space<vmem>>
    %dma_wait3A_173 = arith.constant 0 : i32
    %dma_wait3A_174 = tpu.memref_slice %arg5[%dma_wait3A_167, %dma_wait3A_173] : memref<50x128xi32, #tpu.memory_space<vmem>> -> memref<1x128xi32, #tpu.memory_space<vmem>>
    %dma_wait3A_175 = tpu.memref_squeeze %dma_wait3A_174 : memref<1x128xi32, #tpu.memory_space<vmem>> -> memref<128xi32, #tpu.memory_space<vmem>>
    %dma_wait3A_176 = arith.constant 0 : i32
    %dma_wait3A_177 = arith.constant 0 : i32
    %dma_wait3A_178 = tpu.memref_slice %arg3[%dma_wait3A_176, %dma_wait3A_177] : memref<1000000x64xf32, #tpu.memory_space<hbm>> -> memref<1000000x64xf32, #tpu.memory_space<hbm>>
    tpu.wait_indirect_dma semaphore(%arg8 : memref<!tpu.dma_semaphore, #tpu.memory_space<semaphore_mem>>) src(%dma_wait3A_178 : memref<1000000x64xf32, #tpu.memory_space<hbm>>) dst(%dma_wait3A_172 : memref<128x64xf32, #tpu.memory_space<vmem>>)
    %mul3A_179 = arith.constant 10 : i32
    %mul3A_180 = arith.muli %add3A, %mul3A_179 : i32
    %add3A_181 = arith.constant 0 : i32
    %add3A_182 = arith.addi %mul3A_180, %add3A_181 : i32
    %dma_start3A_183 = arith.constant 0 : i32
    %dma_start3A_184 = arith.constant 0 : i32
    %dma_start3A_185 = arith.constant 0 : i32
    %dma_start3A_186 = tpu.memref_slice %arg4[%add3A_182, %dma_start3A_183, %dma_start3A_184, %dma_start3A_185] : memref<320x5x128x64xf32, #tpu.memory_space<hbm>> -> memref<1x5x128x64xf32, #tpu.memory_space<hbm>>
    %dma_start3A_187 = tpu.memref_squeeze %dma_start3A_186 : memref<1x5x128x64xf32, #tpu.memory_space<hbm>> -> memref<5x128x64xf32, #tpu.memory_space<hbm>>
    %dma_start3A_188 = arith.constant 0 : i32
    %dma_start3A_189 = arith.constant 0 : i32
    %dma_start3A_190 = arith.constant 0 : i32
    %dma_start3A_191 = tpu.memref_slice %arg4[%add3A_182, %dma_start3A_188, %dma_start3A_189, %dma_start3A_190] : memref<320x5x128x64xf32, #tpu.memory_space<hbm>> -> memref<1x5x128x64xf32, #tpu.memory_space<hbm>>
    %dma_start3A_192 = tpu.memref_squeeze %dma_start3A_191 : memref<1x5x128x64xf32, #tpu.memory_space<hbm>> -> memref<5x128x64xf32, #tpu.memory_space<hbm>>
    tpu.enqueue_dma source(%arg6 : memref<5x128x64xf32, #tpu.memory_space<vmem>>) target(%dma_start3A_192 : memref<5x128x64xf32, #tpu.memory_space<hbm>>) target_semaphore(%arg10 : memref<!tpu.dma_semaphore, #tpu.memory_space<semaphore_mem>>)
    %dma_wait3A_193 = arith.constant 0 : i32
    %dma_wait3A_194 = arith.constant 0 : i32
    %dma_wait3A_195 = arith.constant 0 : i32
    %dma_wait3A_196 = tpu.memref_slice %arg4[%add3A_182, %dma_wait3A_193, %dma_wait3A_194, %dma_wait3A_195] : memref<320x5x128x64xf32, #tpu.memory_space<hbm>> -> memref<1x5x128x64xf32, #tpu.memory_space<hbm>>
    %dma_wait3A_197 = tpu.memref_squeeze %dma_wait3A_196 : memref<1x5x128x64xf32, #tpu.memory_space<hbm>> -> memref<5x128x64xf32, #tpu.memory_space<hbm>>
    %dma_wait3A_198 = arith.constant 0 : i32
    %dma_wait3A_199 = arith.constant 0 : i32
    %dma_wait3A_200 = arith.constant 0 : i32
    %dma_wait3A_201 = tpu.memref_slice %arg4[%add3A_182, %dma_wait3A_198, %dma_wait3A_199, %dma_wait3A_200] : memref<320x5x128x64xf32, #tpu.memory_space<hbm>> -> memref<1x5x128x64xf32, #tpu.memory_space<hbm>>
    %dma_wait3A_202 = tpu.memref_squeeze %dma_wait3A_201 : memref<1x5x128x64xf32, #tpu.memory_space<hbm>> -> memref<5x128x64xf32, #tpu.memory_space<hbm>>
    tpu.wait_dma2 semaphore(%arg10 : memref<!tpu.dma_semaphore, #tpu.memory_space<semaphore_mem>>) src(%arg6 : memref<5x128x64xf32, #tpu.memory_space<vmem>>) dst(%dma_wait3A_202 : memref<5x128x64xf32, #tpu.memory_space<hbm>>)
    %dma_start3A_203 = arith.constant 10 : i32
    %dma_start3A_204 = arith.constant 0 : i32
    %dma_start3A_205 = arith.constant 0 : i32
    %dma_start3A_206 = arith.constant 0 : i32
    %dma_start3A_207 = tpu.memref_slice %arg6[%dma_start3A_204, %dma_start3A_205, %dma_start3A_206] : memref<5x128x64xf32, #tpu.memory_space<vmem>> -> memref<1x128x64xf32, #tpu.memory_space<vmem>>
    %dma_start3A_208 = tpu.memref_squeeze %dma_start3A_207 : memref<1x128x64xf32, #tpu.memory_space<vmem>> -> memref<128x64xf32, #tpu.memory_space<vmem>>
    %dma_start3A_209 = arith.constant 0 : i32
    %dma_start3A_210 = tpu.memref_slice %arg5[%dma_start3A_203, %dma_start3A_209] : memref<50x128xi32, #tpu.memory_space<vmem>> -> memref<1x128xi32, #tpu.memory_space<vmem>>
    %dma_start3A_211 = tpu.memref_squeeze %dma_start3A_210 : memref<1x128xi32, #tpu.memory_space<vmem>> -> memref<128xi32, #tpu.memory_space<vmem>>
    %dma_start3A_212 = arith.constant 0 : i32
    %dma_start3A_213 = arith.constant 0 : i32
    %dma_start3A_214 = tpu.memref_slice %arg3[%dma_start3A_212, %dma_start3A_213] : memref<1000000x64xf32, #tpu.memory_space<hbm>> -> memref<1000000x64xf32, #tpu.memory_space<hbm>>
    tpu.enqueue_indirect_dma source(%dma_start3A_214 : memref<1000000x64xf32, #tpu.memory_space<hbm>>) target(%dma_start3A_208 : memref<128x64xf32, #tpu.memory_space<vmem>>) offsets(%dma_start3A_211 : memref<128xi32, #tpu.memory_space<vmem>>) semaphore(%arg8 : memref<!tpu.dma_semaphore, #tpu.memory_space<semaphore_mem>>)
    %dma_start3A_215 = arith.constant 11 : i32
    %dma_start3A_216 = arith.constant 1 : i32
    %dma_start3A_217 = arith.constant 0 : i32
    %dma_start3A_218 = arith.constant 0 : i32
    %dma_start3A_219 = tpu.memref_slice %arg6[%dma_start3A_216, %dma_start3A_217, %dma_start3A_218] : memref<5x128x64xf32, #tpu.memory_space<vmem>> -> memref<1x128x64xf32, #tpu.memory_space<vmem>>
    %dma_start3A_220 = tpu.memref_squeeze %dma_start3A_219 : memref<1x128x64xf32, #tpu.memory_space<vmem>> -> memref<128x64xf32, #tpu.memory_space<vmem>>
    %dma_start3A_221 = arith.constant 0 : i32
    %dma_start3A_222 = tpu.memref_slice %arg5[%dma_start3A_215, %dma_start3A_221] : memref<50x128xi32, #tpu.memory_space<vmem>> -> memref<1x128xi32, #tpu.memory_space<vmem>>
    %dma_start3A_223 = tpu.memref_squeeze %dma_start3A_222 : memref<1x128xi32, #tpu.memory_space<vmem>> -> memref<128xi32, #tpu.memory_space<vmem>>
    %dma_start3A_224 = arith.constant 0 : i32
    %dma_start3A_225 = arith.constant 0 : i32
    %dma_start3A_226 = tpu.memref_slice %arg3[%dma_start3A_224, %dma_start3A_225] : memref<1000000x64xf32, #tpu.memory_space<hbm>> -> memref<1000000x64xf32, #tpu.memory_space<hbm>>
    tpu.enqueue_indirect_dma source(%dma_start3A_226 : memref<1000000x64xf32, #tpu.memory_space<hbm>>) target(%dma_start3A_220 : memref<128x64xf32, #tpu.memory_space<vmem>>) offsets(%dma_start3A_223 : memref<128xi32, #tpu.memory_space<vmem>>) semaphore(%arg8 : memref<!tpu.dma_semaphore, #tpu.memory_space<semaphore_mem>>)
    %dma_start3A_227 = arith.constant 12 : i32
    %dma_start3A_228 = arith.constant 2 : i32
    %dma_start3A_229 = arith.constant 0 : i32
    %dma_start3A_230 = arith.constant 0 : i32
    %dma_start3A_231 = tpu.memref_slice %arg6[%dma_start3A_228, %dma_start3A_229, %dma_start3A_230] : memref<5x128x64xf32, #tpu.memory_space<vmem>> -> memref<1x128x64xf32, #tpu.memory_space<vmem>>
    %dma_start3A_232 = tpu.memref_squeeze %dma_start3A_231 : memref<1x128x64xf32, #tpu.memory_space<vmem>> -> memref<128x64xf32, #tpu.memory_space<vmem>>
    %dma_start3A_233 = arith.constant 0 : i32
    %dma_start3A_234 = tpu.memref_slice %arg5[%dma_start3A_227, %dma_start3A_233] : memref<50x128xi32, #tpu.memory_space<vmem>> -> memref<1x128xi32, #tpu.memory_space<vmem>>
    %dma_start3A_235 = tpu.memref_squeeze %dma_start3A_234 : memref<1x128xi32, #tpu.memory_space<vmem>> -> memref<128xi32, #tpu.memory_space<vmem>>
    %dma_start3A_236 = arith.constant 0 : i32
    %dma_start3A_237 = arith.constant 0 : i32
    %dma_start3A_238 = tpu.memref_slice %arg3[%dma_start3A_236, %dma_start3A_237] : memref<1000000x64xf32, #tpu.memory_space<hbm>> -> memref<1000000x64xf32, #tpu.memory_space<hbm>>
    tpu.enqueue_indirect_dma source(%dma_start3A_238 : memref<1000000x64xf32, #tpu.memory_space<hbm>>) target(%dma_start3A_232 : memref<128x64xf32, #tpu.memory_space<vmem>>) offsets(%dma_start3A_235 : memref<128xi32, #tpu.memory_space<vmem>>) semaphore(%arg8 : memref<!tpu.dma_semaphore, #tpu.memory_space<semaphore_mem>>)
    %dma_start3A_239 = arith.constant 13 : i32
    %dma_start3A_240 = arith.constant 3 : i32
    %dma_start3A_241 = arith.constant 0 : i32
    %dma_start3A_242 = arith.constant 0 : i32
    %dma_start3A_243 = tpu.memref_slice %arg6[%dma_start3A_240, %dma_start3A_241, %dma_start3A_242] : memref<5x128x64xf32, #tpu.memory_space<vmem>> -> memref<1x128x64xf32, #tpu.memory_space<vmem>>
    %dma_start3A_244 = tpu.memref_squeeze %dma_start3A_243 : memref<1x128x64xf32, #tpu.memory_space<vmem>> -> memref<128x64xf32, #tpu.memory_space<vmem>>
    %dma_start3A_245 = arith.constant 0 : i32
    %dma_start3A_246 = tpu.memref_slice %arg5[%dma_start3A_239, %dma_start3A_245] : memref<50x128xi32, #tpu.memory_space<vmem>> -> memref<1x128xi32, #tpu.memory_space<vmem>>
    %dma_start3A_247 = tpu.memref_squeeze %dma_start3A_246 : memref<1x128xi32, #tpu.memory_space<vmem>> -> memref<128xi32, #tpu.memory_space<vmem>>
    %dma_start3A_248 = arith.constant 0 : i32
    %dma_start3A_249 = arith.constant 0 : i32
    %dma_start3A_250 = tpu.memref_slice %arg3[%dma_start3A_248, %dma_start3A_249] : memref<1000000x64xf32, #tpu.memory_space<hbm>> -> memref<1000000x64xf32, #tpu.memory_space<hbm>>
    tpu.enqueue_indirect_dma source(%dma_start3A_250 : memref<1000000x64xf32, #tpu.memory_space<hbm>>) target(%dma_start3A_244 : memref<128x64xf32, #tpu.memory_space<vmem>>) offsets(%dma_start3A_247 : memref<128xi32, #tpu.memory_space<vmem>>) semaphore(%arg8 : memref<!tpu.dma_semaphore, #tpu.memory_space<semaphore_mem>>)
    %dma_start3A_251 = arith.constant 14 : i32
    %dma_start3A_252 = arith.constant 4 : i32
    %dma_start3A_253 = arith.constant 0 : i32
    %dma_start3A_254 = arith.constant 0 : i32
    %dma_start3A_255 = tpu.memref_slice %arg6[%dma_start3A_252, %dma_start3A_253, %dma_start3A_254] : memref<5x128x64xf32, #tpu.memory_space<vmem>> -> memref<1x128x64xf32, #tpu.memory_space<vmem>>
    %dma_start3A_256 = tpu.memref_squeeze %dma_start3A_255 : memref<1x128x64xf32, #tpu.memory_space<vmem>> -> memref<128x64xf32, #tpu.memory_space<vmem>>
    %dma_start3A_257 = arith.constant 0 : i32
    %dma_start3A_258 = tpu.memref_slice %arg5[%dma_start3A_251, %dma_start3A_257] : memref<50x128xi32, #tpu.memory_space<vmem>> -> memref<1x128xi32, #tpu.memory_space<vmem>>
    %dma_start3A_259 = tpu.memref_squeeze %dma_start3A_258 : memref<1x128xi32, #tpu.memory_space<vmem>> -> memref<128xi32, #tpu.memory_space<vmem>>
    %dma_start3A_260 = arith.constant 0 : i32
    %dma_start3A_261 = arith.constant 0 : i32
    %dma_start3A_262 = tpu.memref_slice %arg3[%dma_start3A_260, %dma_start3A_261] : memref<1000000x64xf32, #tpu.memory_space<hbm>> -> memref<1000000x64xf32, #tpu.memory_space<hbm>>
    tpu.enqueue_indirect_dma source(%dma_start3A_262 : memref<1000000x64xf32, #tpu.memory_space<hbm>>) target(%dma_start3A_256 : memref<128x64xf32, #tpu.memory_space<vmem>>) offsets(%dma_start3A_259 : memref<128xi32, #tpu.memory_space<vmem>>) semaphore(%arg8 : memref<!tpu.dma_semaphore, #tpu.memory_space<semaphore_mem>>)
    %dma_wait3A_263 = arith.constant 5 : i32
    %dma_wait3A_264 = arith.constant 0 : i32
    %dma_wait3A_265 = arith.constant 0 : i32
    %dma_wait3A_266 = arith.constant 0 : i32
    %dma_wait3A_267 = tpu.memref_slice %arg7[%dma_wait3A_264, %dma_wait3A_265, %dma_wait3A_266] : memref<5x128x64xf32, #tpu.memory_space<vmem>> -> memref<1x128x64xf32, #tpu.memory_space<vmem>>
    %dma_wait3A_268 = tpu.memref_squeeze %dma_wait3A_267 : memref<1x128x64xf32, #tpu.memory_space<vmem>> -> memref<128x64xf32, #tpu.memory_space<vmem>>
    %dma_wait3A_269 = arith.constant 0 : i32
    %dma_wait3A_270 = tpu.memref_slice %arg5[%dma_wait3A_263, %dma_wait3A_269] : memref<50x128xi32, #tpu.memory_space<vmem>> -> memref<1x128xi32, #tpu.memory_space<vmem>>
    %dma_wait3A_271 = tpu.memref_squeeze %dma_wait3A_270 : memref<1x128xi32, #tpu.memory_space<vmem>> -> memref<128xi32, #tpu.memory_space<vmem>>
    %dma_wait3A_272 = arith.constant 0 : i32
    %dma_wait3A_273 = arith.constant 0 : i32
    %dma_wait3A_274 = tpu.memref_slice %arg3[%dma_wait3A_272, %dma_wait3A_273] : memref<1000000x64xf32, #tpu.memory_space<hbm>> -> memref<1000000x64xf32, #tpu.memory_space<hbm>>
    tpu.wait_indirect_dma semaphore(%arg9 : memref<!tpu.dma_semaphore, #tpu.memory_space<semaphore_mem>>) src(%dma_wait3A_274 : memref<1000000x64xf32, #tpu.memory_space<hbm>>) dst(%dma_wait3A_268 : memref<128x64xf32, #tpu.memory_space<vmem>>)
    %dma_wait3A_275 = arith.constant 6 : i32
    %dma_wait3A_276 = arith.constant 1 : i32
    %dma_wait3A_277 = arith.constant 0 : i32
    %dma_wait3A_278 = arith.constant 0 : i32
    %dma_wait3A_279 = tpu.memref_slice %arg7[%dma_wait3A_276, %dma_wait3A_277, %dma_wait3A_278] : memref<5x128x64xf32, #tpu.memory_space<vmem>> -> memref<1x128x64xf32, #tpu.memory_space<vmem>>
    %dma_wait3A_280 = tpu.memref_squeeze %dma_wait3A_279 : memref<1x128x64xf32, #tpu.memory_space<vmem>> -> memref<128x64xf32, #tpu.memory_space<vmem>>
    %dma_wait3A_281 = arith.constant 0 : i32
    %dma_wait3A_282 = tpu.memref_slice %arg5[%dma_wait3A_275, %dma_wait3A_281] : memref<50x128xi32, #tpu.memory_space<vmem>> -> memref<1x128xi32, #tpu.memory_space<vmem>>
    %dma_wait3A_283 = tpu.memref_squeeze %dma_wait3A_282 : memref<1x128xi32, #tpu.memory_space<vmem>> -> memref<128xi32, #tpu.memory_space<vmem>>
    %dma_wait3A_284 = arith.constant 0 : i32
    %dma_wait3A_285 = arith.constant 0 : i32
    %dma_wait3A_286 = tpu.memref_slice %arg3[%dma_wait3A_284, %dma_wait3A_285] : memref<1000000x64xf32, #tpu.memory_space<hbm>> -> memref<1000000x64xf32, #tpu.memory_space<hbm>>
    tpu.wait_indirect_dma semaphore(%arg9 : memref<!tpu.dma_semaphore, #tpu.memory_space<semaphore_mem>>) src(%dma_wait3A_286 : memref<1000000x64xf32, #tpu.memory_space<hbm>>) dst(%dma_wait3A_280 : memref<128x64xf32, #tpu.memory_space<vmem>>)
    %dma_wait3A_287 = arith.constant 7 : i32
    %dma_wait3A_288 = arith.constant 2 : i32
    %dma_wait3A_289 = arith.constant 0 : i32
    %dma_wait3A_290 = arith.constant 0 : i32
    %dma_wait3A_291 = tpu.memref_slice %arg7[%dma_wait3A_288, %dma_wait3A_289, %dma_wait3A_290] : memref<5x128x64xf32, #tpu.memory_space<vmem>> -> memref<1x128x64xf32, #tpu.memory_space<vmem>>
    %dma_wait3A_292 = tpu.memref_squeeze %dma_wait3A_291 : memref<1x128x64xf32, #tpu.memory_space<vmem>> -> memref<128x64xf32, #tpu.memory_space<vmem>>
    %dma_wait3A_293 = arith.constant 0 : i32
    %dma_wait3A_294 = tpu.memref_slice %arg5[%dma_wait3A_287, %dma_wait3A_293] : memref<50x128xi32, #tpu.memory_space<vmem>> -> memref<1x128xi32, #tpu.memory_space<vmem>>
    %dma_wait3A_295 = tpu.memref_squeeze %dma_wait3A_294 : memref<1x128xi32, #tpu.memory_space<vmem>> -> memref<128xi32, #tpu.memory_space<vmem>>
    %dma_wait3A_296 = arith.constant 0 : i32
    %dma_wait3A_297 = arith.constant 0 : i32
    %dma_wait3A_298 = tpu.memref_slice %arg3[%dma_wait3A_296, %dma_wait3A_297] : memref<1000000x64xf32, #tpu.memory_space<hbm>> -> memref<1000000x64xf32, #tpu.memory_space<hbm>>
    tpu.wait_indirect_dma semaphore(%arg9 : memref<!tpu.dma_semaphore, #tpu.memory_space<semaphore_mem>>) src(%dma_wait3A_298 : memref<1000000x64xf32, #tpu.memory_space<hbm>>) dst(%dma_wait3A_292 : memref<128x64xf32, #tpu.memory_space<vmem>>)
    %dma_wait3A_299 = arith.constant 8 : i32
    %dma_wait3A_300 = arith.constant 3 : i32
    %dma_wait3A_301 = arith.constant 0 : i32
    %dma_wait3A_302 = arith.constant 0 : i32
    %dma_wait3A_303 = tpu.memref_slice %arg7[%dma_wait3A_300, %dma_wait3A_301, %dma_wait3A_302] : memref<5x128x64xf32, #tpu.memory_space<vmem>> -> memref<1x128x64xf32, #tpu.memory_space<vmem>>
    %dma_wait3A_304 = tpu.memref_squeeze %dma_wait3A_303 : memref<1x128x64xf32, #tpu.memory_space<vmem>> -> memref<128x64xf32, #tpu.memory_space<vmem>>
    %dma_wait3A_305 = arith.constant 0 : i32
    %dma_wait3A_306 = tpu.memref_slice %arg5[%dma_wait3A_299, %dma_wait3A_305] : memref<50x128xi32, #tpu.memory_space<vmem>> -> memref<1x128xi32, #tpu.memory_space<vmem>>
    %dma_wait3A_307 = tpu.memref_squeeze %dma_wait3A_306 : memref<1x128xi32, #tpu.memory_space<vmem>> -> memref<128xi32, #tpu.memory_space<vmem>>
    %dma_wait3A_308 = arith.constant 0 : i32
    %dma_wait3A_309 = arith.constant 0 : i32
    %dma_wait3A_310 = tpu.memref_slice %arg3[%dma_wait3A_308, %dma_wait3A_309] : memref<1000000x64xf32, #tpu.memory_space<hbm>> -> memref<1000000x64xf32, #tpu.memory_space<hbm>>
    tpu.wait_indirect_dma semaphore(%arg9 : memref<!tpu.dma_semaphore, #tpu.memory_space<semaphore_mem>>) src(%dma_wait3A_310 : memref<1000000x64xf32, #tpu.memory_space<hbm>>) dst(%dma_wait3A_304 : memref<128x64xf32, #tpu.memory_space<vmem>>)
    %dma_wait3A_311 = arith.constant 9 : i32
    %dma_wait3A_312 = arith.constant 4 : i32
    %dma_wait3A_313 = arith.constant 0 : i32
    %dma_wait3A_314 = arith.constant 0 : i32
    %dma_wait3A_315 = tpu.memref_slice %arg7[%dma_wait3A_312, %dma_wait3A_313, %dma_wait3A_314] : memref<5x128x64xf32, #tpu.memory_space<vmem>> -> memref<1x128x64xf32, #tpu.memory_space<vmem>>
    %dma_wait3A_316 = tpu.memref_squeeze %dma_wait3A_315 : memref<1x128x64xf32, #tpu.memory_space<vmem>> -> memref<128x64xf32, #tpu.memory_space<vmem>>
    %dma_wait3A_317 = arith.constant 0 : i32
    %dma_wait3A_318 = tpu.memref_slice %arg5[%dma_wait3A_311, %dma_wait3A_317] : memref<50x128xi32, #tpu.memory_space<vmem>> -> memref<1x128xi32, #tpu.memory_space<vmem>>
    %dma_wait3A_319 = tpu.memref_squeeze %dma_wait3A_318 : memref<1x128xi32, #tpu.memory_space<vmem>> -> memref<128xi32, #tpu.memory_space<vmem>>
    %dma_wait3A_320 = arith.constant 0 : i32
    %dma_wait3A_321 = arith.constant 0 : i32
    %dma_wait3A_322 = tpu.memref_slice %arg3[%dma_wait3A_320, %dma_wait3A_321] : memref<1000000x64xf32, #tpu.memory_space<hbm>> -> memref<1000000x64xf32, #tpu.memory_space<hbm>>
    tpu.wait_indirect_dma semaphore(%arg9 : memref<!tpu.dma_semaphore, #tpu.memory_space<semaphore_mem>>) src(%dma_wait3A_322 : memref<1000000x64xf32, #tpu.memory_space<hbm>>) dst(%dma_wait3A_316 : memref<128x64xf32, #tpu.memory_space<vmem>>)
    %mul3A_323 = arith.constant 10 : i32
    %mul3A_324 = arith.muli %add3A, %mul3A_323 : i32
    %add3A_325 = arith.constant 1 : i32
    %add3A_326 = arith.addi %mul3A_324, %add3A_325 : i32
    %dma_start3A_327 = arith.constant 0 : i32
    %dma_start3A_328 = arith.constant 0 : i32
    %dma_start3A_329 = arith.constant 0 : i32
    %dma_start3A_330 = tpu.memref_slice %arg4[%add3A_326, %dma_start3A_327, %dma_start3A_328, %dma_start3A_329] : memref<320x5x128x64xf32, #tpu.memory_space<hbm>> -> memref<1x5x128x64xf32, #tpu.memory_space<hbm>>
    %dma_start3A_331 = tpu.memref_squeeze %dma_start3A_330 : memref<1x5x128x64xf32, #tpu.memory_space<hbm>> -> memref<5x128x64xf32, #tpu.memory_space<hbm>>
    %dma_start3A_332 = arith.constant 0 : i32
    %dma_start3A_333 = arith.constant 0 : i32
    %dma_start3A_334 = arith.constant 0 : i32
    %dma_start3A_335 = tpu.memref_slice %arg4[%add3A_326, %dma_start3A_332, %dma_start3A_333, %dma_start3A_334] : memref<320x5x128x64xf32, #tpu.memory_space<hbm>> -> memref<1x5x128x64xf32, #tpu.memory_space<hbm>>
    %dma_start3A_336 = tpu.memref_squeeze %dma_start3A_335 : memref<1x5x128x64xf32, #tpu.memory_space<hbm>> -> memref<5x128x64xf32, #tpu.memory_space<hbm>>
    tpu.enqueue_dma source(%arg7 : memref<5x128x64xf32, #tpu.memory_space<vmem>>) target(%dma_start3A_336 : memref<5x128x64xf32, #tpu.memory_space<hbm>>) target_semaphore(%arg11 : memref<!tpu.dma_semaphore, #tpu.memory_space<semaphore_mem>>)
    %dma_wait3A_337 = arith.constant 0 : i32
    %dma_wait3A_338 = arith.constant 0 : i32
    %dma_wait3A_339 = arith.constant 0 : i32
    %dma_wait3A_340 = tpu.memref_slice %arg4[%add3A_326, %dma_wait3A_337, %dma_wait3A_338, %dma_wait3A_339] : memref<320x5x128x64xf32, #tpu.memory_space<hbm>> -> memref<1x5x128x64xf32, #tpu.memory_space<hbm>>
    %dma_wait3A_341 = tpu.memref_squeeze %dma_wait3A_340 : memref<1x5x128x64xf32, #tpu.memory_space<hbm>> -> memref<5x128x64xf32, #tpu.memory_space<hbm>>
    %dma_wait3A_342 = arith.constant 0 : i32
    %dma_wait3A_343 = arith.constant 0 : i32
    %dma_wait3A_344 = arith.constant 0 : i32
    %dma_wait3A_345 = tpu.memref_slice %arg4[%add3A_326, %dma_wait3A_342, %dma_wait3A_343, %dma_wait3A_344] : memref<320x5x128x64xf32, #tpu.memory_space<hbm>> -> memref<1x5x128x64xf32, #tpu.memory_space<hbm>>
    %dma_wait3A_346 = tpu.memref_squeeze %dma_wait3A_345 : memref<1x5x128x64xf32, #tpu.memory_space<hbm>> -> memref<5x128x64xf32, #tpu.memory_space<hbm>>
    tpu.wait_dma2 semaphore(%arg11 : memref<!tpu.dma_semaphore, #tpu.memory_space<semaphore_mem>>) src(%arg7 : memref<5x128x64xf32, #tpu.memory_space<vmem>>) dst(%dma_wait3A_346 : memref<5x128x64xf32, #tpu.memory_space<hbm>>)
    %dma_start3A_347 = arith.constant 15 : i32
    %dma_start3A_348 = arith.constant 0 : i32
    %dma_start3A_349 = arith.constant 0 : i32
    %dma_start3A_350 = arith.constant 0 : i32
    %dma_start3A_351 = tpu.memref_slice %arg7[%dma_start3A_348, %dma_start3A_349, %dma_start3A_350] : memref<5x128x64xf32, #tpu.memory_space<vmem>> -> memref<1x128x64xf32, #tpu.memory_space<vmem>>
    %dma_start3A_352 = tpu.memref_squeeze %dma_start3A_351 : memref<1x128x64xf32, #tpu.memory_space<vmem>> -> memref<128x64xf32, #tpu.memory_space<vmem>>
    %dma_start3A_353 = arith.constant 0 : i32
    %dma_start3A_354 = tpu.memref_slice %arg5[%dma_start3A_347, %dma_start3A_353] : memref<50x128xi32, #tpu.memory_space<vmem>> -> memref<1x128xi32, #tpu.memory_space<vmem>>
    %dma_start3A_355 = tpu.memref_squeeze %dma_start3A_354 : memref<1x128xi32, #tpu.memory_space<vmem>> -> memref<128xi32, #tpu.memory_space<vmem>>
    %dma_start3A_356 = arith.constant 0 : i32
    %dma_start3A_357 = arith.constant 0 : i32
    %dma_start3A_358 = tpu.memref_slice %arg3[%dma_start3A_356, %dma_start3A_357] : memref<1000000x64xf32, #tpu.memory_space<hbm>> -> memref<1000000x64xf32, #tpu.memory_space<hbm>>
    tpu.enqueue_indirect_dma source(%dma_start3A_358 : memref<1000000x64xf32, #tpu.memory_space<hbm>>) target(%dma_start3A_352 : memref<128x64xf32, #tpu.memory_space<vmem>>) offsets(%dma_start3A_355 : memref<128xi32, #tpu.memory_space<vmem>>) semaphore(%arg9 : memref<!tpu.dma_semaphore, #tpu.memory_space<semaphore_mem>>)
    %dma_start3A_359 = arith.constant 16 : i32
    %dma_start3A_360 = arith.constant 1 : i32
    %dma_start3A_361 = arith.constant 0 : i32
    %dma_start3A_362 = arith.constant 0 : i32
    %dma_start3A_363 = tpu.memref_slice %arg7[%dma_start3A_360, %dma_start3A_361, %dma_start3A_362] : memref<5x128x64xf32, #tpu.memory_space<vmem>> -> memref<1x128x64xf32, #tpu.memory_space<vmem>>
    %dma_start3A_364 = tpu.memref_squeeze %dma_start3A_363 : memref<1x128x64xf32, #tpu.memory_space<vmem>> -> memref<128x64xf32, #tpu.memory_space<vmem>>
    %dma_start3A_365 = arith.constant 0 : i32
    %dma_start3A_366 = tpu.memref_slice %arg5[%dma_start3A_359, %dma_start3A_365] : memref<50x128xi32, #tpu.memory_space<vmem>> -> memref<1x128xi32, #tpu.memory_space<vmem>>
    %dma_start3A_367 = tpu.memref_squeeze %dma_start3A_366 : memref<1x128xi32, #tpu.memory_space<vmem>> -> memref<128xi32, #tpu.memory_space<vmem>>
    %dma_start3A_368 = arith.constant 0 : i32
    %dma_start3A_369 = arith.constant 0 : i32
    %dma_start3A_370 = tpu.memref_slice %arg3[%dma_start3A_368, %dma_start3A_369] : memref<1000000x64xf32, #tpu.memory_space<hbm>> -> memref<1000000x64xf32, #tpu.memory_space<hbm>>
    tpu.enqueue_indirect_dma source(%dma_start3A_370 : memref<1000000x64xf32, #tpu.memory_space<hbm>>) target(%dma_start3A_364 : memref<128x64xf32, #tpu.memory_space<vmem>>) offsets(%dma_start3A_367 : memref<128xi32, #tpu.memory_space<vmem>>) semaphore(%arg9 : memref<!tpu.dma_semaphore, #tpu.memory_space<semaphore_mem>>)
    %dma_start3A_371 = arith.constant 17 : i32
    %dma_start3A_372 = arith.constant 2 : i32
    %dma_start3A_373 = arith.constant 0 : i32
    %dma_start3A_374 = arith.constant 0 : i32
    %dma_start3A_375 = tpu.memref_slice %arg7[%dma_start3A_372, %dma_start3A_373, %dma_start3A_374] : memref<5x128x64xf32, #tpu.memory_space<vmem>> -> memref<1x128x64xf32, #tpu.memory_space<vmem>>
    %dma_start3A_376 = tpu.memref_squeeze %dma_start3A_375 : memref<1x128x64xf32, #tpu.memory_space<vmem>> -> memref<128x64xf32, #tpu.memory_space<vmem>>
    %dma_start3A_377 = arith.constant 0 : i32
    %dma_start3A_378 = tpu.memref_slice %arg5[%dma_start3A_371, %dma_start3A_377] : memref<50x128xi32, #tpu.memory_space<vmem>> -> memref<1x128xi32, #tpu.memory_space<vmem>>
    %dma_start3A_379 = tpu.memref_squeeze %dma_start3A_378 : memref<1x128xi32, #tpu.memory_space<vmem>> -> memref<128xi32, #tpu.memory_space<vmem>>
    %dma_start3A_380 = arith.constant 0 : i32
    %dma_start3A_381 = arith.constant 0 : i32
    %dma_start3A_382 = tpu.memref_slice %arg3[%dma_start3A_380, %dma_start3A_381] : memref<1000000x64xf32, #tpu.memory_space<hbm>> -> memref<1000000x64xf32, #tpu.memory_space<hbm>>
    tpu.enqueue_indirect_dma source(%dma_start3A_382 : memref<1000000x64xf32, #tpu.memory_space<hbm>>) target(%dma_start3A_376 : memref<128x64xf32, #tpu.memory_space<vmem>>) offsets(%dma_start3A_379 : memref<128xi32, #tpu.memory_space<vmem>>) semaphore(%arg9 : memref<!tpu.dma_semaphore, #tpu.memory_space<semaphore_mem>>)
    %dma_start3A_383 = arith.constant 18 : i32
    %dma_start3A_384 = arith.constant 3 : i32
    %dma_start3A_385 = arith.constant 0 : i32
    %dma_start3A_386 = arith.constant 0 : i32
    %dma_start3A_387 = tpu.memref_slice %arg7[%dma_start3A_384, %dma_start3A_385, %dma_start3A_386] : memref<5x128x64xf32, #tpu.memory_space<vmem>> -> memref<1x128x64xf32, #tpu.memory_space<vmem>>
    %dma_start3A_388 = tpu.memref_squeeze %dma_start3A_387 : memref<1x128x64xf32, #tpu.memory_space<vmem>> -> memref<128x64xf32, #tpu.memory_space<vmem>>
    %dma_start3A_389 = arith.constant 0 : i32
    %dma_start3A_390 = tpu.memref_slice %arg5[%dma_start3A_383, %dma_start3A_389] : memref<50x128xi32, #tpu.memory_space<vmem>> -> memref<1x128xi32, #tpu.memory_space<vmem>>
    %dma_start3A_391 = tpu.memref_squeeze %dma_start3A_390 : memref<1x128xi32, #tpu.memory_space<vmem>> -> memref<128xi32, #tpu.memory_space<vmem>>
    %dma_start3A_392 = arith.constant 0 : i32
    %dma_start3A_393 = arith.constant 0 : i32
    %dma_start3A_394 = tpu.memref_slice %arg3[%dma_start3A_392, %dma_start3A_393] : memref<1000000x64xf32, #tpu.memory_space<hbm>> -> memref<1000000x64xf32, #tpu.memory_space<hbm>>
    tpu.enqueue_indirect_dma source(%dma_start3A_394 : memref<1000000x64xf32, #tpu.memory_space<hbm>>) target(%dma_start3A_388 : memref<128x64xf32, #tpu.memory_space<vmem>>) offsets(%dma_start3A_391 : memref<128xi32, #tpu.memory_space<vmem>>) semaphore(%arg9 : memref<!tpu.dma_semaphore, #tpu.memory_space<semaphore_mem>>)
    %dma_start3A_395 = arith.constant 19 : i32
    %dma_start3A_396 = arith.constant 4 : i32
    %dma_start3A_397 = arith.constant 0 : i32
    %dma_start3A_398 = arith.constant 0 : i32
    %dma_start3A_399 = tpu.memref_slice %arg7[%dma_start3A_396, %dma_start3A_397, %dma_start3A_398] : memref<5x128x64xf32, #tpu.memory_space<vmem>> -> memref<1x128x64xf32, #tpu.memory_space<vmem>>
    %dma_start3A_400 = tpu.memref_squeeze %dma_start3A_399 : memref<1x128x64xf32, #tpu.memory_space<vmem>> -> memref<128x64xf32, #tpu.memory_space<vmem>>
    %dma_start3A_401 = arith.constant 0 : i32
    %dma_start3A_402 = tpu.memref_slice %arg5[%dma_start3A_395, %dma_start3A_401] : memref<50x128xi32, #tpu.memory_space<vmem>> -> memref<1x128xi32, #tpu.memory_space<vmem>>
    %dma_start3A_403 = tpu.memref_squeeze %dma_start3A_402 : memref<1x128xi32, #tpu.memory_space<vmem>> -> memref<128xi32, #tpu.memory_space<vmem>>
    %dma_start3A_404 = arith.constant 0 : i32
    %dma_start3A_405 = arith.constant 0 : i32
    %dma_start3A_406 = tpu.memref_slice %arg3[%dma_start3A_404, %dma_start3A_405] : memref<1000000x64xf32, #tpu.memory_space<hbm>> -> memref<1000000x64xf32, #tpu.memory_space<hbm>>
    tpu.enqueue_indirect_dma source(%dma_start3A_406 : memref<1000000x64xf32, #tpu.memory_space<hbm>>) target(%dma_start3A_400 : memref<128x64xf32, #tpu.memory_space<vmem>>) offsets(%dma_start3A_403 : memref<128xi32, #tpu.memory_space<vmem>>) semaphore(%arg9 : memref<!tpu.dma_semaphore, #tpu.memory_space<semaphore_mem>>)
    %dma_wait3A_407 = arith.constant 10 : i32
    %dma_wait3A_408 = arith.constant 0 : i32
    %dma_wait3A_409 = arith.constant 0 : i32
    %dma_wait3A_410 = arith.constant 0 : i32
    %dma_wait3A_411 = tpu.memref_slice %arg6[%dma_wait3A_408, %dma_wait3A_409, %dma_wait3A_410] : memref<5x128x64xf32, #tpu.memory_space<vmem>> -> memref<1x128x64xf32, #tpu.memory_space<vmem>>
    %dma_wait3A_412 = tpu.memref_squeeze %dma_wait3A_411 : memref<1x128x64xf32, #tpu.memory_space<vmem>> -> memref<128x64xf32, #tpu.memory_space<vmem>>
    %dma_wait3A_413 = arith.constant 0 : i32
    %dma_wait3A_414 = tpu.memref_slice %arg5[%dma_wait3A_407, %dma_wait3A_413] : memref<50x128xi32, #tpu.memory_space<vmem>> -> memref<1x128xi32, #tpu.memory_space<vmem>>
    %dma_wait3A_415 = tpu.memref_squeeze %dma_wait3A_414 : memref<1x128xi32, #tpu.memory_space<vmem>> -> memref<128xi32, #tpu.memory_space<vmem>>
    %dma_wait3A_416 = arith.constant 0 : i32
    %dma_wait3A_417 = arith.constant 0 : i32
    %dma_wait3A_418 = tpu.memref_slice %arg3[%dma_wait3A_416, %dma_wait3A_417] : memref<1000000x64xf32, #tpu.memory_space<hbm>> -> memref<1000000x64xf32, #tpu.memory_space<hbm>>
    tpu.wait_indirect_dma semaphore(%arg8 : memref<!tpu.dma_semaphore, #tpu.memory_space<semaphore_mem>>) src(%dma_wait3A_418 : memref<1000000x64xf32, #tpu.memory_space<hbm>>) dst(%dma_wait3A_412 : memref<128x64xf32, #tpu.memory_space<vmem>>)
    %dma_wait3A_419 = arith.constant 11 : i32
    %dma_wait3A_420 = arith.constant 1 : i32
    %dma_wait3A_421 = arith.constant 0 : i32
    %dma_wait3A_422 = arith.constant 0 : i32
    %dma_wait3A_423 = tpu.memref_slice %arg6[%dma_wait3A_420, %dma_wait3A_421, %dma_wait3A_422] : memref<5x128x64xf32, #tpu.memory_space<vmem>> -> memref<1x128x64xf32, #tpu.memory_space<vmem>>
    %dma_wait3A_424 = tpu.memref_squeeze %dma_wait3A_423 : memref<1x128x64xf32, #tpu.memory_space<vmem>> -> memref<128x64xf32, #tpu.memory_space<vmem>>
    %dma_wait3A_425 = arith.constant 0 : i32
    %dma_wait3A_426 = tpu.memref_slice %arg5[%dma_wait3A_419, %dma_wait3A_425] : memref<50x128xi32, #tpu.memory_space<vmem>> -> memref<1x128xi32, #tpu.memory_space<vmem>>
    %dma_wait3A_427 = tpu.memref_squeeze %dma_wait3A_426 : memref<1x128xi32, #tpu.memory_space<vmem>> -> memref<128xi32, #tpu.memory_space<vmem>>
    %dma_wait3A_428 = arith.constant 0 : i32
    %dma_wait3A_429 = arith.constant 0 : i32
    %dma_wait3A_430 = tpu.memref_slice %arg3[%dma_wait3A_428, %dma_wait3A_429] : memref<1000000x64xf32, #tpu.memory_space<hbm>> -> memref<1000000x64xf32, #tpu.memory_space<hbm>>
    tpu.wait_indirect_dma semaphore(%arg8 : memref<!tpu.dma_semaphore, #tpu.memory_space<semaphore_mem>>) src(%dma_wait3A_430 : memref<1000000x64xf32, #tpu.memory_space<hbm>>) dst(%dma_wait3A_424 : memref<128x64xf32, #tpu.memory_space<vmem>>)
    %dma_wait3A_431 = arith.constant 12 : i32
    %dma_wait3A_432 = arith.constant 2 : i32
    %dma_wait3A_433 = arith.constant 0 : i32
    %dma_wait3A_434 = arith.constant 0 : i32
    %dma_wait3A_435 = tpu.memref_slice %arg6[%dma_wait3A_432, %dma_wait3A_433, %dma_wait3A_434] : memref<5x128x64xf32, #tpu.memory_space<vmem>> -> memref<1x128x64xf32, #tpu.memory_space<vmem>>
    %dma_wait3A_436 = tpu.memref_squeeze %dma_wait3A_435 : memref<1x128x64xf32, #tpu.memory_space<vmem>> -> memref<128x64xf32, #tpu.memory_space<vmem>>
    %dma_wait3A_437 = arith.constant 0 : i32
    %dma_wait3A_438 = tpu.memref_slice %arg5[%dma_wait3A_431, %dma_wait3A_437] : memref<50x128xi32, #tpu.memory_space<vmem>> -> memref<1x128xi32, #tpu.memory_space<vmem>>
    %dma_wait3A_439 = tpu.memref_squeeze %dma_wait3A_438 : memref<1x128xi32, #tpu.memory_space<vmem>> -> memref<128xi32, #tpu.memory_space<vmem>>
    %dma_wait3A_440 = arith.constant 0 : i32
    %dma_wait3A_441 = arith.constant 0 : i32
    %dma_wait3A_442 = tpu.memref_slice %arg3[%dma_wait3A_440, %dma_wait3A_441] : memref<1000000x64xf32, #tpu.memory_space<hbm>> -> memref<1000000x64xf32, #tpu.memory_space<hbm>>
    tpu.wait_indirect_dma semaphore(%arg8 : memref<!tpu.dma_semaphore, #tpu.memory_space<semaphore_mem>>) src(%dma_wait3A_442 : memref<1000000x64xf32, #tpu.memory_space<hbm>>) dst(%dma_wait3A_436 : memref<128x64xf32, #tpu.memory_space<vmem>>)
    %dma_wait3A_443 = arith.constant 13 : i32
    %dma_wait3A_444 = arith.constant 3 : i32
    %dma_wait3A_445 = arith.constant 0 : i32
    %dma_wait3A_446 = arith.constant 0 : i32
    %dma_wait3A_447 = tpu.memref_slice %arg6[%dma_wait3A_444, %dma_wait3A_445, %dma_wait3A_446] : memref<5x128x64xf32, #tpu.memory_space<vmem>> -> memref<1x128x64xf32, #tpu.memory_space<vmem>>
    %dma_wait3A_448 = tpu.memref_squeeze %dma_wait3A_447 : memref<1x128x64xf32, #tpu.memory_space<vmem>> -> memref<128x64xf32, #tpu.memory_space<vmem>>
    %dma_wait3A_449 = arith.constant 0 : i32
    %dma_wait3A_450 = tpu.memref_slice %arg5[%dma_wait3A_443, %dma_wait3A_449] : memref<50x128xi32, #tpu.memory_space<vmem>> -> memref<1x128xi32, #tpu.memory_space<vmem>>
    %dma_wait3A_451 = tpu.memref_squeeze %dma_wait3A_450 : memref<1x128xi32, #tpu.memory_space<vmem>> -> memref<128xi32, #tpu.memory_space<vmem>>
    %dma_wait3A_452 = arith.constant 0 : i32
    %dma_wait3A_453 = arith.constant 0 : i32
    %dma_wait3A_454 = tpu.memref_slice %arg3[%dma_wait3A_452, %dma_wait3A_453] : memref<1000000x64xf32, #tpu.memory_space<hbm>> -> memref<1000000x64xf32, #tpu.memory_space<hbm>>
    tpu.wait_indirect_dma semaphore(%arg8 : memref<!tpu.dma_semaphore, #tpu.memory_space<semaphore_mem>>) src(%dma_wait3A_454 : memref<1000000x64xf32, #tpu.memory_space<hbm>>) dst(%dma_wait3A_448 : memref<128x64xf32, #tpu.memory_space<vmem>>)
    %dma_wait3A_455 = arith.constant 14 : i32
    %dma_wait3A_456 = arith.constant 4 : i32
    %dma_wait3A_457 = arith.constant 0 : i32
    %dma_wait3A_458 = arith.constant 0 : i32
    %dma_wait3A_459 = tpu.memref_slice %arg6[%dma_wait3A_456, %dma_wait3A_457, %dma_wait3A_458] : memref<5x128x64xf32, #tpu.memory_space<vmem>> -> memref<1x128x64xf32, #tpu.memory_space<vmem>>
    %dma_wait3A_460 = tpu.memref_squeeze %dma_wait3A_459 : memref<1x128x64xf32, #tpu.memory_space<vmem>> -> memref<128x64xf32, #tpu.memory_space<vmem>>
    %dma_wait3A_461 = arith.constant 0 : i32
    %dma_wait3A_462 = tpu.memref_slice %arg5[%dma_wait3A_455, %dma_wait3A_461] : memref<50x128xi32, #tpu.memory_space<vmem>> -> memref<1x128xi32, #tpu.memory_space<vmem>>
    %dma_wait3A_463 = tpu.memref_squeeze %dma_wait3A_462 : memref<1x128xi32, #tpu.memory_space<vmem>> -> memref<128xi32, #tpu.memory_space<vmem>>
    %dma_wait3A_464 = arith.constant 0 : i32
    %dma_wait3A_465 = arith.constant 0 : i32
    %dma_wait3A_466 = tpu.memref_slice %arg3[%dma_wait3A_464, %dma_wait3A_465] : memref<1000000x64xf32, #tpu.memory_space<hbm>> -> memref<1000000x64xf32, #tpu.memory_space<hbm>>
    tpu.wait_indirect_dma semaphore(%arg8 : memref<!tpu.dma_semaphore, #tpu.memory_space<semaphore_mem>>) src(%dma_wait3A_466 : memref<1000000x64xf32, #tpu.memory_space<hbm>>) dst(%dma_wait3A_460 : memref<128x64xf32, #tpu.memory_space<vmem>>)
    %mul3A_467 = arith.constant 10 : i32
    %mul3A_468 = arith.muli %add3A, %mul3A_467 : i32
    %add3A_469 = arith.constant 2 : i32
    %add3A_470 = arith.addi %mul3A_468, %add3A_469 : i32
    %dma_start3A_471 = arith.constant 0 : i32
    %dma_start3A_472 = arith.constant 0 : i32
    %dma_start3A_473 = arith.constant 0 : i32
    %dma_start3A_474 = tpu.memref_slice %arg4[%add3A_470, %dma_start3A_471, %dma_start3A_472, %dma_start3A_473] : memref<320x5x128x64xf32, #tpu.memory_space<hbm>> -> memref<1x5x128x64xf32, #tpu.memory_space<hbm>>
    %dma_start3A_475 = tpu.memref_squeeze %dma_start3A_474 : memref<1x5x128x64xf32, #tpu.memory_space<hbm>> -> memref<5x128x64xf32, #tpu.memory_space<hbm>>
    %dma_start3A_476 = arith.constant 0 : i32
    %dma_start3A_477 = arith.constant 0 : i32
    %dma_start3A_478 = arith.constant 0 : i32
    %dma_start3A_479 = tpu.memref_slice %arg4[%add3A_470, %dma_start3A_476, %dma_start3A_477, %dma_start3A_478] : memref<320x5x128x64xf32, #tpu.memory_space<hbm>> -> memref<1x5x128x64xf32, #tpu.memory_space<hbm>>
    %dma_start3A_480 = tpu.memref_squeeze %dma_start3A_479 : memref<1x5x128x64xf32, #tpu.memory_space<hbm>> -> memref<5x128x64xf32, #tpu.memory_space<hbm>>
    tpu.enqueue_dma source(%arg6 : memref<5x128x64xf32, #tpu.memory_space<vmem>>) target(%dma_start3A_480 : memref<5x128x64xf32, #tpu.memory_space<hbm>>) target_semaphore(%arg10 : memref<!tpu.dma_semaphore, #tpu.memory_space<semaphore_mem>>)
    %dma_wait3A_481 = arith.constant 0 : i32
    %dma_wait3A_482 = arith.constant 0 : i32
    %dma_wait3A_483 = arith.constant 0 : i32
    %dma_wait3A_484 = tpu.memref_slice %arg4[%add3A_470, %dma_wait3A_481, %dma_wait3A_482, %dma_wait3A_483] : memref<320x5x128x64xf32, #tpu.memory_space<hbm>> -> memref<1x5x128x64xf32, #tpu.memory_space<hbm>>
    %dma_wait3A_485 = tpu.memref_squeeze %dma_wait3A_484 : memref<1x5x128x64xf32, #tpu.memory_space<hbm>> -> memref<5x128x64xf32, #tpu.memory_space<hbm>>
    %dma_wait3A_486 = arith.constant 0 : i32
    %dma_wait3A_487 = arith.constant 0 : i32
    %dma_wait3A_488 = arith.constant 0 : i32
    %dma_wait3A_489 = tpu.memref_slice %arg4[%add3A_470, %dma_wait3A_486, %dma_wait3A_487, %dma_wait3A_488] : memref<320x5x128x64xf32, #tpu.memory_space<hbm>> -> memref<1x5x128x64xf32, #tpu.memory_space<hbm>>
    %dma_wait3A_490 = tpu.memref_squeeze %dma_wait3A_489 : memref<1x5x128x64xf32, #tpu.memory_space<hbm>> -> memref<5x128x64xf32, #tpu.memory_space<hbm>>
    tpu.wait_dma2 semaphore(%arg10 : memref<!tpu.dma_semaphore, #tpu.memory_space<semaphore_mem>>) src(%arg6 : memref<5x128x64xf32, #tpu.memory_space<vmem>>) dst(%dma_wait3A_490 : memref<5x128x64xf32, #tpu.memory_space<hbm>>)
    %dma_start3A_491 = arith.constant 20 : i32
    %dma_start3A_492 = arith.constant 0 : i32
    %dma_start3A_493 = arith.constant 0 : i32
    %dma_start3A_494 = arith.constant 0 : i32
    %dma_start3A_495 = tpu.memref_slice %arg6[%dma_start3A_492, %dma_start3A_493, %dma_start3A_494] : memref<5x128x64xf32, #tpu.memory_space<vmem>> -> memref<1x128x64xf32, #tpu.memory_space<vmem>>
    %dma_start3A_496 = tpu.memref_squeeze %dma_start3A_495 : memref<1x128x64xf32, #tpu.memory_space<vmem>> -> memref<128x64xf32, #tpu.memory_space<vmem>>
    %dma_start3A_497 = arith.constant 0 : i32
    %dma_start3A_498 = tpu.memref_slice %arg5[%dma_start3A_491, %dma_start3A_497] : memref<50x128xi32, #tpu.memory_space<vmem>> -> memref<1x128xi32, #tpu.memory_space<vmem>>
    %dma_start3A_499 = tpu.memref_squeeze %dma_start3A_498 : memref<1x128xi32, #tpu.memory_space<vmem>> -> memref<128xi32, #tpu.memory_space<vmem>>
    %dma_start3A_500 = arith.constant 0 : i32
    %dma_start3A_501 = arith.constant 0 : i32
    %dma_start3A_502 = tpu.memref_slice %arg3[%dma_start3A_500, %dma_start3A_501] : memref<1000000x64xf32, #tpu.memory_space<hbm>> -> memref<1000000x64xf32, #tpu.memory_space<hbm>>
    tpu.enqueue_indirect_dma source(%dma_start3A_502 : memref<1000000x64xf32, #tpu.memory_space<hbm>>) target(%dma_start3A_496 : memref<128x64xf32, #tpu.memory_space<vmem>>) offsets(%dma_start3A_499 : memref<128xi32, #tpu.memory_space<vmem>>) semaphore(%arg8 : memref<!tpu.dma_semaphore, #tpu.memory_space<semaphore_mem>>)
    %dma_start3A_503 = arith.constant 21 : i32
    %dma_start3A_504 = arith.constant 1 : i32
    %dma_start3A_505 = arith.constant 0 : i32
    %dma_start3A_506 = arith.constant 0 : i32
    %dma_start3A_507 = tpu.memref_slice %arg6[%dma_start3A_504, %dma_start3A_505, %dma_start3A_506] : memref<5x128x64xf32, #tpu.memory_space<vmem>> -> memref<1x128x64xf32, #tpu.memory_space<vmem>>
    %dma_start3A_508 = tpu.memref_squeeze %dma_start3A_507 : memref<1x128x64xf32, #tpu.memory_space<vmem>> -> memref<128x64xf32, #tpu.memory_space<vmem>>
    %dma_start3A_509 = arith.constant 0 : i32
    %dma_start3A_510 = tpu.memref_slice %arg5[%dma_start3A_503, %dma_start3A_509] : memref<50x128xi32, #tpu.memory_space<vmem>> -> memref<1x128xi32, #tpu.memory_space<vmem>>
    %dma_start3A_511 = tpu.memref_squeeze %dma_start3A_510 : memref<1x128xi32, #tpu.memory_space<vmem>> -> memref<128xi32, #tpu.memory_space<vmem>>
    %dma_start3A_512 = arith.constant 0 : i32
    %dma_start3A_513 = arith.constant 0 : i32
    %dma_start3A_514 = tpu.memref_slice %arg3[%dma_start3A_512, %dma_start3A_513] : memref<1000000x64xf32, #tpu.memory_space<hbm>> -> memref<1000000x64xf32, #tpu.memory_space<hbm>>
    tpu.enqueue_indirect_dma source(%dma_start3A_514 : memref<1000000x64xf32, #tpu.memory_space<hbm>>) target(%dma_start3A_508 : memref<128x64xf32, #tpu.memory_space<vmem>>) offsets(%dma_start3A_511 : memref<128xi32, #tpu.memory_space<vmem>>) semaphore(%arg8 : memref<!tpu.dma_semaphore, #tpu.memory_space<semaphore_mem>>)
    %dma_start3A_515 = arith.constant 22 : i32
    %dma_start3A_516 = arith.constant 2 : i32
    %dma_start3A_517 = arith.constant 0 : i32
    %dma_start3A_518 = arith.constant 0 : i32
    %dma_start3A_519 = tpu.memref_slice %arg6[%dma_start3A_516, %dma_start3A_517, %dma_start3A_518] : memref<5x128x64xf32, #tpu.memory_space<vmem>> -> memref<1x128x64xf32, #tpu.memory_space<vmem>>
    %dma_start3A_520 = tpu.memref_squeeze %dma_start3A_519 : memref<1x128x64xf32, #tpu.memory_space<vmem>> -> memref<128x64xf32, #tpu.memory_space<vmem>>
    %dma_start3A_521 = arith.constant 0 : i32
    %dma_start3A_522 = tpu.memref_slice %arg5[%dma_start3A_515, %dma_start3A_521] : memref<50x128xi32, #tpu.memory_space<vmem>> -> memref<1x128xi32, #tpu.memory_space<vmem>>
    %dma_start3A_523 = tpu.memref_squeeze %dma_start3A_522 : memref<1x128xi32, #tpu.memory_space<vmem>> -> memref<128xi32, #tpu.memory_space<vmem>>
    %dma_start3A_524 = arith.constant 0 : i32
    %dma_start3A_525 = arith.constant 0 : i32
    %dma_start3A_526 = tpu.memref_slice %arg3[%dma_start3A_524, %dma_start3A_525] : memref<1000000x64xf32, #tpu.memory_space<hbm>> -> memref<1000000x64xf32, #tpu.memory_space<hbm>>
    tpu.enqueue_indirect_dma source(%dma_start3A_526 : memref<1000000x64xf32, #tpu.memory_space<hbm>>) target(%dma_start3A_520 : memref<128x64xf32, #tpu.memory_space<vmem>>) offsets(%dma_start3A_523 : memref<128xi32, #tpu.memory_space<vmem>>) semaphore(%arg8 : memref<!tpu.dma_semaphore, #tpu.memory_space<semaphore_mem>>)
    %dma_start3A_527 = arith.constant 23 : i32
    %dma_start3A_528 = arith.constant 3 : i32
    %dma_start3A_529 = arith.constant 0 : i32
    %dma_start3A_530 = arith.constant 0 : i32
    %dma_start3A_531 = tpu.memref_slice %arg6[%dma_start3A_528, %dma_start3A_529, %dma_start3A_530] : memref<5x128x64xf32, #tpu.memory_space<vmem>> -> memref<1x128x64xf32, #tpu.memory_space<vmem>>
    %dma_start3A_532 = tpu.memref_squeeze %dma_start3A_531 : memref<1x128x64xf32, #tpu.memory_space<vmem>> -> memref<128x64xf32, #tpu.memory_space<vmem>>
    %dma_start3A_533 = arith.constant 0 : i32
    %dma_start3A_534 = tpu.memref_slice %arg5[%dma_start3A_527, %dma_start3A_533] : memref<50x128xi32, #tpu.memory_space<vmem>> -> memref<1x128xi32, #tpu.memory_space<vmem>>
    %dma_start3A_535 = tpu.memref_squeeze %dma_start3A_534 : memref<1x128xi32, #tpu.memory_space<vmem>> -> memref<128xi32, #tpu.memory_space<vmem>>
    %dma_start3A_536 = arith.constant 0 : i32
    %dma_start3A_537 = arith.constant 0 : i32
    %dma_start3A_538 = tpu.memref_slice %arg3[%dma_start3A_536, %dma_start3A_537] : memref<1000000x64xf32, #tpu.memory_space<hbm>> -> memref<1000000x64xf32, #tpu.memory_space<hbm>>
    tpu.enqueue_indirect_dma source(%dma_start3A_538 : memref<1000000x64xf32, #tpu.memory_space<hbm>>) target(%dma_start3A_532 : memref<128x64xf32, #tpu.memory_space<vmem>>) offsets(%dma_start3A_535 : memref<128xi32, #tpu.memory_space<vmem>>) semaphore(%arg8 : memref<!tpu.dma_semaphore, #tpu.memory_space<semaphore_mem>>)
    %dma_start3A_539 = arith.constant 24 : i32
    %dma_start3A_540 = arith.constant 4 : i32
    %dma_start3A_541 = arith.constant 0 : i32
    %dma_start3A_542 = arith.constant 0 : i32
    %dma_start3A_543 = tpu.memref_slice %arg6[%dma_start3A_540, %dma_start3A_541, %dma_start3A_542] : memref<5x128x64xf32, #tpu.memory_space<vmem>> -> memref<1x128x64xf32, #tpu.memory_space<vmem>>
    %dma_start3A_544 = tpu.memref_squeeze %dma_start3A_543 : memref<1x128x64xf32, #tpu.memory_space<vmem>> -> memref<128x64xf32, #tpu.memory_space<vmem>>
    %dma_start3A_545 = arith.constant 0 : i32
    %dma_start3A_546 = tpu.memref_slice %arg5[%dma_start3A_539, %dma_start3A_545] : memref<50x128xi32, #tpu.memory_space<vmem>> -> memref<1x128xi32, #tpu.memory_space<vmem>>
    %dma_start3A_547 = tpu.memref_squeeze %dma_start3A_546 : memref<1x128xi32, #tpu.memory_space<vmem>> -> memref<128xi32, #tpu.memory_space<vmem>>
    %dma_start3A_548 = arith.constant 0 : i32
    %dma_start3A_549 = arith.constant 0 : i32
    %dma_start3A_550 = tpu.memref_slice %arg3[%dma_start3A_548, %dma_start3A_549] : memref<1000000x64xf32, #tpu.memory_space<hbm>> -> memref<1000000x64xf32, #tpu.memory_space<hbm>>
    tpu.enqueue_indirect_dma source(%dma_start3A_550 : memref<1000000x64xf32, #tpu.memory_space<hbm>>) target(%dma_start3A_544 : memref<128x64xf32, #tpu.memory_space<vmem>>) offsets(%dma_start3A_547 : memref<128xi32, #tpu.memory_space<vmem>>) semaphore(%arg8 : memref<!tpu.dma_semaphore, #tpu.memory_space<semaphore_mem>>)
    %dma_wait3A_551 = arith.constant 15 : i32
    %dma_wait3A_552 = arith.constant 0 : i32
    %dma_wait3A_553 = arith.constant 0 : i32
    %dma_wait3A_554 = arith.constant 0 : i32
    %dma_wait3A_555 = tpu.memref_slice %arg7[%dma_wait3A_552, %dma_wait3A_553, %dma_wait3A_554] : memref<5x128x64xf32, #tpu.memory_space<vmem>> -> memref<1x128x64xf32, #tpu.memory_space<vmem>>
    %dma_wait3A_556 = tpu.memref_squeeze %dma_wait3A_555 : memref<1x128x64xf32, #tpu.memory_space<vmem>> -> memref<128x64xf32, #tpu.memory_space<vmem>>
    %dma_wait3A_557 = arith.constant 0 : i32
    %dma_wait3A_558 = tpu.memref_slice %arg5[%dma_wait3A_551, %dma_wait3A_557] : memref<50x128xi32, #tpu.memory_space<vmem>> -> memref<1x128xi32, #tpu.memory_space<vmem>>
    %dma_wait3A_559 = tpu.memref_squeeze %dma_wait3A_558 : memref<1x128xi32, #tpu.memory_space<vmem>> -> memref<128xi32, #tpu.memory_space<vmem>>
    %dma_wait3A_560 = arith.constant 0 : i32
    %dma_wait3A_561 = arith.constant 0 : i32
    %dma_wait3A_562 = tpu.memref_slice %arg3[%dma_wait3A_560, %dma_wait3A_561] : memref<1000000x64xf32, #tpu.memory_space<hbm>> -> memref<1000000x64xf32, #tpu.memory_space<hbm>>
    tpu.wait_indirect_dma semaphore(%arg9 : memref<!tpu.dma_semaphore, #tpu.memory_space<semaphore_mem>>) src(%dma_wait3A_562 : memref<1000000x64xf32, #tpu.memory_space<hbm>>) dst(%dma_wait3A_556 : memref<128x64xf32, #tpu.memory_space<vmem>>)
    %dma_wait3A_563 = arith.constant 16 : i32
    %dma_wait3A_564 = arith.constant 1 : i32
    %dma_wait3A_565 = arith.constant 0 : i32
    %dma_wait3A_566 = arith.constant 0 : i32
    %dma_wait3A_567 = tpu.memref_slice %arg7[%dma_wait3A_564, %dma_wait3A_565, %dma_wait3A_566] : memref<5x128x64xf32, #tpu.memory_space<vmem>> -> memref<1x128x64xf32, #tpu.memory_space<vmem>>
    %dma_wait3A_568 = tpu.memref_squeeze %dma_wait3A_567 : memref<1x128x64xf32, #tpu.memory_space<vmem>> -> memref<128x64xf32, #tpu.memory_space<vmem>>
    %dma_wait3A_569 = arith.constant 0 : i32
    %dma_wait3A_570 = tpu.memref_slice %arg5[%dma_wait3A_563, %dma_wait3A_569] : memref<50x128xi32, #tpu.memory_space<vmem>> -> memref<1x128xi32, #tpu.memory_space<vmem>>
    %dma_wait3A_571 = tpu.memref_squeeze %dma_wait3A_570 : memref<1x128xi32, #tpu.memory_space<vmem>> -> memref<128xi32, #tpu.memory_space<vmem>>
    %dma_wait3A_572 = arith.constant 0 : i32
    %dma_wait3A_573 = arith.constant 0 : i32
    %dma_wait3A_574 = tpu.memref_slice %arg3[%dma_wait3A_572, %dma_wait3A_573] : memref<1000000x64xf32, #tpu.memory_space<hbm>> -> memref<1000000x64xf32, #tpu.memory_space<hbm>>
    tpu.wait_indirect_dma semaphore(%arg9 : memref<!tpu.dma_semaphore, #tpu.memory_space<semaphore_mem>>) src(%dma_wait3A_574 : memref<1000000x64xf32, #tpu.memory_space<hbm>>) dst(%dma_wait3A_568 : memref<128x64xf32, #tpu.memory_space<vmem>>)
    %dma_wait3A_575 = arith.constant 17 : i32
    %dma_wait3A_576 = arith.constant 2 : i32
    %dma_wait3A_577 = arith.constant 0 : i32
    %dma_wait3A_578 = arith.constant 0 : i32
    %dma_wait3A_579 = tpu.memref_slice %arg7[%dma_wait3A_576, %dma_wait3A_577, %dma_wait3A_578] : memref<5x128x64xf32, #tpu.memory_space<vmem>> -> memref<1x128x64xf32, #tpu.memory_space<vmem>>
    %dma_wait3A_580 = tpu.memref_squeeze %dma_wait3A_579 : memref<1x128x64xf32, #tpu.memory_space<vmem>> -> memref<128x64xf32, #tpu.memory_space<vmem>>
    %dma_wait3A_581 = arith.constant 0 : i32
    %dma_wait3A_582 = tpu.memref_slice %arg5[%dma_wait3A_575, %dma_wait3A_581] : memref<50x128xi32, #tpu.memory_space<vmem>> -> memref<1x128xi32, #tpu.memory_space<vmem>>
    %dma_wait3A_583 = tpu.memref_squeeze %dma_wait3A_582 : memref<1x128xi32, #tpu.memory_space<vmem>> -> memref<128xi32, #tpu.memory_space<vmem>>
    %dma_wait3A_584 = arith.constant 0 : i32
    %dma_wait3A_585 = arith.constant 0 : i32
    %dma_wait3A_586 = tpu.memref_slice %arg3[%dma_wait3A_584, %dma_wait3A_585] : memref<1000000x64xf32, #tpu.memory_space<hbm>> -> memref<1000000x64xf32, #tpu.memory_space<hbm>>
    tpu.wait_indirect_dma semaphore(%arg9 : memref<!tpu.dma_semaphore, #tpu.memory_space<semaphore_mem>>) src(%dma_wait3A_586 : memref<1000000x64xf32, #tpu.memory_space<hbm>>) dst(%dma_wait3A_580 : memref<128x64xf32, #tpu.memory_space<vmem>>)
    %dma_wait3A_587 = arith.constant 18 : i32
    %dma_wait3A_588 = arith.constant 3 : i32
    %dma_wait3A_589 = arith.constant 0 : i32
    %dma_wait3A_590 = arith.constant 0 : i32
    %dma_wait3A_591 = tpu.memref_slice %arg7[%dma_wait3A_588, %dma_wait3A_589, %dma_wait3A_590] : memref<5x128x64xf32, #tpu.memory_space<vmem>> -> memref<1x128x64xf32, #tpu.memory_space<vmem>>
    %dma_wait3A_592 = tpu.memref_squeeze %dma_wait3A_591 : memref<1x128x64xf32, #tpu.memory_space<vmem>> -> memref<128x64xf32, #tpu.memory_space<vmem>>
    %dma_wait3A_593 = arith.constant 0 : i32
    %dma_wait3A_594 = tpu.memref_slice %arg5[%dma_wait3A_587, %dma_wait3A_593] : memref<50x128xi32, #tpu.memory_space<vmem>> -> memref<1x128xi32, #tpu.memory_space<vmem>>
    %dma_wait3A_595 = tpu.memref_squeeze %dma_wait3A_594 : memref<1x128xi32, #tpu.memory_space<vmem>> -> memref<128xi32, #tpu.memory_space<vmem>>
    %dma_wait3A_596 = arith.constant 0 : i32
    %dma_wait3A_597 = arith.constant 0 : i32
    %dma_wait3A_598 = tpu.memref_slice %arg3[%dma_wait3A_596, %dma_wait3A_597] : memref<1000000x64xf32, #tpu.memory_space<hbm>> -> memref<1000000x64xf32, #tpu.memory_space<hbm>>
    tpu.wait_indirect_dma semaphore(%arg9 : memref<!tpu.dma_semaphore, #tpu.memory_space<semaphore_mem>>) src(%dma_wait3A_598 : memref<1000000x64xf32, #tpu.memory_space<hbm>>) dst(%dma_wait3A_592 : memref<128x64xf32, #tpu.memory_space<vmem>>)
    %dma_wait3A_599 = arith.constant 19 : i32
    %dma_wait3A_600 = arith.constant 4 : i32
    %dma_wait3A_601 = arith.constant 0 : i32
    %dma_wait3A_602 = arith.constant 0 : i32
    %dma_wait3A_603 = tpu.memref_slice %arg7[%dma_wait3A_600, %dma_wait3A_601, %dma_wait3A_602] : memref<5x128x64xf32, #tpu.memory_space<vmem>> -> memref<1x128x64xf32, #tpu.memory_space<vmem>>
    %dma_wait3A_604 = tpu.memref_squeeze %dma_wait3A_603 : memref<1x128x64xf32, #tpu.memory_space<vmem>> -> memref<128x64xf32, #tpu.memory_space<vmem>>
    %dma_wait3A_605 = arith.constant 0 : i32
    %dma_wait3A_606 = tpu.memref_slice %arg5[%dma_wait3A_599, %dma_wait3A_605] : memref<50x128xi32, #tpu.memory_space<vmem>> -> memref<1x128xi32, #tpu.memory_space<vmem>>
    %dma_wait3A_607 = tpu.memref_squeeze %dma_wait3A_606 : memref<1x128xi32, #tpu.memory_space<vmem>> -> memref<128xi32, #tpu.memory_space<vmem>>
    %dma_wait3A_608 = arith.constant 0 : i32
    %dma_wait3A_609 = arith.constant 0 : i32
    %dma_wait3A_610 = tpu.memref_slice %arg3[%dma_wait3A_608, %dma_wait3A_609] : memref<1000000x64xf32, #tpu.memory_space<hbm>> -> memref<1000000x64xf32, #tpu.memory_space<hbm>>
    tpu.wait_indirect_dma semaphore(%arg9 : memref<!tpu.dma_semaphore, #tpu.memory_space<semaphore_mem>>) src(%dma_wait3A_610 : memref<1000000x64xf32, #tpu.memory_space<hbm>>) dst(%dma_wait3A_604 : memref<128x64xf32, #tpu.memory_space<vmem>>)
    %mul3A_611 = arith.constant 10 : i32
    %mul3A_612 = arith.muli %add3A, %mul3A_611 : i32
    %add3A_613 = arith.constant 3 : i32
    %add3A_614 = arith.addi %mul3A_612, %add3A_613 : i32
    %dma_start3A_615 = arith.constant 0 : i32
    %dma_start3A_616 = arith.constant 0 : i32
    %dma_start3A_617 = arith.constant 0 : i32
    %dma_start3A_618 = tpu.memref_slice %arg4[%add3A_614, %dma_start3A_615, %dma_start3A_616, %dma_start3A_617] : memref<320x5x128x64xf32, #tpu.memory_space<hbm>> -> memref<1x5x128x64xf32, #tpu.memory_space<hbm>>
    %dma_start3A_619 = tpu.memref_squeeze %dma_start3A_618 : memref<1x5x128x64xf32, #tpu.memory_space<hbm>> -> memref<5x128x64xf32, #tpu.memory_space<hbm>>
    %dma_start3A_620 = arith.constant 0 : i32
    %dma_start3A_621 = arith.constant 0 : i32
    %dma_start3A_622 = arith.constant 0 : i32
    %dma_start3A_623 = tpu.memref_slice %arg4[%add3A_614, %dma_start3A_620, %dma_start3A_621, %dma_start3A_622] : memref<320x5x128x64xf32, #tpu.memory_space<hbm>> -> memref<1x5x128x64xf32, #tpu.memory_space<hbm>>
    %dma_start3A_624 = tpu.memref_squeeze %dma_start3A_623 : memref<1x5x128x64xf32, #tpu.memory_space<hbm>> -> memref<5x128x64xf32, #tpu.memory_space<hbm>>
    tpu.enqueue_dma source(%arg7 : memref<5x128x64xf32, #tpu.memory_space<vmem>>) target(%dma_start3A_624 : memref<5x128x64xf32, #tpu.memory_space<hbm>>) target_semaphore(%arg11 : memref<!tpu.dma_semaphore, #tpu.memory_space<semaphore_mem>>)
    %dma_wait3A_625 = arith.constant 0 : i32
    %dma_wait3A_626 = arith.constant 0 : i32
    %dma_wait3A_627 = arith.constant 0 : i32
    %dma_wait3A_628 = tpu.memref_slice %arg4[%add3A_614, %dma_wait3A_625, %dma_wait3A_626, %dma_wait3A_627] : memref<320x5x128x64xf32, #tpu.memory_space<hbm>> -> memref<1x5x128x64xf32, #tpu.memory_space<hbm>>
    %dma_wait3A_629 = tpu.memref_squeeze %dma_wait3A_628 : memref<1x5x128x64xf32, #tpu.memory_space<hbm>> -> memref<5x128x64xf32, #tpu.memory_space<hbm>>
    %dma_wait3A_630 = arith.constant 0 : i32
    %dma_wait3A_631 = arith.constant 0 : i32
    %dma_wait3A_632 = arith.constant 0 : i32
    %dma_wait3A_633 = tpu.memref_slice %arg4[%add3A_614, %dma_wait3A_630, %dma_wait3A_631, %dma_wait3A_632] : memref<320x5x128x64xf32, #tpu.memory_space<hbm>> -> memref<1x5x128x64xf32, #tpu.memory_space<hbm>>
    %dma_wait3A_634 = tpu.memref_squeeze %dma_wait3A_633 : memref<1x5x128x64xf32, #tpu.memory_space<hbm>> -> memref<5x128x64xf32, #tpu.memory_space<hbm>>
    tpu.wait_dma2 semaphore(%arg11 : memref<!tpu.dma_semaphore, #tpu.memory_space<semaphore_mem>>) src(%arg7 : memref<5x128x64xf32, #tpu.memory_space<vmem>>) dst(%dma_wait3A_634 : memref<5x128x64xf32, #tpu.memory_space<hbm>>)
    %dma_start3A_635 = arith.constant 25 : i32
    %dma_start3A_636 = arith.constant 0 : i32
    %dma_start3A_637 = arith.constant 0 : i32
    %dma_start3A_638 = arith.constant 0 : i32
    %dma_start3A_639 = tpu.memref_slice %arg7[%dma_start3A_636, %dma_start3A_637, %dma_start3A_638] : memref<5x128x64xf32, #tpu.memory_space<vmem>> -> memref<1x128x64xf32, #tpu.memory_space<vmem>>
    %dma_start3A_640 = tpu.memref_squeeze %dma_start3A_639 : memref<1x128x64xf32, #tpu.memory_space<vmem>> -> memref<128x64xf32, #tpu.memory_space<vmem>>
    %dma_start3A_641 = arith.constant 0 : i32
    %dma_start3A_642 = tpu.memref_slice %arg5[%dma_start3A_635, %dma_start3A_641] : memref<50x128xi32, #tpu.memory_space<vmem>> -> memref<1x128xi32, #tpu.memory_space<vmem>>
    %dma_start3A_643 = tpu.memref_squeeze %dma_start3A_642 : memref<1x128xi32, #tpu.memory_space<vmem>> -> memref<128xi32, #tpu.memory_space<vmem>>
    %dma_start3A_644 = arith.constant 0 : i32
    %dma_start3A_645 = arith.constant 0 : i32
    %dma_start3A_646 = tpu.memref_slice %arg3[%dma_start3A_644, %dma_start3A_645] : memref<1000000x64xf32, #tpu.memory_space<hbm>> -> memref<1000000x64xf32, #tpu.memory_space<hbm>>
    tpu.enqueue_indirect_dma source(%dma_start3A_646 : memref<1000000x64xf32, #tpu.memory_space<hbm>>) target(%dma_start3A_640 : memref<128x64xf32, #tpu.memory_space<vmem>>) offsets(%dma_start3A_643 : memref<128xi32, #tpu.memory_space<vmem>>) semaphore(%arg9 : memref<!tpu.dma_semaphore, #tpu.memory_space<semaphore_mem>>)
    %dma_start3A_647 = arith.constant 26 : i32
    %dma_start3A_648 = arith.constant 1 : i32
    %dma_start3A_649 = arith.constant 0 : i32
    %dma_start3A_650 = arith.constant 0 : i32
    %dma_start3A_651 = tpu.memref_slice %arg7[%dma_start3A_648, %dma_start3A_649, %dma_start3A_650] : memref<5x128x64xf32, #tpu.memory_space<vmem>> -> memref<1x128x64xf32, #tpu.memory_space<vmem>>
    %dma_start3A_652 = tpu.memref_squeeze %dma_start3A_651 : memref<1x128x64xf32, #tpu.memory_space<vmem>> -> memref<128x64xf32, #tpu.memory_space<vmem>>
    %dma_start3A_653 = arith.constant 0 : i32
    %dma_start3A_654 = tpu.memref_slice %arg5[%dma_start3A_647, %dma_start3A_653] : memref<50x128xi32, #tpu.memory_space<vmem>> -> memref<1x128xi32, #tpu.memory_space<vmem>>
    %dma_start3A_655 = tpu.memref_squeeze %dma_start3A_654 : memref<1x128xi32, #tpu.memory_space<vmem>> -> memref<128xi32, #tpu.memory_space<vmem>>
    %dma_start3A_656 = arith.constant 0 : i32
    %dma_start3A_657 = arith.constant 0 : i32
    %dma_start3A_658 = tpu.memref_slice %arg3[%dma_start3A_656, %dma_start3A_657] : memref<1000000x64xf32, #tpu.memory_space<hbm>> -> memref<1000000x64xf32, #tpu.memory_space<hbm>>
    tpu.enqueue_indirect_dma source(%dma_start3A_658 : memref<1000000x64xf32, #tpu.memory_space<hbm>>) target(%dma_start3A_652 : memref<128x64xf32, #tpu.memory_space<vmem>>) offsets(%dma_start3A_655 : memref<128xi32, #tpu.memory_space<vmem>>) semaphore(%arg9 : memref<!tpu.dma_semaphore, #tpu.memory_space<semaphore_mem>>)
    %dma_start3A_659 = arith.constant 27 : i32
    %dma_start3A_660 = arith.constant 2 : i32
    %dma_start3A_661 = arith.constant 0 : i32
    %dma_start3A_662 = arith.constant 0 : i32
    %dma_start3A_663 = tpu.memref_slice %arg7[%dma_start3A_660, %dma_start3A_661, %dma_start3A_662] : memref<5x128x64xf32, #tpu.memory_space<vmem>> -> memref<1x128x64xf32, #tpu.memory_space<vmem>>
    %dma_start3A_664 = tpu.memref_squeeze %dma_start3A_663 : memref<1x128x64xf32, #tpu.memory_space<vmem>> -> memref<128x64xf32, #tpu.memory_space<vmem>>
    %dma_start3A_665 = arith.constant 0 : i32
    %dma_start3A_666 = tpu.memref_slice %arg5[%dma_start3A_659, %dma_start3A_665] : memref<50x128xi32, #tpu.memory_space<vmem>> -> memref<1x128xi32, #tpu.memory_space<vmem>>
    %dma_start3A_667 = tpu.memref_squeeze %dma_start3A_666 : memref<1x128xi32, #tpu.memory_space<vmem>> -> memref<128xi32, #tpu.memory_space<vmem>>
    %dma_start3A_668 = arith.constant 0 : i32
    %dma_start3A_669 = arith.constant 0 : i32
    %dma_start3A_670 = tpu.memref_slice %arg3[%dma_start3A_668, %dma_start3A_669] : memref<1000000x64xf32, #tpu.memory_space<hbm>> -> memref<1000000x64xf32, #tpu.memory_space<hbm>>
    tpu.enqueue_indirect_dma source(%dma_start3A_670 : memref<1000000x64xf32, #tpu.memory_space<hbm>>) target(%dma_start3A_664 : memref<128x64xf32, #tpu.memory_space<vmem>>) offsets(%dma_start3A_667 : memref<128xi32, #tpu.memory_space<vmem>>) semaphore(%arg9 : memref<!tpu.dma_semaphore, #tpu.memory_space<semaphore_mem>>)
    %dma_start3A_671 = arith.constant 28 : i32
    %dma_start3A_672 = arith.constant 3 : i32
    %dma_start3A_673 = arith.constant 0 : i32
    %dma_start3A_674 = arith.constant 0 : i32
    %dma_start3A_675 = tpu.memref_slice %arg7[%dma_start3A_672, %dma_start3A_673, %dma_start3A_674] : memref<5x128x64xf32, #tpu.memory_space<vmem>> -> memref<1x128x64xf32, #tpu.memory_space<vmem>>
    %dma_start3A_676 = tpu.memref_squeeze %dma_start3A_675 : memref<1x128x64xf32, #tpu.memory_space<vmem>> -> memref<128x64xf32, #tpu.memory_space<vmem>>
    %dma_start3A_677 = arith.constant 0 : i32
    %dma_start3A_678 = tpu.memref_slice %arg5[%dma_start3A_671, %dma_start3A_677] : memref<50x128xi32, #tpu.memory_space<vmem>> -> memref<1x128xi32, #tpu.memory_space<vmem>>
    %dma_start3A_679 = tpu.memref_squeeze %dma_start3A_678 : memref<1x128xi32, #tpu.memory_space<vmem>> -> memref<128xi32, #tpu.memory_space<vmem>>
    %dma_start3A_680 = arith.constant 0 : i32
    %dma_start3A_681 = arith.constant 0 : i32
    %dma_start3A_682 = tpu.memref_slice %arg3[%dma_start3A_680, %dma_start3A_681] : memref<1000000x64xf32, #tpu.memory_space<hbm>> -> memref<1000000x64xf32, #tpu.memory_space<hbm>>
    tpu.enqueue_indirect_dma source(%dma_start3A_682 : memref<1000000x64xf32, #tpu.memory_space<hbm>>) target(%dma_start3A_676 : memref<128x64xf32, #tpu.memory_space<vmem>>) offsets(%dma_start3A_679 : memref<128xi32, #tpu.memory_space<vmem>>) semaphore(%arg9 : memref<!tpu.dma_semaphore, #tpu.memory_space<semaphore_mem>>)
    %dma_start3A_683 = arith.constant 29 : i32
    %dma_start3A_684 = arith.constant 4 : i32
    %dma_start3A_685 = arith.constant 0 : i32
    %dma_start3A_686 = arith.constant 0 : i32
    %dma_start3A_687 = tpu.memref_slice %arg7[%dma_start3A_684, %dma_start3A_685, %dma_start3A_686] : memref<5x128x64xf32, #tpu.memory_space<vmem>> -> memref<1x128x64xf32, #tpu.memory_space<vmem>>
    %dma_start3A_688 = tpu.memref_squeeze %dma_start3A_687 : memref<1x128x64xf32, #tpu.memory_space<vmem>> -> memref<128x64xf32, #tpu.memory_space<vmem>>
    %dma_start3A_689 = arith.constant 0 : i32
    %dma_start3A_690 = tpu.memref_slice %arg5[%dma_start3A_683, %dma_start3A_689] : memref<50x128xi32, #tpu.memory_space<vmem>> -> memref<1x128xi32, #tpu.memory_space<vmem>>
    %dma_start3A_691 = tpu.memref_squeeze %dma_start3A_690 : memref<1x128xi32, #tpu.memory_space<vmem>> -> memref<128xi32, #tpu.memory_space<vmem>>
    %dma_start3A_692 = arith.constant 0 : i32
    %dma_start3A_693 = arith.constant 0 : i32
    %dma_start3A_694 = tpu.memref_slice %arg3[%dma_start3A_692, %dma_start3A_693] : memref<1000000x64xf32, #tpu.memory_space<hbm>> -> memref<1000000x64xf32, #tpu.memory_space<hbm>>
    tpu.enqueue_indirect_dma source(%dma_start3A_694 : memref<1000000x64xf32, #tpu.memory_space<hbm>>) target(%dma_start3A_688 : memref<128x64xf32, #tpu.memory_space<vmem>>) offsets(%dma_start3A_691 : memref<128xi32, #tpu.memory_space<vmem>>) semaphore(%arg9 : memref<!tpu.dma_semaphore, #tpu.memory_space<semaphore_mem>>)
    %dma_wait3A_695 = arith.constant 20 : i32
    %dma_wait3A_696 = arith.constant 0 : i32
    %dma_wait3A_697 = arith.constant 0 : i32
    %dma_wait3A_698 = arith.constant 0 : i32
    %dma_wait3A_699 = tpu.memref_slice %arg6[%dma_wait3A_696, %dma_wait3A_697, %dma_wait3A_698] : memref<5x128x64xf32, #tpu.memory_space<vmem>> -> memref<1x128x64xf32, #tpu.memory_space<vmem>>
    %dma_wait3A_700 = tpu.memref_squeeze %dma_wait3A_699 : memref<1x128x64xf32, #tpu.memory_space<vmem>> -> memref<128x64xf32, #tpu.memory_space<vmem>>
    %dma_wait3A_701 = arith.constant 0 : i32
    %dma_wait3A_702 = tpu.memref_slice %arg5[%dma_wait3A_695, %dma_wait3A_701] : memref<50x128xi32, #tpu.memory_space<vmem>> -> memref<1x128xi32, #tpu.memory_space<vmem>>
    %dma_wait3A_703 = tpu.memref_squeeze %dma_wait3A_702 : memref<1x128xi32, #tpu.memory_space<vmem>> -> memref<128xi32, #tpu.memory_space<vmem>>
    %dma_wait3A_704 = arith.constant 0 : i32
    %dma_wait3A_705 = arith.constant 0 : i32
    %dma_wait3A_706 = tpu.memref_slice %arg3[%dma_wait3A_704, %dma_wait3A_705] : memref<1000000x64xf32, #tpu.memory_space<hbm>> -> memref<1000000x64xf32, #tpu.memory_space<hbm>>
    tpu.wait_indirect_dma semaphore(%arg8 : memref<!tpu.dma_semaphore, #tpu.memory_space<semaphore_mem>>) src(%dma_wait3A_706 : memref<1000000x64xf32, #tpu.memory_space<hbm>>) dst(%dma_wait3A_700 : memref<128x64xf32, #tpu.memory_space<vmem>>)
    %dma_wait3A_707 = arith.constant 21 : i32
    %dma_wait3A_708 = arith.constant 1 : i32
    %dma_wait3A_709 = arith.constant 0 : i32
    %dma_wait3A_710 = arith.constant 0 : i32
    %dma_wait3A_711 = tpu.memref_slice %arg6[%dma_wait3A_708, %dma_wait3A_709, %dma_wait3A_710] : memref<5x128x64xf32, #tpu.memory_space<vmem>> -> memref<1x128x64xf32, #tpu.memory_space<vmem>>
    %dma_wait3A_712 = tpu.memref_squeeze %dma_wait3A_711 : memref<1x128x64xf32, #tpu.memory_space<vmem>> -> memref<128x64xf32, #tpu.memory_space<vmem>>
    %dma_wait3A_713 = arith.constant 0 : i32
    %dma_wait3A_714 = tpu.memref_slice %arg5[%dma_wait3A_707, %dma_wait3A_713] : memref<50x128xi32, #tpu.memory_space<vmem>> -> memref<1x128xi32, #tpu.memory_space<vmem>>
    %dma_wait3A_715 = tpu.memref_squeeze %dma_wait3A_714 : memref<1x128xi32, #tpu.memory_space<vmem>> -> memref<128xi32, #tpu.memory_space<vmem>>
    %dma_wait3A_716 = arith.constant 0 : i32
    %dma_wait3A_717 = arith.constant 0 : i32
    %dma_wait3A_718 = tpu.memref_slice %arg3[%dma_wait3A_716, %dma_wait3A_717] : memref<1000000x64xf32, #tpu.memory_space<hbm>> -> memref<1000000x64xf32, #tpu.memory_space<hbm>>
    tpu.wait_indirect_dma semaphore(%arg8 : memref<!tpu.dma_semaphore, #tpu.memory_space<semaphore_mem>>) src(%dma_wait3A_718 : memref<1000000x64xf32, #tpu.memory_space<hbm>>) dst(%dma_wait3A_712 : memref<128x64xf32, #tpu.memory_space<vmem>>)
    %dma_wait3A_719 = arith.constant 22 : i32
    %dma_wait3A_720 = arith.constant 2 : i32
    %dma_wait3A_721 = arith.constant 0 : i32
    %dma_wait3A_722 = arith.constant 0 : i32
    %dma_wait3A_723 = tpu.memref_slice %arg6[%dma_wait3A_720, %dma_wait3A_721, %dma_wait3A_722] : memref<5x128x64xf32, #tpu.memory_space<vmem>> -> memref<1x128x64xf32, #tpu.memory_space<vmem>>
    %dma_wait3A_724 = tpu.memref_squeeze %dma_wait3A_723 : memref<1x128x64xf32, #tpu.memory_space<vmem>> -> memref<128x64xf32, #tpu.memory_space<vmem>>
    %dma_wait3A_725 = arith.constant 0 : i32
    %dma_wait3A_726 = tpu.memref_slice %arg5[%dma_wait3A_719, %dma_wait3A_725] : memref<50x128xi32, #tpu.memory_space<vmem>> -> memref<1x128xi32, #tpu.memory_space<vmem>>
    %dma_wait3A_727 = tpu.memref_squeeze %dma_wait3A_726 : memref<1x128xi32, #tpu.memory_space<vmem>> -> memref<128xi32, #tpu.memory_space<vmem>>
    %dma_wait3A_728 = arith.constant 0 : i32
    %dma_wait3A_729 = arith.constant 0 : i32
    %dma_wait3A_730 = tpu.memref_slice %arg3[%dma_wait3A_728, %dma_wait3A_729] : memref<1000000x64xf32, #tpu.memory_space<hbm>> -> memref<1000000x64xf32, #tpu.memory_space<hbm>>
    tpu.wait_indirect_dma semaphore(%arg8 : memref<!tpu.dma_semaphore, #tpu.memory_space<semaphore_mem>>) src(%dma_wait3A_730 : memref<1000000x64xf32, #tpu.memory_space<hbm>>) dst(%dma_wait3A_724 : memref<128x64xf32, #tpu.memory_space<vmem>>)
    %dma_wait3A_731 = arith.constant 23 : i32
    %dma_wait3A_732 = arith.constant 3 : i32
    %dma_wait3A_733 = arith.constant 0 : i32
    %dma_wait3A_734 = arith.constant 0 : i32
    %dma_wait3A_735 = tpu.memref_slice %arg6[%dma_wait3A_732, %dma_wait3A_733, %dma_wait3A_734] : memref<5x128x64xf32, #tpu.memory_space<vmem>> -> memref<1x128x64xf32, #tpu.memory_space<vmem>>
    %dma_wait3A_736 = tpu.memref_squeeze %dma_wait3A_735 : memref<1x128x64xf32, #tpu.memory_space<vmem>> -> memref<128x64xf32, #tpu.memory_space<vmem>>
    %dma_wait3A_737 = arith.constant 0 : i32
    %dma_wait3A_738 = tpu.memref_slice %arg5[%dma_wait3A_731, %dma_wait3A_737] : memref<50x128xi32, #tpu.memory_space<vmem>> -> memref<1x128xi32, #tpu.memory_space<vmem>>
    %dma_wait3A_739 = tpu.memref_squeeze %dma_wait3A_738 : memref<1x128xi32, #tpu.memory_space<vmem>> -> memref<128xi32, #tpu.memory_space<vmem>>
    %dma_wait3A_740 = arith.constant 0 : i32
    %dma_wait3A_741 = arith.constant 0 : i32
    %dma_wait3A_742 = tpu.memref_slice %arg3[%dma_wait3A_740, %dma_wait3A_741] : memref<1000000x64xf32, #tpu.memory_space<hbm>> -> memref<1000000x64xf32, #tpu.memory_space<hbm>>
    tpu.wait_indirect_dma semaphore(%arg8 : memref<!tpu.dma_semaphore, #tpu.memory_space<semaphore_mem>>) src(%dma_wait3A_742 : memref<1000000x64xf32, #tpu.memory_space<hbm>>) dst(%dma_wait3A_736 : memref<128x64xf32, #tpu.memory_space<vmem>>)
    %dma_wait3A_743 = arith.constant 24 : i32
    %dma_wait3A_744 = arith.constant 4 : i32
    %dma_wait3A_745 = arith.constant 0 : i32
    %dma_wait3A_746 = arith.constant 0 : i32
    %dma_wait3A_747 = tpu.memref_slice %arg6[%dma_wait3A_744, %dma_wait3A_745, %dma_wait3A_746] : memref<5x128x64xf32, #tpu.memory_space<vmem>> -> memref<1x128x64xf32, #tpu.memory_space<vmem>>
    %dma_wait3A_748 = tpu.memref_squeeze %dma_wait3A_747 : memref<1x128x64xf32, #tpu.memory_space<vmem>> -> memref<128x64xf32, #tpu.memory_space<vmem>>
    %dma_wait3A_749 = arith.constant 0 : i32
    %dma_wait3A_750 = tpu.memref_slice %arg5[%dma_wait3A_743, %dma_wait3A_749] : memref<50x128xi32, #tpu.memory_space<vmem>> -> memref<1x128xi32, #tpu.memory_space<vmem>>
    %dma_wait3A_751 = tpu.memref_squeeze %dma_wait3A_750 : memref<1x128xi32, #tpu.memory_space<vmem>> -> memref<128xi32, #tpu.memory_space<vmem>>
    %dma_wait3A_752 = arith.constant 0 : i32
    %dma_wait3A_753 = arith.constant 0 : i32
    %dma_wait3A_754 = tpu.memref_slice %arg3[%dma_wait3A_752, %dma_wait3A_753] : memref<1000000x64xf32, #tpu.memory_space<hbm>> -> memref<1000000x64xf32, #tpu.memory_space<hbm>>
    tpu.wait_indirect_dma semaphore(%arg8 : memref<!tpu.dma_semaphore, #tpu.memory_space<semaphore_mem>>) src(%dma_wait3A_754 : memref<1000000x64xf32, #tpu.memory_space<hbm>>) dst(%dma_wait3A_748 : memref<128x64xf32, #tpu.memory_space<vmem>>)
    %mul3A_755 = arith.constant 10 : i32
    %mul3A_756 = arith.muli %add3A, %mul3A_755 : i32
    %add3A_757 = arith.constant 4 : i32
    %add3A_758 = arith.addi %mul3A_756, %add3A_757 : i32
    %dma_start3A_759 = arith.constant 0 : i32
    %dma_start3A_760 = arith.constant 0 : i32
    %dma_start3A_761 = arith.constant 0 : i32
    %dma_start3A_762 = tpu.memref_slice %arg4[%add3A_758, %dma_start3A_759, %dma_start3A_760, %dma_start3A_761] : memref<320x5x128x64xf32, #tpu.memory_space<hbm>> -> memref<1x5x128x64xf32, #tpu.memory_space<hbm>>
    %dma_start3A_763 = tpu.memref_squeeze %dma_start3A_762 : memref<1x5x128x64xf32, #tpu.memory_space<hbm>> -> memref<5x128x64xf32, #tpu.memory_space<hbm>>
    %dma_start3A_764 = arith.constant 0 : i32
    %dma_start3A_765 = arith.constant 0 : i32
    %dma_start3A_766 = arith.constant 0 : i32
    %dma_start3A_767 = tpu.memref_slice %arg4[%add3A_758, %dma_start3A_764, %dma_start3A_765, %dma_start3A_766] : memref<320x5x128x64xf32, #tpu.memory_space<hbm>> -> memref<1x5x128x64xf32, #tpu.memory_space<hbm>>
    %dma_start3A_768 = tpu.memref_squeeze %dma_start3A_767 : memref<1x5x128x64xf32, #tpu.memory_space<hbm>> -> memref<5x128x64xf32, #tpu.memory_space<hbm>>
    tpu.enqueue_dma source(%arg6 : memref<5x128x64xf32, #tpu.memory_space<vmem>>) target(%dma_start3A_768 : memref<5x128x64xf32, #tpu.memory_space<hbm>>) target_semaphore(%arg10 : memref<!tpu.dma_semaphore, #tpu.memory_space<semaphore_mem>>)
    %dma_wait3A_769 = arith.constant 0 : i32
    %dma_wait3A_770 = arith.constant 0 : i32
    %dma_wait3A_771 = arith.constant 0 : i32
    %dma_wait3A_772 = tpu.memref_slice %arg4[%add3A_758, %dma_wait3A_769, %dma_wait3A_770, %dma_wait3A_771] : memref<320x5x128x64xf32, #tpu.memory_space<hbm>> -> memref<1x5x128x64xf32, #tpu.memory_space<hbm>>
    %dma_wait3A_773 = tpu.memref_squeeze %dma_wait3A_772 : memref<1x5x128x64xf32, #tpu.memory_space<hbm>> -> memref<5x128x64xf32, #tpu.memory_space<hbm>>
    %dma_wait3A_774 = arith.constant 0 : i32
    %dma_wait3A_775 = arith.constant 0 : i32
    %dma_wait3A_776 = arith.constant 0 : i32
    %dma_wait3A_777 = tpu.memref_slice %arg4[%add3A_758, %dma_wait3A_774, %dma_wait3A_775, %dma_wait3A_776] : memref<320x5x128x64xf32, #tpu.memory_space<hbm>> -> memref<1x5x128x64xf32, #tpu.memory_space<hbm>>
    %dma_wait3A_778 = tpu.memref_squeeze %dma_wait3A_777 : memref<1x5x128x64xf32, #tpu.memory_space<hbm>> -> memref<5x128x64xf32, #tpu.memory_space<hbm>>
    tpu.wait_dma2 semaphore(%arg10 : memref<!tpu.dma_semaphore, #tpu.memory_space<semaphore_mem>>) src(%arg6 : memref<5x128x64xf32, #tpu.memory_space<vmem>>) dst(%dma_wait3A_778 : memref<5x128x64xf32, #tpu.memory_space<hbm>>)
    %dma_start3A_779 = arith.constant 30 : i32
    %dma_start3A_780 = arith.constant 0 : i32
    %dma_start3A_781 = arith.constant 0 : i32
    %dma_start3A_782 = arith.constant 0 : i32
    %dma_start3A_783 = tpu.memref_slice %arg6[%dma_start3A_780, %dma_start3A_781, %dma_start3A_782] : memref<5x128x64xf32, #tpu.memory_space<vmem>> -> memref<1x128x64xf32, #tpu.memory_space<vmem>>
    %dma_start3A_784 = tpu.memref_squeeze %dma_start3A_783 : memref<1x128x64xf32, #tpu.memory_space<vmem>> -> memref<128x64xf32, #tpu.memory_space<vmem>>
    %dma_start3A_785 = arith.constant 0 : i32
    %dma_start3A_786 = tpu.memref_slice %arg5[%dma_start3A_779, %dma_start3A_785] : memref<50x128xi32, #tpu.memory_space<vmem>> -> memref<1x128xi32, #tpu.memory_space<vmem>>
    %dma_start3A_787 = tpu.memref_squeeze %dma_start3A_786 : memref<1x128xi32, #tpu.memory_space<vmem>> -> memref<128xi32, #tpu.memory_space<vmem>>
    %dma_start3A_788 = arith.constant 0 : i32
    %dma_start3A_789 = arith.constant 0 : i32
    %dma_start3A_790 = tpu.memref_slice %arg3[%dma_start3A_788, %dma_start3A_789] : memref<1000000x64xf32, #tpu.memory_space<hbm>> -> memref<1000000x64xf32, #tpu.memory_space<hbm>>
    tpu.enqueue_indirect_dma source(%dma_start3A_790 : memref<1000000x64xf32, #tpu.memory_space<hbm>>) target(%dma_start3A_784 : memref<128x64xf32, #tpu.memory_space<vmem>>) offsets(%dma_start3A_787 : memref<128xi32, #tpu.memory_space<vmem>>) semaphore(%arg8 : memref<!tpu.dma_semaphore, #tpu.memory_space<semaphore_mem>>)
    %dma_start3A_791 = arith.constant 31 : i32
    %dma_start3A_792 = arith.constant 1 : i32
    %dma_start3A_793 = arith.constant 0 : i32
    %dma_start3A_794 = arith.constant 0 : i32
    %dma_start3A_795 = tpu.memref_slice %arg6[%dma_start3A_792, %dma_start3A_793, %dma_start3A_794] : memref<5x128x64xf32, #tpu.memory_space<vmem>> -> memref<1x128x64xf32, #tpu.memory_space<vmem>>
    %dma_start3A_796 = tpu.memref_squeeze %dma_start3A_795 : memref<1x128x64xf32, #tpu.memory_space<vmem>> -> memref<128x64xf32, #tpu.memory_space<vmem>>
    %dma_start3A_797 = arith.constant 0 : i32
    %dma_start3A_798 = tpu.memref_slice %arg5[%dma_start3A_791, %dma_start3A_797] : memref<50x128xi32, #tpu.memory_space<vmem>> -> memref<1x128xi32, #tpu.memory_space<vmem>>
    %dma_start3A_799 = tpu.memref_squeeze %dma_start3A_798 : memref<1x128xi32, #tpu.memory_space<vmem>> -> memref<128xi32, #tpu.memory_space<vmem>>
    %dma_start3A_800 = arith.constant 0 : i32
    %dma_start3A_801 = arith.constant 0 : i32
    %dma_start3A_802 = tpu.memref_slice %arg3[%dma_start3A_800, %dma_start3A_801] : memref<1000000x64xf32, #tpu.memory_space<hbm>> -> memref<1000000x64xf32, #tpu.memory_space<hbm>>
    tpu.enqueue_indirect_dma source(%dma_start3A_802 : memref<1000000x64xf32, #tpu.memory_space<hbm>>) target(%dma_start3A_796 : memref<128x64xf32, #tpu.memory_space<vmem>>) offsets(%dma_start3A_799 : memref<128xi32, #tpu.memory_space<vmem>>) semaphore(%arg8 : memref<!tpu.dma_semaphore, #tpu.memory_space<semaphore_mem>>)
    %dma_start3A_803 = arith.constant 32 : i32
    %dma_start3A_804 = arith.constant 2 : i32
    %dma_start3A_805 = arith.constant 0 : i32
    %dma_start3A_806 = arith.constant 0 : i32
    %dma_start3A_807 = tpu.memref_slice %arg6[%dma_start3A_804, %dma_start3A_805, %dma_start3A_806] : memref<5x128x64xf32, #tpu.memory_space<vmem>> -> memref<1x128x64xf32, #tpu.memory_space<vmem>>
    %dma_start3A_808 = tpu.memref_squeeze %dma_start3A_807 : memref<1x128x64xf32, #tpu.memory_space<vmem>> -> memref<128x64xf32, #tpu.memory_space<vmem>>
    %dma_start3A_809 = arith.constant 0 : i32
    %dma_start3A_810 = tpu.memref_slice %arg5[%dma_start3A_803, %dma_start3A_809] : memref<50x128xi32, #tpu.memory_space<vmem>> -> memref<1x128xi32, #tpu.memory_space<vmem>>
    %dma_start3A_811 = tpu.memref_squeeze %dma_start3A_810 : memref<1x128xi32, #tpu.memory_space<vmem>> -> memref<128xi32, #tpu.memory_space<vmem>>
    %dma_start3A_812 = arith.constant 0 : i32
    %dma_start3A_813 = arith.constant 0 : i32
    %dma_start3A_814 = tpu.memref_slice %arg3[%dma_start3A_812, %dma_start3A_813] : memref<1000000x64xf32, #tpu.memory_space<hbm>> -> memref<1000000x64xf32, #tpu.memory_space<hbm>>
    tpu.enqueue_indirect_dma source(%dma_start3A_814 : memref<1000000x64xf32, #tpu.memory_space<hbm>>) target(%dma_start3A_808 : memref<128x64xf32, #tpu.memory_space<vmem>>) offsets(%dma_start3A_811 : memref<128xi32, #tpu.memory_space<vmem>>) semaphore(%arg8 : memref<!tpu.dma_semaphore, #tpu.memory_space<semaphore_mem>>)
    %dma_start3A_815 = arith.constant 33 : i32
    %dma_start3A_816 = arith.constant 3 : i32
    %dma_start3A_817 = arith.constant 0 : i32
    %dma_start3A_818 = arith.constant 0 : i32
    %dma_start3A_819 = tpu.memref_slice %arg6[%dma_start3A_816, %dma_start3A_817, %dma_start3A_818] : memref<5x128x64xf32, #tpu.memory_space<vmem>> -> memref<1x128x64xf32, #tpu.memory_space<vmem>>
    %dma_start3A_820 = tpu.memref_squeeze %dma_start3A_819 : memref<1x128x64xf32, #tpu.memory_space<vmem>> -> memref<128x64xf32, #tpu.memory_space<vmem>>
    %dma_start3A_821 = arith.constant 0 : i32
    %dma_start3A_822 = tpu.memref_slice %arg5[%dma_start3A_815, %dma_start3A_821] : memref<50x128xi32, #tpu.memory_space<vmem>> -> memref<1x128xi32, #tpu.memory_space<vmem>>
    %dma_start3A_823 = tpu.memref_squeeze %dma_start3A_822 : memref<1x128xi32, #tpu.memory_space<vmem>> -> memref<128xi32, #tpu.memory_space<vmem>>
    %dma_start3A_824 = arith.constant 0 : i32
    %dma_start3A_825 = arith.constant 0 : i32
    %dma_start3A_826 = tpu.memref_slice %arg3[%dma_start3A_824, %dma_start3A_825] : memref<1000000x64xf32, #tpu.memory_space<hbm>> -> memref<1000000x64xf32, #tpu.memory_space<hbm>>
    tpu.enqueue_indirect_dma source(%dma_start3A_826 : memref<1000000x64xf32, #tpu.memory_space<hbm>>) target(%dma_start3A_820 : memref<128x64xf32, #tpu.memory_space<vmem>>) offsets(%dma_start3A_823 : memref<128xi32, #tpu.memory_space<vmem>>) semaphore(%arg8 : memref<!tpu.dma_semaphore, #tpu.memory_space<semaphore_mem>>)
    %dma_start3A_827 = arith.constant 34 : i32
    %dma_start3A_828 = arith.constant 4 : i32
    %dma_start3A_829 = arith.constant 0 : i32
    %dma_start3A_830 = arith.constant 0 : i32
    %dma_start3A_831 = tpu.memref_slice %arg6[%dma_start3A_828, %dma_start3A_829, %dma_start3A_830] : memref<5x128x64xf32, #tpu.memory_space<vmem>> -> memref<1x128x64xf32, #tpu.memory_space<vmem>>
    %dma_start3A_832 = tpu.memref_squeeze %dma_start3A_831 : memref<1x128x64xf32, #tpu.memory_space<vmem>> -> memref<128x64xf32, #tpu.memory_space<vmem>>
    %dma_start3A_833 = arith.constant 0 : i32
    %dma_start3A_834 = tpu.memref_slice %arg5[%dma_start3A_827, %dma_start3A_833] : memref<50x128xi32, #tpu.memory_space<vmem>> -> memref<1x128xi32, #tpu.memory_space<vmem>>
    %dma_start3A_835 = tpu.memref_squeeze %dma_start3A_834 : memref<1x128xi32, #tpu.memory_space<vmem>> -> memref<128xi32, #tpu.memory_space<vmem>>
    %dma_start3A_836 = arith.constant 0 : i32
    %dma_start3A_837 = arith.constant 0 : i32
    %dma_start3A_838 = tpu.memref_slice %arg3[%dma_start3A_836, %dma_start3A_837] : memref<1000000x64xf32, #tpu.memory_space<hbm>> -> memref<1000000x64xf32, #tpu.memory_space<hbm>>
    tpu.enqueue_indirect_dma source(%dma_start3A_838 : memref<1000000x64xf32, #tpu.memory_space<hbm>>) target(%dma_start3A_832 : memref<128x64xf32, #tpu.memory_space<vmem>>) offsets(%dma_start3A_835 : memref<128xi32, #tpu.memory_space<vmem>>) semaphore(%arg8 : memref<!tpu.dma_semaphore, #tpu.memory_space<semaphore_mem>>)
    %dma_wait3A_839 = arith.constant 25 : i32
    %dma_wait3A_840 = arith.constant 0 : i32
    %dma_wait3A_841 = arith.constant 0 : i32
    %dma_wait3A_842 = arith.constant 0 : i32
    %dma_wait3A_843 = tpu.memref_slice %arg7[%dma_wait3A_840, %dma_wait3A_841, %dma_wait3A_842] : memref<5x128x64xf32, #tpu.memory_space<vmem>> -> memref<1x128x64xf32, #tpu.memory_space<vmem>>
    %dma_wait3A_844 = tpu.memref_squeeze %dma_wait3A_843 : memref<1x128x64xf32, #tpu.memory_space<vmem>> -> memref<128x64xf32, #tpu.memory_space<vmem>>
    %dma_wait3A_845 = arith.constant 0 : i32
    %dma_wait3A_846 = tpu.memref_slice %arg5[%dma_wait3A_839, %dma_wait3A_845] : memref<50x128xi32, #tpu.memory_space<vmem>> -> memref<1x128xi32, #tpu.memory_space<vmem>>
    %dma_wait3A_847 = tpu.memref_squeeze %dma_wait3A_846 : memref<1x128xi32, #tpu.memory_space<vmem>> -> memref<128xi32, #tpu.memory_space<vmem>>
    %dma_wait3A_848 = arith.constant 0 : i32
    %dma_wait3A_849 = arith.constant 0 : i32
    %dma_wait3A_850 = tpu.memref_slice %arg3[%dma_wait3A_848, %dma_wait3A_849] : memref<1000000x64xf32, #tpu.memory_space<hbm>> -> memref<1000000x64xf32, #tpu.memory_space<hbm>>
    tpu.wait_indirect_dma semaphore(%arg9 : memref<!tpu.dma_semaphore, #tpu.memory_space<semaphore_mem>>) src(%dma_wait3A_850 : memref<1000000x64xf32, #tpu.memory_space<hbm>>) dst(%dma_wait3A_844 : memref<128x64xf32, #tpu.memory_space<vmem>>)
    %dma_wait3A_851 = arith.constant 26 : i32
    %dma_wait3A_852 = arith.constant 1 : i32
    %dma_wait3A_853 = arith.constant 0 : i32
    %dma_wait3A_854 = arith.constant 0 : i32
    %dma_wait3A_855 = tpu.memref_slice %arg7[%dma_wait3A_852, %dma_wait3A_853, %dma_wait3A_854] : memref<5x128x64xf32, #tpu.memory_space<vmem>> -> memref<1x128x64xf32, #tpu.memory_space<vmem>>
    %dma_wait3A_856 = tpu.memref_squeeze %dma_wait3A_855 : memref<1x128x64xf32, #tpu.memory_space<vmem>> -> memref<128x64xf32, #tpu.memory_space<vmem>>
    %dma_wait3A_857 = arith.constant 0 : i32
    %dma_wait3A_858 = tpu.memref_slice %arg5[%dma_wait3A_851, %dma_wait3A_857] : memref<50x128xi32, #tpu.memory_space<vmem>> -> memref<1x128xi32, #tpu.memory_space<vmem>>
    %dma_wait3A_859 = tpu.memref_squeeze %dma_wait3A_858 : memref<1x128xi32, #tpu.memory_space<vmem>> -> memref<128xi32, #tpu.memory_space<vmem>>
    %dma_wait3A_860 = arith.constant 0 : i32
    %dma_wait3A_861 = arith.constant 0 : i32
    %dma_wait3A_862 = tpu.memref_slice %arg3[%dma_wait3A_860, %dma_wait3A_861] : memref<1000000x64xf32, #tpu.memory_space<hbm>> -> memref<1000000x64xf32, #tpu.memory_space<hbm>>
    tpu.wait_indirect_dma semaphore(%arg9 : memref<!tpu.dma_semaphore, #tpu.memory_space<semaphore_mem>>) src(%dma_wait3A_862 : memref<1000000x64xf32, #tpu.memory_space<hbm>>) dst(%dma_wait3A_856 : memref<128x64xf32, #tpu.memory_space<vmem>>)
    %dma_wait3A_863 = arith.constant 27 : i32
    %dma_wait3A_864 = arith.constant 2 : i32
    %dma_wait3A_865 = arith.constant 0 : i32
    %dma_wait3A_866 = arith.constant 0 : i32
    %dma_wait3A_867 = tpu.memref_slice %arg7[%dma_wait3A_864, %dma_wait3A_865, %dma_wait3A_866] : memref<5x128x64xf32, #tpu.memory_space<vmem>> -> memref<1x128x64xf32, #tpu.memory_space<vmem>>
    %dma_wait3A_868 = tpu.memref_squeeze %dma_wait3A_867 : memref<1x128x64xf32, #tpu.memory_space<vmem>> -> memref<128x64xf32, #tpu.memory_space<vmem>>
    %dma_wait3A_869 = arith.constant 0 : i32
    %dma_wait3A_870 = tpu.memref_slice %arg5[%dma_wait3A_863, %dma_wait3A_869] : memref<50x128xi32, #tpu.memory_space<vmem>> -> memref<1x128xi32, #tpu.memory_space<vmem>>
    %dma_wait3A_871 = tpu.memref_squeeze %dma_wait3A_870 : memref<1x128xi32, #tpu.memory_space<vmem>> -> memref<128xi32, #tpu.memory_space<vmem>>
    %dma_wait3A_872 = arith.constant 0 : i32
    %dma_wait3A_873 = arith.constant 0 : i32
    %dma_wait3A_874 = tpu.memref_slice %arg3[%dma_wait3A_872, %dma_wait3A_873] : memref<1000000x64xf32, #tpu.memory_space<hbm>> -> memref<1000000x64xf32, #tpu.memory_space<hbm>>
    tpu.wait_indirect_dma semaphore(%arg9 : memref<!tpu.dma_semaphore, #tpu.memory_space<semaphore_mem>>) src(%dma_wait3A_874 : memref<1000000x64xf32, #tpu.memory_space<hbm>>) dst(%dma_wait3A_868 : memref<128x64xf32, #tpu.memory_space<vmem>>)
    %dma_wait3A_875 = arith.constant 28 : i32
    %dma_wait3A_876 = arith.constant 3 : i32
    %dma_wait3A_877 = arith.constant 0 : i32
    %dma_wait3A_878 = arith.constant 0 : i32
    %dma_wait3A_879 = tpu.memref_slice %arg7[%dma_wait3A_876, %dma_wait3A_877, %dma_wait3A_878] : memref<5x128x64xf32, #tpu.memory_space<vmem>> -> memref<1x128x64xf32, #tpu.memory_space<vmem>>
    %dma_wait3A_880 = tpu.memref_squeeze %dma_wait3A_879 : memref<1x128x64xf32, #tpu.memory_space<vmem>> -> memref<128x64xf32, #tpu.memory_space<vmem>>
    %dma_wait3A_881 = arith.constant 0 : i32
    %dma_wait3A_882 = tpu.memref_slice %arg5[%dma_wait3A_875, %dma_wait3A_881] : memref<50x128xi32, #tpu.memory_space<vmem>> -> memref<1x128xi32, #tpu.memory_space<vmem>>
    %dma_wait3A_883 = tpu.memref_squeeze %dma_wait3A_882 : memref<1x128xi32, #tpu.memory_space<vmem>> -> memref<128xi32, #tpu.memory_space<vmem>>
    %dma_wait3A_884 = arith.constant 0 : i32
    %dma_wait3A_885 = arith.constant 0 : i32
    %dma_wait3A_886 = tpu.memref_slice %arg3[%dma_wait3A_884, %dma_wait3A_885] : memref<1000000x64xf32, #tpu.memory_space<hbm>> -> memref<1000000x64xf32, #tpu.memory_space<hbm>>
    tpu.wait_indirect_dma semaphore(%arg9 : memref<!tpu.dma_semaphore, #tpu.memory_space<semaphore_mem>>) src(%dma_wait3A_886 : memref<1000000x64xf32, #tpu.memory_space<hbm>>) dst(%dma_wait3A_880 : memref<128x64xf32, #tpu.memory_space<vmem>>)
    %dma_wait3A_887 = arith.constant 29 : i32
    %dma_wait3A_888 = arith.constant 4 : i32
    %dma_wait3A_889 = arith.constant 0 : i32
    %dma_wait3A_890 = arith.constant 0 : i32
    %dma_wait3A_891 = tpu.memref_slice %arg7[%dma_wait3A_888, %dma_wait3A_889, %dma_wait3A_890] : memref<5x128x64xf32, #tpu.memory_space<vmem>> -> memref<1x128x64xf32, #tpu.memory_space<vmem>>
    %dma_wait3A_892 = tpu.memref_squeeze %dma_wait3A_891 : memref<1x128x64xf32, #tpu.memory_space<vmem>> -> memref<128x64xf32, #tpu.memory_space<vmem>>
    %dma_wait3A_893 = arith.constant 0 : i32
    %dma_wait3A_894 = tpu.memref_slice %arg5[%dma_wait3A_887, %dma_wait3A_893] : memref<50x128xi32, #tpu.memory_space<vmem>> -> memref<1x128xi32, #tpu.memory_space<vmem>>
    %dma_wait3A_895 = tpu.memref_squeeze %dma_wait3A_894 : memref<1x128xi32, #tpu.memory_space<vmem>> -> memref<128xi32, #tpu.memory_space<vmem>>
    %dma_wait3A_896 = arith.constant 0 : i32
    %dma_wait3A_897 = arith.constant 0 : i32
    %dma_wait3A_898 = tpu.memref_slice %arg3[%dma_wait3A_896, %dma_wait3A_897] : memref<1000000x64xf32, #tpu.memory_space<hbm>> -> memref<1000000x64xf32, #tpu.memory_space<hbm>>
    tpu.wait_indirect_dma semaphore(%arg9 : memref<!tpu.dma_semaphore, #tpu.memory_space<semaphore_mem>>) src(%dma_wait3A_898 : memref<1000000x64xf32, #tpu.memory_space<hbm>>) dst(%dma_wait3A_892 : memref<128x64xf32, #tpu.memory_space<vmem>>)
    %mul3A_899 = arith.constant 10 : i32
    %mul3A_900 = arith.muli %add3A, %mul3A_899 : i32
    %add3A_901 = arith.constant 5 : i32
    %add3A_902 = arith.addi %mul3A_900, %add3A_901 : i32
    %dma_start3A_903 = arith.constant 0 : i32
    %dma_start3A_904 = arith.constant 0 : i32
    %dma_start3A_905 = arith.constant 0 : i32
    %dma_start3A_906 = tpu.memref_slice %arg4[%add3A_902, %dma_start3A_903, %dma_start3A_904, %dma_start3A_905] : memref<320x5x128x64xf32, #tpu.memory_space<hbm>> -> memref<1x5x128x64xf32, #tpu.memory_space<hbm>>
    %dma_start3A_907 = tpu.memref_squeeze %dma_start3A_906 : memref<1x5x128x64xf32, #tpu.memory_space<hbm>> -> memref<5x128x64xf32, #tpu.memory_space<hbm>>
    %dma_start3A_908 = arith.constant 0 : i32
    %dma_start3A_909 = arith.constant 0 : i32
    %dma_start3A_910 = arith.constant 0 : i32
    %dma_start3A_911 = tpu.memref_slice %arg4[%add3A_902, %dma_start3A_908, %dma_start3A_909, %dma_start3A_910] : memref<320x5x128x64xf32, #tpu.memory_space<hbm>> -> memref<1x5x128x64xf32, #tpu.memory_space<hbm>>
    %dma_start3A_912 = tpu.memref_squeeze %dma_start3A_911 : memref<1x5x128x64xf32, #tpu.memory_space<hbm>> -> memref<5x128x64xf32, #tpu.memory_space<hbm>>
    tpu.enqueue_dma source(%arg7 : memref<5x128x64xf32, #tpu.memory_space<vmem>>) target(%dma_start3A_912 : memref<5x128x64xf32, #tpu.memory_space<hbm>>) target_semaphore(%arg11 : memref<!tpu.dma_semaphore, #tpu.memory_space<semaphore_mem>>)
    %dma_wait3A_913 = arith.constant 0 : i32
    %dma_wait3A_914 = arith.constant 0 : i32
    %dma_wait3A_915 = arith.constant 0 : i32
    %dma_wait3A_916 = tpu.memref_slice %arg4[%add3A_902, %dma_wait3A_913, %dma_wait3A_914, %dma_wait3A_915] : memref<320x5x128x64xf32, #tpu.memory_space<hbm>> -> memref<1x5x128x64xf32, #tpu.memory_space<hbm>>
    %dma_wait3A_917 = tpu.memref_squeeze %dma_wait3A_916 : memref<1x5x128x64xf32, #tpu.memory_space<hbm>> -> memref<5x128x64xf32, #tpu.memory_space<hbm>>
    %dma_wait3A_918 = arith.constant 0 : i32
    %dma_wait3A_919 = arith.constant 0 : i32
    %dma_wait3A_920 = arith.constant 0 : i32
    %dma_wait3A_921 = tpu.memref_slice %arg4[%add3A_902, %dma_wait3A_918, %dma_wait3A_919, %dma_wait3A_920] : memref<320x5x128x64xf32, #tpu.memory_space<hbm>> -> memref<1x5x128x64xf32, #tpu.memory_space<hbm>>
    %dma_wait3A_922 = tpu.memref_squeeze %dma_wait3A_921 : memref<1x5x128x64xf32, #tpu.memory_space<hbm>> -> memref<5x128x64xf32, #tpu.memory_space<hbm>>
    tpu.wait_dma2 semaphore(%arg11 : memref<!tpu.dma_semaphore, #tpu.memory_space<semaphore_mem>>) src(%arg7 : memref<5x128x64xf32, #tpu.memory_space<vmem>>) dst(%dma_wait3A_922 : memref<5x128x64xf32, #tpu.memory_space<hbm>>)
    %dma_start3A_923 = arith.constant 35 : i32
    %dma_start3A_924 = arith.constant 0 : i32
    %dma_start3A_925 = arith.constant 0 : i32
    %dma_start3A_926 = arith.constant 0 : i32
    %dma_start3A_927 = tpu.memref_slice %arg7[%dma_start3A_924, %dma_start3A_925, %dma_start3A_926] : memref<5x128x64xf32, #tpu.memory_space<vmem>> -> memref<1x128x64xf32, #tpu.memory_space<vmem>>
    %dma_start3A_928 = tpu.memref_squeeze %dma_start3A_927 : memref<1x128x64xf32, #tpu.memory_space<vmem>> -> memref<128x64xf32, #tpu.memory_space<vmem>>
    %dma_start3A_929 = arith.constant 0 : i32
    %dma_start3A_930 = tpu.memref_slice %arg5[%dma_start3A_923, %dma_start3A_929] : memref<50x128xi32, #tpu.memory_space<vmem>> -> memref<1x128xi32, #tpu.memory_space<vmem>>
    %dma_start3A_931 = tpu.memref_squeeze %dma_start3A_930 : memref<1x128xi32, #tpu.memory_space<vmem>> -> memref<128xi32, #tpu.memory_space<vmem>>
    %dma_start3A_932 = arith.constant 0 : i32
    %dma_start3A_933 = arith.constant 0 : i32
    %dma_start3A_934 = tpu.memref_slice %arg3[%dma_start3A_932, %dma_start3A_933] : memref<1000000x64xf32, #tpu.memory_space<hbm>> -> memref<1000000x64xf32, #tpu.memory_space<hbm>>
    tpu.enqueue_indirect_dma source(%dma_start3A_934 : memref<1000000x64xf32, #tpu.memory_space<hbm>>) target(%dma_start3A_928 : memref<128x64xf32, #tpu.memory_space<vmem>>) offsets(%dma_start3A_931 : memref<128xi32, #tpu.memory_space<vmem>>) semaphore(%arg9 : memref<!tpu.dma_semaphore, #tpu.memory_space<semaphore_mem>>)
    %dma_start3A_935 = arith.constant 36 : i32
    %dma_start3A_936 = arith.constant 1 : i32
    %dma_start3A_937 = arith.constant 0 : i32
    %dma_start3A_938 = arith.constant 0 : i32
    %dma_start3A_939 = tpu.memref_slice %arg7[%dma_start3A_936, %dma_start3A_937, %dma_start3A_938] : memref<5x128x64xf32, #tpu.memory_space<vmem>> -> memref<1x128x64xf32, #tpu.memory_space<vmem>>
    %dma_start3A_940 = tpu.memref_squeeze %dma_start3A_939 : memref<1x128x64xf32, #tpu.memory_space<vmem>> -> memref<128x64xf32, #tpu.memory_space<vmem>>
    %dma_start3A_941 = arith.constant 0 : i32
    %dma_start3A_942 = tpu.memref_slice %arg5[%dma_start3A_935, %dma_start3A_941] : memref<50x128xi32, #tpu.memory_space<vmem>> -> memref<1x128xi32, #tpu.memory_space<vmem>>
    %dma_start3A_943 = tpu.memref_squeeze %dma_start3A_942 : memref<1x128xi32, #tpu.memory_space<vmem>> -> memref<128xi32, #tpu.memory_space<vmem>>
    %dma_start3A_944 = arith.constant 0 : i32
    %dma_start3A_945 = arith.constant 0 : i32
    %dma_start3A_946 = tpu.memref_slice %arg3[%dma_start3A_944, %dma_start3A_945] : memref<1000000x64xf32, #tpu.memory_space<hbm>> -> memref<1000000x64xf32, #tpu.memory_space<hbm>>
    tpu.enqueue_indirect_dma source(%dma_start3A_946 : memref<1000000x64xf32, #tpu.memory_space<hbm>>) target(%dma_start3A_940 : memref<128x64xf32, #tpu.memory_space<vmem>>) offsets(%dma_start3A_943 : memref<128xi32, #tpu.memory_space<vmem>>) semaphore(%arg9 : memref<!tpu.dma_semaphore, #tpu.memory_space<semaphore_mem>>)
    %dma_start3A_947 = arith.constant 37 : i32
    %dma_start3A_948 = arith.constant 2 : i32
    %dma_start3A_949 = arith.constant 0 : i32
    %dma_start3A_950 = arith.constant 0 : i32
    %dma_start3A_951 = tpu.memref_slice %arg7[%dma_start3A_948, %dma_start3A_949, %dma_start3A_950] : memref<5x128x64xf32, #tpu.memory_space<vmem>> -> memref<1x128x64xf32, #tpu.memory_space<vmem>>
    %dma_start3A_952 = tpu.memref_squeeze %dma_start3A_951 : memref<1x128x64xf32, #tpu.memory_space<vmem>> -> memref<128x64xf32, #tpu.memory_space<vmem>>
    %dma_start3A_953 = arith.constant 0 : i32
    %dma_start3A_954 = tpu.memref_slice %arg5[%dma_start3A_947, %dma_start3A_953] : memref<50x128xi32, #tpu.memory_space<vmem>> -> memref<1x128xi32, #tpu.memory_space<vmem>>
    %dma_start3A_955 = tpu.memref_squeeze %dma_start3A_954 : memref<1x128xi32, #tpu.memory_space<vmem>> -> memref<128xi32, #tpu.memory_space<vmem>>
    %dma_start3A_956 = arith.constant 0 : i32
    %dma_start3A_957 = arith.constant 0 : i32
    %dma_start3A_958 = tpu.memref_slice %arg3[%dma_start3A_956, %dma_start3A_957] : memref<1000000x64xf32, #tpu.memory_space<hbm>> -> memref<1000000x64xf32, #tpu.memory_space<hbm>>
    tpu.enqueue_indirect_dma source(%dma_start3A_958 : memref<1000000x64xf32, #tpu.memory_space<hbm>>) target(%dma_start3A_952 : memref<128x64xf32, #tpu.memory_space<vmem>>) offsets(%dma_start3A_955 : memref<128xi32, #tpu.memory_space<vmem>>) semaphore(%arg9 : memref<!tpu.dma_semaphore, #tpu.memory_space<semaphore_mem>>)
    %dma_start3A_959 = arith.constant 38 : i32
    %dma_start3A_960 = arith.constant 3 : i32
    %dma_start3A_961 = arith.constant 0 : i32
    %dma_start3A_962 = arith.constant 0 : i32
    %dma_start3A_963 = tpu.memref_slice %arg7[%dma_start3A_960, %dma_start3A_961, %dma_start3A_962] : memref<5x128x64xf32, #tpu.memory_space<vmem>> -> memref<1x128x64xf32, #tpu.memory_space<vmem>>
    %dma_start3A_964 = tpu.memref_squeeze %dma_start3A_963 : memref<1x128x64xf32, #tpu.memory_space<vmem>> -> memref<128x64xf32, #tpu.memory_space<vmem>>
    %dma_start3A_965 = arith.constant 0 : i32
    %dma_start3A_966 = tpu.memref_slice %arg5[%dma_start3A_959, %dma_start3A_965] : memref<50x128xi32, #tpu.memory_space<vmem>> -> memref<1x128xi32, #tpu.memory_space<vmem>>
    %dma_start3A_967 = tpu.memref_squeeze %dma_start3A_966 : memref<1x128xi32, #tpu.memory_space<vmem>> -> memref<128xi32, #tpu.memory_space<vmem>>
    %dma_start3A_968 = arith.constant 0 : i32
    %dma_start3A_969 = arith.constant 0 : i32
    %dma_start3A_970 = tpu.memref_slice %arg3[%dma_start3A_968, %dma_start3A_969] : memref<1000000x64xf32, #tpu.memory_space<hbm>> -> memref<1000000x64xf32, #tpu.memory_space<hbm>>
    tpu.enqueue_indirect_dma source(%dma_start3A_970 : memref<1000000x64xf32, #tpu.memory_space<hbm>>) target(%dma_start3A_964 : memref<128x64xf32, #tpu.memory_space<vmem>>) offsets(%dma_start3A_967 : memref<128xi32, #tpu.memory_space<vmem>>) semaphore(%arg9 : memref<!tpu.dma_semaphore, #tpu.memory_space<semaphore_mem>>)
    %dma_start3A_971 = arith.constant 39 : i32
    %dma_start3A_972 = arith.constant 4 : i32
    %dma_start3A_973 = arith.constant 0 : i32
    %dma_start3A_974 = arith.constant 0 : i32
    %dma_start3A_975 = tpu.memref_slice %arg7[%dma_start3A_972, %dma_start3A_973, %dma_start3A_974] : memref<5x128x64xf32, #tpu.memory_space<vmem>> -> memref<1x128x64xf32, #tpu.memory_space<vmem>>
    %dma_start3A_976 = tpu.memref_squeeze %dma_start3A_975 : memref<1x128x64xf32, #tpu.memory_space<vmem>> -> memref<128x64xf32, #tpu.memory_space<vmem>>
    %dma_start3A_977 = arith.constant 0 : i32
    %dma_start3A_978 = tpu.memref_slice %arg5[%dma_start3A_971, %dma_start3A_977] : memref<50x128xi32, #tpu.memory_space<vmem>> -> memref<1x128xi32, #tpu.memory_space<vmem>>
    %dma_start3A_979 = tpu.memref_squeeze %dma_start3A_978 : memref<1x128xi32, #tpu.memory_space<vmem>> -> memref<128xi32, #tpu.memory_space<vmem>>
    %dma_start3A_980 = arith.constant 0 : i32
    %dma_start3A_981 = arith.constant 0 : i32
    %dma_start3A_982 = tpu.memref_slice %arg3[%dma_start3A_980, %dma_start3A_981] : memref<1000000x64xf32, #tpu.memory_space<hbm>> -> memref<1000000x64xf32, #tpu.memory_space<hbm>>
    tpu.enqueue_indirect_dma source(%dma_start3A_982 : memref<1000000x64xf32, #tpu.memory_space<hbm>>) target(%dma_start3A_976 : memref<128x64xf32, #tpu.memory_space<vmem>>) offsets(%dma_start3A_979 : memref<128xi32, #tpu.memory_space<vmem>>) semaphore(%arg9 : memref<!tpu.dma_semaphore, #tpu.memory_space<semaphore_mem>>)
    %dma_wait3A_983 = arith.constant 30 : i32
    %dma_wait3A_984 = arith.constant 0 : i32
    %dma_wait3A_985 = arith.constant 0 : i32
    %dma_wait3A_986 = arith.constant 0 : i32
    %dma_wait3A_987 = tpu.memref_slice %arg6[%dma_wait3A_984, %dma_wait3A_985, %dma_wait3A_986] : memref<5x128x64xf32, #tpu.memory_space<vmem>> -> memref<1x128x64xf32, #tpu.memory_space<vmem>>
    %dma_wait3A_988 = tpu.memref_squeeze %dma_wait3A_987 : memref<1x128x64xf32, #tpu.memory_space<vmem>> -> memref<128x64xf32, #tpu.memory_space<vmem>>
    %dma_wait3A_989 = arith.constant 0 : i32
    %dma_wait3A_990 = tpu.memref_slice %arg5[%dma_wait3A_983, %dma_wait3A_989] : memref<50x128xi32, #tpu.memory_space<vmem>> -> memref<1x128xi32, #tpu.memory_space<vmem>>
    %dma_wait3A_991 = tpu.memref_squeeze %dma_wait3A_990 : memref<1x128xi32, #tpu.memory_space<vmem>> -> memref<128xi32, #tpu.memory_space<vmem>>
    %dma_wait3A_992 = arith.constant 0 : i32
    %dma_wait3A_993 = arith.constant 0 : i32
    %dma_wait3A_994 = tpu.memref_slice %arg3[%dma_wait3A_992, %dma_wait3A_993] : memref<1000000x64xf32, #tpu.memory_space<hbm>> -> memref<1000000x64xf32, #tpu.memory_space<hbm>>
    tpu.wait_indirect_dma semaphore(%arg8 : memref<!tpu.dma_semaphore, #tpu.memory_space<semaphore_mem>>) src(%dma_wait3A_994 : memref<1000000x64xf32, #tpu.memory_space<hbm>>) dst(%dma_wait3A_988 : memref<128x64xf32, #tpu.memory_space<vmem>>)
    %dma_wait3A_995 = arith.constant 31 : i32
    %dma_wait3A_996 = arith.constant 1 : i32
    %dma_wait3A_997 = arith.constant 0 : i32
    %dma_wait3A_998 = arith.constant 0 : i32
    %dma_wait3A_999 = tpu.memref_slice %arg6[%dma_wait3A_996, %dma_wait3A_997, %dma_wait3A_998] : memref<5x128x64xf32, #tpu.memory_space<vmem>> -> memref<1x128x64xf32, #tpu.memory_space<vmem>>
    %dma_wait3A_1000 = tpu.memref_squeeze %dma_wait3A_999 : memref<1x128x64xf32, #tpu.memory_space<vmem>> -> memref<128x64xf32, #tpu.memory_space<vmem>>
    %dma_wait3A_1001 = arith.constant 0 : i32
    %dma_wait3A_1002 = tpu.memref_slice %arg5[%dma_wait3A_995, %dma_wait3A_1001] : memref<50x128xi32, #tpu.memory_space<vmem>> -> memref<1x128xi32, #tpu.memory_space<vmem>>
    %dma_wait3A_1003 = tpu.memref_squeeze %dma_wait3A_1002 : memref<1x128xi32, #tpu.memory_space<vmem>> -> memref<128xi32, #tpu.memory_space<vmem>>
    %dma_wait3A_1004 = arith.constant 0 : i32
    %dma_wait3A_1005 = arith.constant 0 : i32
    %dma_wait3A_1006 = tpu.memref_slice %arg3[%dma_wait3A_1004, %dma_wait3A_1005] : memref<1000000x64xf32, #tpu.memory_space<hbm>> -> memref<1000000x64xf32, #tpu.memory_space<hbm>>
    tpu.wait_indirect_dma semaphore(%arg8 : memref<!tpu.dma_semaphore, #tpu.memory_space<semaphore_mem>>) src(%dma_wait3A_1006 : memref<1000000x64xf32, #tpu.memory_space<hbm>>) dst(%dma_wait3A_1000 : memref<128x64xf32, #tpu.memory_space<vmem>>)
    %dma_wait3A_1007 = arith.constant 32 : i32
    %dma_wait3A_1008 = arith.constant 2 : i32
    %dma_wait3A_1009 = arith.constant 0 : i32
    %dma_wait3A_1010 = arith.constant 0 : i32
    %dma_wait3A_1011 = tpu.memref_slice %arg6[%dma_wait3A_1008, %dma_wait3A_1009, %dma_wait3A_1010] : memref<5x128x64xf32, #tpu.memory_space<vmem>> -> memref<1x128x64xf32, #tpu.memory_space<vmem>>
    %dma_wait3A_1012 = tpu.memref_squeeze %dma_wait3A_1011 : memref<1x128x64xf32, #tpu.memory_space<vmem>> -> memref<128x64xf32, #tpu.memory_space<vmem>>
    %dma_wait3A_1013 = arith.constant 0 : i32
    %dma_wait3A_1014 = tpu.memref_slice %arg5[%dma_wait3A_1007, %dma_wait3A_1013] : memref<50x128xi32, #tpu.memory_space<vmem>> -> memref<1x128xi32, #tpu.memory_space<vmem>>
    %dma_wait3A_1015 = tpu.memref_squeeze %dma_wait3A_1014 : memref<1x128xi32, #tpu.memory_space<vmem>> -> memref<128xi32, #tpu.memory_space<vmem>>
    %dma_wait3A_1016 = arith.constant 0 : i32
    %dma_wait3A_1017 = arith.constant 0 : i32
    %dma_wait3A_1018 = tpu.memref_slice %arg3[%dma_wait3A_1016, %dma_wait3A_1017] : memref<1000000x64xf32, #tpu.memory_space<hbm>> -> memref<1000000x64xf32, #tpu.memory_space<hbm>>
    tpu.wait_indirect_dma semaphore(%arg8 : memref<!tpu.dma_semaphore, #tpu.memory_space<semaphore_mem>>) src(%dma_wait3A_1018 : memref<1000000x64xf32, #tpu.memory_space<hbm>>) dst(%dma_wait3A_1012 : memref<128x64xf32, #tpu.memory_space<vmem>>)
    %dma_wait3A_1019 = arith.constant 33 : i32
    %dma_wait3A_1020 = arith.constant 3 : i32
    %dma_wait3A_1021 = arith.constant 0 : i32
    %dma_wait3A_1022 = arith.constant 0 : i32
    %dma_wait3A_1023 = tpu.memref_slice %arg6[%dma_wait3A_1020, %dma_wait3A_1021, %dma_wait3A_1022] : memref<5x128x64xf32, #tpu.memory_space<vmem>> -> memref<1x128x64xf32, #tpu.memory_space<vmem>>
    %dma_wait3A_1024 = tpu.memref_squeeze %dma_wait3A_1023 : memref<1x128x64xf32, #tpu.memory_space<vmem>> -> memref<128x64xf32, #tpu.memory_space<vmem>>
    %dma_wait3A_1025 = arith.constant 0 : i32
    %dma_wait3A_1026 = tpu.memref_slice %arg5[%dma_wait3A_1019, %dma_wait3A_1025] : memref<50x128xi32, #tpu.memory_space<vmem>> -> memref<1x128xi32, #tpu.memory_space<vmem>>
    %dma_wait3A_1027 = tpu.memref_squeeze %dma_wait3A_1026 : memref<1x128xi32, #tpu.memory_space<vmem>> -> memref<128xi32, #tpu.memory_space<vmem>>
    %dma_wait3A_1028 = arith.constant 0 : i32
    %dma_wait3A_1029 = arith.constant 0 : i32
    %dma_wait3A_1030 = tpu.memref_slice %arg3[%dma_wait3A_1028, %dma_wait3A_1029] : memref<1000000x64xf32, #tpu.memory_space<hbm>> -> memref<1000000x64xf32, #tpu.memory_space<hbm>>
    tpu.wait_indirect_dma semaphore(%arg8 : memref<!tpu.dma_semaphore, #tpu.memory_space<semaphore_mem>>) src(%dma_wait3A_1030 : memref<1000000x64xf32, #tpu.memory_space<hbm>>) dst(%dma_wait3A_1024 : memref<128x64xf32, #tpu.memory_space<vmem>>)
    %dma_wait3A_1031 = arith.constant 34 : i32
    %dma_wait3A_1032 = arith.constant 4 : i32
    %dma_wait3A_1033 = arith.constant 0 : i32
    %dma_wait3A_1034 = arith.constant 0 : i32
    %dma_wait3A_1035 = tpu.memref_slice %arg6[%dma_wait3A_1032, %dma_wait3A_1033, %dma_wait3A_1034] : memref<5x128x64xf32, #tpu.memory_space<vmem>> -> memref<1x128x64xf32, #tpu.memory_space<vmem>>
    %dma_wait3A_1036 = tpu.memref_squeeze %dma_wait3A_1035 : memref<1x128x64xf32, #tpu.memory_space<vmem>> -> memref<128x64xf32, #tpu.memory_space<vmem>>
    %dma_wait3A_1037 = arith.constant 0 : i32
    %dma_wait3A_1038 = tpu.memref_slice %arg5[%dma_wait3A_1031, %dma_wait3A_1037] : memref<50x128xi32, #tpu.memory_space<vmem>> -> memref<1x128xi32, #tpu.memory_space<vmem>>
    %dma_wait3A_1039 = tpu.memref_squeeze %dma_wait3A_1038 : memref<1x128xi32, #tpu.memory_space<vmem>> -> memref<128xi32, #tpu.memory_space<vmem>>
    %dma_wait3A_1040 = arith.constant 0 : i32
    %dma_wait3A_1041 = arith.constant 0 : i32
    %dma_wait3A_1042 = tpu.memref_slice %arg3[%dma_wait3A_1040, %dma_wait3A_1041] : memref<1000000x64xf32, #tpu.memory_space<hbm>> -> memref<1000000x64xf32, #tpu.memory_space<hbm>>
    tpu.wait_indirect_dma semaphore(%arg8 : memref<!tpu.dma_semaphore, #tpu.memory_space<semaphore_mem>>) src(%dma_wait3A_1042 : memref<1000000x64xf32, #tpu.memory_space<hbm>>) dst(%dma_wait3A_1036 : memref<128x64xf32, #tpu.memory_space<vmem>>)
    %mul3A_1043 = arith.constant 10 : i32
    %mul3A_1044 = arith.muli %add3A, %mul3A_1043 : i32
    %add3A_1045 = arith.constant 6 : i32
    %add3A_1046 = arith.addi %mul3A_1044, %add3A_1045 : i32
    %dma_start3A_1047 = arith.constant 0 : i32
    %dma_start3A_1048 = arith.constant 0 : i32
    %dma_start3A_1049 = arith.constant 0 : i32
    %dma_start3A_1050 = tpu.memref_slice %arg4[%add3A_1046, %dma_start3A_1047, %dma_start3A_1048, %dma_start3A_1049] : memref<320x5x128x64xf32, #tpu.memory_space<hbm>> -> memref<1x5x128x64xf32, #tpu.memory_space<hbm>>
    %dma_start3A_1051 = tpu.memref_squeeze %dma_start3A_1050 : memref<1x5x128x64xf32, #tpu.memory_space<hbm>> -> memref<5x128x64xf32, #tpu.memory_space<hbm>>
    %dma_start3A_1052 = arith.constant 0 : i32
    %dma_start3A_1053 = arith.constant 0 : i32
    %dma_start3A_1054 = arith.constant 0 : i32
    %dma_start3A_1055 = tpu.memref_slice %arg4[%add3A_1046, %dma_start3A_1052, %dma_start3A_1053, %dma_start3A_1054] : memref<320x5x128x64xf32, #tpu.memory_space<hbm>> -> memref<1x5x128x64xf32, #tpu.memory_space<hbm>>
    %dma_start3A_1056 = tpu.memref_squeeze %dma_start3A_1055 : memref<1x5x128x64xf32, #tpu.memory_space<hbm>> -> memref<5x128x64xf32, #tpu.memory_space<hbm>>
    tpu.enqueue_dma source(%arg6 : memref<5x128x64xf32, #tpu.memory_space<vmem>>) target(%dma_start3A_1056 : memref<5x128x64xf32, #tpu.memory_space<hbm>>) target_semaphore(%arg10 : memref<!tpu.dma_semaphore, #tpu.memory_space<semaphore_mem>>)
    %dma_wait3A_1057 = arith.constant 0 : i32
    %dma_wait3A_1058 = arith.constant 0 : i32
    %dma_wait3A_1059 = arith.constant 0 : i32
    %dma_wait3A_1060 = tpu.memref_slice %arg4[%add3A_1046, %dma_wait3A_1057, %dma_wait3A_1058, %dma_wait3A_1059] : memref<320x5x128x64xf32, #tpu.memory_space<hbm>> -> memref<1x5x128x64xf32, #tpu.memory_space<hbm>>
    %dma_wait3A_1061 = tpu.memref_squeeze %dma_wait3A_1060 : memref<1x5x128x64xf32, #tpu.memory_space<hbm>> -> memref<5x128x64xf32, #tpu.memory_space<hbm>>
    %dma_wait3A_1062 = arith.constant 0 : i32
    %dma_wait3A_1063 = arith.constant 0 : i32
    %dma_wait3A_1064 = arith.constant 0 : i32
    %dma_wait3A_1065 = tpu.memref_slice %arg4[%add3A_1046, %dma_wait3A_1062, %dma_wait3A_1063, %dma_wait3A_1064] : memref<320x5x128x64xf32, #tpu.memory_space<hbm>> -> memref<1x5x128x64xf32, #tpu.memory_space<hbm>>
    %dma_wait3A_1066 = tpu.memref_squeeze %dma_wait3A_1065 : memref<1x5x128x64xf32, #tpu.memory_space<hbm>> -> memref<5x128x64xf32, #tpu.memory_space<hbm>>
    tpu.wait_dma2 semaphore(%arg10 : memref<!tpu.dma_semaphore, #tpu.memory_space<semaphore_mem>>) src(%arg6 : memref<5x128x64xf32, #tpu.memory_space<vmem>>) dst(%dma_wait3A_1066 : memref<5x128x64xf32, #tpu.memory_space<hbm>>)
    %dma_start3A_1067 = arith.constant 40 : i32
    %dma_start3A_1068 = arith.constant 0 : i32
    %dma_start3A_1069 = arith.constant 0 : i32
    %dma_start3A_1070 = arith.constant 0 : i32
    %dma_start3A_1071 = tpu.memref_slice %arg6[%dma_start3A_1068, %dma_start3A_1069, %dma_start3A_1070] : memref<5x128x64xf32, #tpu.memory_space<vmem>> -> memref<1x128x64xf32, #tpu.memory_space<vmem>>
    %dma_start3A_1072 = tpu.memref_squeeze %dma_start3A_1071 : memref<1x128x64xf32, #tpu.memory_space<vmem>> -> memref<128x64xf32, #tpu.memory_space<vmem>>
    %dma_start3A_1073 = arith.constant 0 : i32
    %dma_start3A_1074 = tpu.memref_slice %arg5[%dma_start3A_1067, %dma_start3A_1073] : memref<50x128xi32, #tpu.memory_space<vmem>> -> memref<1x128xi32, #tpu.memory_space<vmem>>
    %dma_start3A_1075 = tpu.memref_squeeze %dma_start3A_1074 : memref<1x128xi32, #tpu.memory_space<vmem>> -> memref<128xi32, #tpu.memory_space<vmem>>
    %dma_start3A_1076 = arith.constant 0 : i32
    %dma_start3A_1077 = arith.constant 0 : i32
    %dma_start3A_1078 = tpu.memref_slice %arg3[%dma_start3A_1076, %dma_start3A_1077] : memref<1000000x64xf32, #tpu.memory_space<hbm>> -> memref<1000000x64xf32, #tpu.memory_space<hbm>>
    tpu.enqueue_indirect_dma source(%dma_start3A_1078 : memref<1000000x64xf32, #tpu.memory_space<hbm>>) target(%dma_start3A_1072 : memref<128x64xf32, #tpu.memory_space<vmem>>) offsets(%dma_start3A_1075 : memref<128xi32, #tpu.memory_space<vmem>>) semaphore(%arg8 : memref<!tpu.dma_semaphore, #tpu.memory_space<semaphore_mem>>)
    %dma_start3A_1079 = arith.constant 41 : i32
    %dma_start3A_1080 = arith.constant 1 : i32
    %dma_start3A_1081 = arith.constant 0 : i32
    %dma_start3A_1082 = arith.constant 0 : i32
    %dma_start3A_1083 = tpu.memref_slice %arg6[%dma_start3A_1080, %dma_start3A_1081, %dma_start3A_1082] : memref<5x128x64xf32, #tpu.memory_space<vmem>> -> memref<1x128x64xf32, #tpu.memory_space<vmem>>
    %dma_start3A_1084 = tpu.memref_squeeze %dma_start3A_1083 : memref<1x128x64xf32, #tpu.memory_space<vmem>> -> memref<128x64xf32, #tpu.memory_space<vmem>>
    %dma_start3A_1085 = arith.constant 0 : i32
    %dma_start3A_1086 = tpu.memref_slice %arg5[%dma_start3A_1079, %dma_start3A_1085] : memref<50x128xi32, #tpu.memory_space<vmem>> -> memref<1x128xi32, #tpu.memory_space<vmem>>
    %dma_start3A_1087 = tpu.memref_squeeze %dma_start3A_1086 : memref<1x128xi32, #tpu.memory_space<vmem>> -> memref<128xi32, #tpu.memory_space<vmem>>
    %dma_start3A_1088 = arith.constant 0 : i32
    %dma_start3A_1089 = arith.constant 0 : i32
    %dma_start3A_1090 = tpu.memref_slice %arg3[%dma_start3A_1088, %dma_start3A_1089] : memref<1000000x64xf32, #tpu.memory_space<hbm>> -> memref<1000000x64xf32, #tpu.memory_space<hbm>>
    tpu.enqueue_indirect_dma source(%dma_start3A_1090 : memref<1000000x64xf32, #tpu.memory_space<hbm>>) target(%dma_start3A_1084 : memref<128x64xf32, #tpu.memory_space<vmem>>) offsets(%dma_start3A_1087 : memref<128xi32, #tpu.memory_space<vmem>>) semaphore(%arg8 : memref<!tpu.dma_semaphore, #tpu.memory_space<semaphore_mem>>)
    %dma_start3A_1091 = arith.constant 42 : i32
    %dma_start3A_1092 = arith.constant 2 : i32
    %dma_start3A_1093 = arith.constant 0 : i32
    %dma_start3A_1094 = arith.constant 0 : i32
    %dma_start3A_1095 = tpu.memref_slice %arg6[%dma_start3A_1092, %dma_start3A_1093, %dma_start3A_1094] : memref<5x128x64xf32, #tpu.memory_space<vmem>> -> memref<1x128x64xf32, #tpu.memory_space<vmem>>
    %dma_start3A_1096 = tpu.memref_squeeze %dma_start3A_1095 : memref<1x128x64xf32, #tpu.memory_space<vmem>> -> memref<128x64xf32, #tpu.memory_space<vmem>>
    %dma_start3A_1097 = arith.constant 0 : i32
    %dma_start3A_1098 = tpu.memref_slice %arg5[%dma_start3A_1091, %dma_start3A_1097] : memref<50x128xi32, #tpu.memory_space<vmem>> -> memref<1x128xi32, #tpu.memory_space<vmem>>
    %dma_start3A_1099 = tpu.memref_squeeze %dma_start3A_1098 : memref<1x128xi32, #tpu.memory_space<vmem>> -> memref<128xi32, #tpu.memory_space<vmem>>
    %dma_start3A_1100 = arith.constant 0 : i32
    %dma_start3A_1101 = arith.constant 0 : i32
    %dma_start3A_1102 = tpu.memref_slice %arg3[%dma_start3A_1100, %dma_start3A_1101] : memref<1000000x64xf32, #tpu.memory_space<hbm>> -> memref<1000000x64xf32, #tpu.memory_space<hbm>>
    tpu.enqueue_indirect_dma source(%dma_start3A_1102 : memref<1000000x64xf32, #tpu.memory_space<hbm>>) target(%dma_start3A_1096 : memref<128x64xf32, #tpu.memory_space<vmem>>) offsets(%dma_start3A_1099 : memref<128xi32, #tpu.memory_space<vmem>>) semaphore(%arg8 : memref<!tpu.dma_semaphore, #tpu.memory_space<semaphore_mem>>)
    %dma_start3A_1103 = arith.constant 43 : i32
    %dma_start3A_1104 = arith.constant 3 : i32
    %dma_start3A_1105 = arith.constant 0 : i32
    %dma_start3A_1106 = arith.constant 0 : i32
    %dma_start3A_1107 = tpu.memref_slice %arg6[%dma_start3A_1104, %dma_start3A_1105, %dma_start3A_1106] : memref<5x128x64xf32, #tpu.memory_space<vmem>> -> memref<1x128x64xf32, #tpu.memory_space<vmem>>
    %dma_start3A_1108 = tpu.memref_squeeze %dma_start3A_1107 : memref<1x128x64xf32, #tpu.memory_space<vmem>> -> memref<128x64xf32, #tpu.memory_space<vmem>>
    %dma_start3A_1109 = arith.constant 0 : i32
    %dma_start3A_1110 = tpu.memref_slice %arg5[%dma_start3A_1103, %dma_start3A_1109] : memref<50x128xi32, #tpu.memory_space<vmem>> -> memref<1x128xi32, #tpu.memory_space<vmem>>
    %dma_start3A_1111 = tpu.memref_squeeze %dma_start3A_1110 : memref<1x128xi32, #tpu.memory_space<vmem>> -> memref<128xi32, #tpu.memory_space<vmem>>
    %dma_start3A_1112 = arith.constant 0 : i32
    %dma_start3A_1113 = arith.constant 0 : i32
    %dma_start3A_1114 = tpu.memref_slice %arg3[%dma_start3A_1112, %dma_start3A_1113] : memref<1000000x64xf32, #tpu.memory_space<hbm>> -> memref<1000000x64xf32, #tpu.memory_space<hbm>>
    tpu.enqueue_indirect_dma source(%dma_start3A_1114 : memref<1000000x64xf32, #tpu.memory_space<hbm>>) target(%dma_start3A_1108 : memref<128x64xf32, #tpu.memory_space<vmem>>) offsets(%dma_start3A_1111 : memref<128xi32, #tpu.memory_space<vmem>>) semaphore(%arg8 : memref<!tpu.dma_semaphore, #tpu.memory_space<semaphore_mem>>)
    %dma_start3A_1115 = arith.constant 44 : i32
    %dma_start3A_1116 = arith.constant 4 : i32
    %dma_start3A_1117 = arith.constant 0 : i32
    %dma_start3A_1118 = arith.constant 0 : i32
    %dma_start3A_1119 = tpu.memref_slice %arg6[%dma_start3A_1116, %dma_start3A_1117, %dma_start3A_1118] : memref<5x128x64xf32, #tpu.memory_space<vmem>> -> memref<1x128x64xf32, #tpu.memory_space<vmem>>
    %dma_start3A_1120 = tpu.memref_squeeze %dma_start3A_1119 : memref<1x128x64xf32, #tpu.memory_space<vmem>> -> memref<128x64xf32, #tpu.memory_space<vmem>>
    %dma_start3A_1121 = arith.constant 0 : i32
    %dma_start3A_1122 = tpu.memref_slice %arg5[%dma_start3A_1115, %dma_start3A_1121] : memref<50x128xi32, #tpu.memory_space<vmem>> -> memref<1x128xi32, #tpu.memory_space<vmem>>
    %dma_start3A_1123 = tpu.memref_squeeze %dma_start3A_1122 : memref<1x128xi32, #tpu.memory_space<vmem>> -> memref<128xi32, #tpu.memory_space<vmem>>
    %dma_start3A_1124 = arith.constant 0 : i32
    %dma_start3A_1125 = arith.constant 0 : i32
    %dma_start3A_1126 = tpu.memref_slice %arg3[%dma_start3A_1124, %dma_start3A_1125] : memref<1000000x64xf32, #tpu.memory_space<hbm>> -> memref<1000000x64xf32, #tpu.memory_space<hbm>>
    tpu.enqueue_indirect_dma source(%dma_start3A_1126 : memref<1000000x64xf32, #tpu.memory_space<hbm>>) target(%dma_start3A_1120 : memref<128x64xf32, #tpu.memory_space<vmem>>) offsets(%dma_start3A_1123 : memref<128xi32, #tpu.memory_space<vmem>>) semaphore(%arg8 : memref<!tpu.dma_semaphore, #tpu.memory_space<semaphore_mem>>)
    %dma_wait3A_1127 = arith.constant 35 : i32
    %dma_wait3A_1128 = arith.constant 0 : i32
    %dma_wait3A_1129 = arith.constant 0 : i32
    %dma_wait3A_1130 = arith.constant 0 : i32
    %dma_wait3A_1131 = tpu.memref_slice %arg7[%dma_wait3A_1128, %dma_wait3A_1129, %dma_wait3A_1130] : memref<5x128x64xf32, #tpu.memory_space<vmem>> -> memref<1x128x64xf32, #tpu.memory_space<vmem>>
    %dma_wait3A_1132 = tpu.memref_squeeze %dma_wait3A_1131 : memref<1x128x64xf32, #tpu.memory_space<vmem>> -> memref<128x64xf32, #tpu.memory_space<vmem>>
    %dma_wait3A_1133 = arith.constant 0 : i32
    %dma_wait3A_1134 = tpu.memref_slice %arg5[%dma_wait3A_1127, %dma_wait3A_1133] : memref<50x128xi32, #tpu.memory_space<vmem>> -> memref<1x128xi32, #tpu.memory_space<vmem>>
    %dma_wait3A_1135 = tpu.memref_squeeze %dma_wait3A_1134 : memref<1x128xi32, #tpu.memory_space<vmem>> -> memref<128xi32, #tpu.memory_space<vmem>>
    %dma_wait3A_1136 = arith.constant 0 : i32
    %dma_wait3A_1137 = arith.constant 0 : i32
    %dma_wait3A_1138 = tpu.memref_slice %arg3[%dma_wait3A_1136, %dma_wait3A_1137] : memref<1000000x64xf32, #tpu.memory_space<hbm>> -> memref<1000000x64xf32, #tpu.memory_space<hbm>>
    tpu.wait_indirect_dma semaphore(%arg9 : memref<!tpu.dma_semaphore, #tpu.memory_space<semaphore_mem>>) src(%dma_wait3A_1138 : memref<1000000x64xf32, #tpu.memory_space<hbm>>) dst(%dma_wait3A_1132 : memref<128x64xf32, #tpu.memory_space<vmem>>)
    %dma_wait3A_1139 = arith.constant 36 : i32
    %dma_wait3A_1140 = arith.constant 1 : i32
    %dma_wait3A_1141 = arith.constant 0 : i32
    %dma_wait3A_1142 = arith.constant 0 : i32
    %dma_wait3A_1143 = tpu.memref_slice %arg7[%dma_wait3A_1140, %dma_wait3A_1141, %dma_wait3A_1142] : memref<5x128x64xf32, #tpu.memory_space<vmem>> -> memref<1x128x64xf32, #tpu.memory_space<vmem>>
    %dma_wait3A_1144 = tpu.memref_squeeze %dma_wait3A_1143 : memref<1x128x64xf32, #tpu.memory_space<vmem>> -> memref<128x64xf32, #tpu.memory_space<vmem>>
    %dma_wait3A_1145 = arith.constant 0 : i32
    %dma_wait3A_1146 = tpu.memref_slice %arg5[%dma_wait3A_1139, %dma_wait3A_1145] : memref<50x128xi32, #tpu.memory_space<vmem>> -> memref<1x128xi32, #tpu.memory_space<vmem>>
    %dma_wait3A_1147 = tpu.memref_squeeze %dma_wait3A_1146 : memref<1x128xi32, #tpu.memory_space<vmem>> -> memref<128xi32, #tpu.memory_space<vmem>>
    %dma_wait3A_1148 = arith.constant 0 : i32
    %dma_wait3A_1149 = arith.constant 0 : i32
    %dma_wait3A_1150 = tpu.memref_slice %arg3[%dma_wait3A_1148, %dma_wait3A_1149] : memref<1000000x64xf32, #tpu.memory_space<hbm>> -> memref<1000000x64xf32, #tpu.memory_space<hbm>>
    tpu.wait_indirect_dma semaphore(%arg9 : memref<!tpu.dma_semaphore, #tpu.memory_space<semaphore_mem>>) src(%dma_wait3A_1150 : memref<1000000x64xf32, #tpu.memory_space<hbm>>) dst(%dma_wait3A_1144 : memref<128x64xf32, #tpu.memory_space<vmem>>)
    %dma_wait3A_1151 = arith.constant 37 : i32
    %dma_wait3A_1152 = arith.constant 2 : i32
    %dma_wait3A_1153 = arith.constant 0 : i32
    %dma_wait3A_1154 = arith.constant 0 : i32
    %dma_wait3A_1155 = tpu.memref_slice %arg7[%dma_wait3A_1152, %dma_wait3A_1153, %dma_wait3A_1154] : memref<5x128x64xf32, #tpu.memory_space<vmem>> -> memref<1x128x64xf32, #tpu.memory_space<vmem>>
    %dma_wait3A_1156 = tpu.memref_squeeze %dma_wait3A_1155 : memref<1x128x64xf32, #tpu.memory_space<vmem>> -> memref<128x64xf32, #tpu.memory_space<vmem>>
    %dma_wait3A_1157 = arith.constant 0 : i32
    %dma_wait3A_1158 = tpu.memref_slice %arg5[%dma_wait3A_1151, %dma_wait3A_1157] : memref<50x128xi32, #tpu.memory_space<vmem>> -> memref<1x128xi32, #tpu.memory_space<vmem>>
    %dma_wait3A_1159 = tpu.memref_squeeze %dma_wait3A_1158 : memref<1x128xi32, #tpu.memory_space<vmem>> -> memref<128xi32, #tpu.memory_space<vmem>>
    %dma_wait3A_1160 = arith.constant 0 : i32
    %dma_wait3A_1161 = arith.constant 0 : i32
    %dma_wait3A_1162 = tpu.memref_slice %arg3[%dma_wait3A_1160, %dma_wait3A_1161] : memref<1000000x64xf32, #tpu.memory_space<hbm>> -> memref<1000000x64xf32, #tpu.memory_space<hbm>>
    tpu.wait_indirect_dma semaphore(%arg9 : memref<!tpu.dma_semaphore, #tpu.memory_space<semaphore_mem>>) src(%dma_wait3A_1162 : memref<1000000x64xf32, #tpu.memory_space<hbm>>) dst(%dma_wait3A_1156 : memref<128x64xf32, #tpu.memory_space<vmem>>)
    %dma_wait3A_1163 = arith.constant 38 : i32
    %dma_wait3A_1164 = arith.constant 3 : i32
    %dma_wait3A_1165 = arith.constant 0 : i32
    %dma_wait3A_1166 = arith.constant 0 : i32
    %dma_wait3A_1167 = tpu.memref_slice %arg7[%dma_wait3A_1164, %dma_wait3A_1165, %dma_wait3A_1166] : memref<5x128x64xf32, #tpu.memory_space<vmem>> -> memref<1x128x64xf32, #tpu.memory_space<vmem>>
    %dma_wait3A_1168 = tpu.memref_squeeze %dma_wait3A_1167 : memref<1x128x64xf32, #tpu.memory_space<vmem>> -> memref<128x64xf32, #tpu.memory_space<vmem>>
    %dma_wait3A_1169 = arith.constant 0 : i32
    %dma_wait3A_1170 = tpu.memref_slice %arg5[%dma_wait3A_1163, %dma_wait3A_1169] : memref<50x128xi32, #tpu.memory_space<vmem>> -> memref<1x128xi32, #tpu.memory_space<vmem>>
    %dma_wait3A_1171 = tpu.memref_squeeze %dma_wait3A_1170 : memref<1x128xi32, #tpu.memory_space<vmem>> -> memref<128xi32, #tpu.memory_space<vmem>>
    %dma_wait3A_1172 = arith.constant 0 : i32
    %dma_wait3A_1173 = arith.constant 0 : i32
    %dma_wait3A_1174 = tpu.memref_slice %arg3[%dma_wait3A_1172, %dma_wait3A_1173] : memref<1000000x64xf32, #tpu.memory_space<hbm>> -> memref<1000000x64xf32, #tpu.memory_space<hbm>>
    tpu.wait_indirect_dma semaphore(%arg9 : memref<!tpu.dma_semaphore, #tpu.memory_space<semaphore_mem>>) src(%dma_wait3A_1174 : memref<1000000x64xf32, #tpu.memory_space<hbm>>) dst(%dma_wait3A_1168 : memref<128x64xf32, #tpu.memory_space<vmem>>)
    %dma_wait3A_1175 = arith.constant 39 : i32
    %dma_wait3A_1176 = arith.constant 4 : i32
    %dma_wait3A_1177 = arith.constant 0 : i32
    %dma_wait3A_1178 = arith.constant 0 : i32
    %dma_wait3A_1179 = tpu.memref_slice %arg7[%dma_wait3A_1176, %dma_wait3A_1177, %dma_wait3A_1178] : memref<5x128x64xf32, #tpu.memory_space<vmem>> -> memref<1x128x64xf32, #tpu.memory_space<vmem>>
    %dma_wait3A_1180 = tpu.memref_squeeze %dma_wait3A_1179 : memref<1x128x64xf32, #tpu.memory_space<vmem>> -> memref<128x64xf32, #tpu.memory_space<vmem>>
    %dma_wait3A_1181 = arith.constant 0 : i32
    %dma_wait3A_1182 = tpu.memref_slice %arg5[%dma_wait3A_1175, %dma_wait3A_1181] : memref<50x128xi32, #tpu.memory_space<vmem>> -> memref<1x128xi32, #tpu.memory_space<vmem>>
    %dma_wait3A_1183 = tpu.memref_squeeze %dma_wait3A_1182 : memref<1x128xi32, #tpu.memory_space<vmem>> -> memref<128xi32, #tpu.memory_space<vmem>>
    %dma_wait3A_1184 = arith.constant 0 : i32
    %dma_wait3A_1185 = arith.constant 0 : i32
    %dma_wait3A_1186 = tpu.memref_slice %arg3[%dma_wait3A_1184, %dma_wait3A_1185] : memref<1000000x64xf32, #tpu.memory_space<hbm>> -> memref<1000000x64xf32, #tpu.memory_space<hbm>>
    tpu.wait_indirect_dma semaphore(%arg9 : memref<!tpu.dma_semaphore, #tpu.memory_space<semaphore_mem>>) src(%dma_wait3A_1186 : memref<1000000x64xf32, #tpu.memory_space<hbm>>) dst(%dma_wait3A_1180 : memref<128x64xf32, #tpu.memory_space<vmem>>)
    %mul3A_1187 = arith.constant 10 : i32
    %mul3A_1188 = arith.muli %add3A, %mul3A_1187 : i32
    %add3A_1189 = arith.constant 7 : i32
    %add3A_1190 = arith.addi %mul3A_1188, %add3A_1189 : i32
    %dma_start3A_1191 = arith.constant 0 : i32
    %dma_start3A_1192 = arith.constant 0 : i32
    %dma_start3A_1193 = arith.constant 0 : i32
    %dma_start3A_1194 = tpu.memref_slice %arg4[%add3A_1190, %dma_start3A_1191, %dma_start3A_1192, %dma_start3A_1193] : memref<320x5x128x64xf32, #tpu.memory_space<hbm>> -> memref<1x5x128x64xf32, #tpu.memory_space<hbm>>
    %dma_start3A_1195 = tpu.memref_squeeze %dma_start3A_1194 : memref<1x5x128x64xf32, #tpu.memory_space<hbm>> -> memref<5x128x64xf32, #tpu.memory_space<hbm>>
    %dma_start3A_1196 = arith.constant 0 : i32
    %dma_start3A_1197 = arith.constant 0 : i32
    %dma_start3A_1198 = arith.constant 0 : i32
    %dma_start3A_1199 = tpu.memref_slice %arg4[%add3A_1190, %dma_start3A_1196, %dma_start3A_1197, %dma_start3A_1198] : memref<320x5x128x64xf32, #tpu.memory_space<hbm>> -> memref<1x5x128x64xf32, #tpu.memory_space<hbm>>
    %dma_start3A_1200 = tpu.memref_squeeze %dma_start3A_1199 : memref<1x5x128x64xf32, #tpu.memory_space<hbm>> -> memref<5x128x64xf32, #tpu.memory_space<hbm>>
    tpu.enqueue_dma source(%arg7 : memref<5x128x64xf32, #tpu.memory_space<vmem>>) target(%dma_start3A_1200 : memref<5x128x64xf32, #tpu.memory_space<hbm>>) target_semaphore(%arg11 : memref<!tpu.dma_semaphore, #tpu.memory_space<semaphore_mem>>)
    %dma_wait3A_1201 = arith.constant 0 : i32
    %dma_wait3A_1202 = arith.constant 0 : i32
    %dma_wait3A_1203 = arith.constant 0 : i32
    %dma_wait3A_1204 = tpu.memref_slice %arg4[%add3A_1190, %dma_wait3A_1201, %dma_wait3A_1202, %dma_wait3A_1203] : memref<320x5x128x64xf32, #tpu.memory_space<hbm>> -> memref<1x5x128x64xf32, #tpu.memory_space<hbm>>
    %dma_wait3A_1205 = tpu.memref_squeeze %dma_wait3A_1204 : memref<1x5x128x64xf32, #tpu.memory_space<hbm>> -> memref<5x128x64xf32, #tpu.memory_space<hbm>>
    %dma_wait3A_1206 = arith.constant 0 : i32
    %dma_wait3A_1207 = arith.constant 0 : i32
    %dma_wait3A_1208 = arith.constant 0 : i32
    %dma_wait3A_1209 = tpu.memref_slice %arg4[%add3A_1190, %dma_wait3A_1206, %dma_wait3A_1207, %dma_wait3A_1208] : memref<320x5x128x64xf32, #tpu.memory_space<hbm>> -> memref<1x5x128x64xf32, #tpu.memory_space<hbm>>
    %dma_wait3A_1210 = tpu.memref_squeeze %dma_wait3A_1209 : memref<1x5x128x64xf32, #tpu.memory_space<hbm>> -> memref<5x128x64xf32, #tpu.memory_space<hbm>>
    tpu.wait_dma2 semaphore(%arg11 : memref<!tpu.dma_semaphore, #tpu.memory_space<semaphore_mem>>) src(%arg7 : memref<5x128x64xf32, #tpu.memory_space<vmem>>) dst(%dma_wait3A_1210 : memref<5x128x64xf32, #tpu.memory_space<hbm>>)
    %dma_start3A_1211 = arith.constant 45 : i32
    %dma_start3A_1212 = arith.constant 0 : i32
    %dma_start3A_1213 = arith.constant 0 : i32
    %dma_start3A_1214 = arith.constant 0 : i32
    %dma_start3A_1215 = tpu.memref_slice %arg7[%dma_start3A_1212, %dma_start3A_1213, %dma_start3A_1214] : memref<5x128x64xf32, #tpu.memory_space<vmem>> -> memref<1x128x64xf32, #tpu.memory_space<vmem>>
    %dma_start3A_1216 = tpu.memref_squeeze %dma_start3A_1215 : memref<1x128x64xf32, #tpu.memory_space<vmem>> -> memref<128x64xf32, #tpu.memory_space<vmem>>
    %dma_start3A_1217 = arith.constant 0 : i32
    %dma_start3A_1218 = tpu.memref_slice %arg5[%dma_start3A_1211, %dma_start3A_1217] : memref<50x128xi32, #tpu.memory_space<vmem>> -> memref<1x128xi32, #tpu.memory_space<vmem>>
    %dma_start3A_1219 = tpu.memref_squeeze %dma_start3A_1218 : memref<1x128xi32, #tpu.memory_space<vmem>> -> memref<128xi32, #tpu.memory_space<vmem>>
    %dma_start3A_1220 = arith.constant 0 : i32
    %dma_start3A_1221 = arith.constant 0 : i32
    %dma_start3A_1222 = tpu.memref_slice %arg3[%dma_start3A_1220, %dma_start3A_1221] : memref<1000000x64xf32, #tpu.memory_space<hbm>> -> memref<1000000x64xf32, #tpu.memory_space<hbm>>
    tpu.enqueue_indirect_dma source(%dma_start3A_1222 : memref<1000000x64xf32, #tpu.memory_space<hbm>>) target(%dma_start3A_1216 : memref<128x64xf32, #tpu.memory_space<vmem>>) offsets(%dma_start3A_1219 : memref<128xi32, #tpu.memory_space<vmem>>) semaphore(%arg9 : memref<!tpu.dma_semaphore, #tpu.memory_space<semaphore_mem>>)
    %dma_start3A_1223 = arith.constant 46 : i32
    %dma_start3A_1224 = arith.constant 1 : i32
    %dma_start3A_1225 = arith.constant 0 : i32
    %dma_start3A_1226 = arith.constant 0 : i32
    %dma_start3A_1227 = tpu.memref_slice %arg7[%dma_start3A_1224, %dma_start3A_1225, %dma_start3A_1226] : memref<5x128x64xf32, #tpu.memory_space<vmem>> -> memref<1x128x64xf32, #tpu.memory_space<vmem>>
    %dma_start3A_1228 = tpu.memref_squeeze %dma_start3A_1227 : memref<1x128x64xf32, #tpu.memory_space<vmem>> -> memref<128x64xf32, #tpu.memory_space<vmem>>
    %dma_start3A_1229 = arith.constant 0 : i32
    %dma_start3A_1230 = tpu.memref_slice %arg5[%dma_start3A_1223, %dma_start3A_1229] : memref<50x128xi32, #tpu.memory_space<vmem>> -> memref<1x128xi32, #tpu.memory_space<vmem>>
    %dma_start3A_1231 = tpu.memref_squeeze %dma_start3A_1230 : memref<1x128xi32, #tpu.memory_space<vmem>> -> memref<128xi32, #tpu.memory_space<vmem>>
    %dma_start3A_1232 = arith.constant 0 : i32
    %dma_start3A_1233 = arith.constant 0 : i32
    %dma_start3A_1234 = tpu.memref_slice %arg3[%dma_start3A_1232, %dma_start3A_1233] : memref<1000000x64xf32, #tpu.memory_space<hbm>> -> memref<1000000x64xf32, #tpu.memory_space<hbm>>
    tpu.enqueue_indirect_dma source(%dma_start3A_1234 : memref<1000000x64xf32, #tpu.memory_space<hbm>>) target(%dma_start3A_1228 : memref<128x64xf32, #tpu.memory_space<vmem>>) offsets(%dma_start3A_1231 : memref<128xi32, #tpu.memory_space<vmem>>) semaphore(%arg9 : memref<!tpu.dma_semaphore, #tpu.memory_space<semaphore_mem>>)
    %dma_start3A_1235 = arith.constant 47 : i32
    %dma_start3A_1236 = arith.constant 2 : i32
    %dma_start3A_1237 = arith.constant 0 : i32
    %dma_start3A_1238 = arith.constant 0 : i32
    %dma_start3A_1239 = tpu.memref_slice %arg7[%dma_start3A_1236, %dma_start3A_1237, %dma_start3A_1238] : memref<5x128x64xf32, #tpu.memory_space<vmem>> -> memref<1x128x64xf32, #tpu.memory_space<vmem>>
    %dma_start3A_1240 = tpu.memref_squeeze %dma_start3A_1239 : memref<1x128x64xf32, #tpu.memory_space<vmem>> -> memref<128x64xf32, #tpu.memory_space<vmem>>
    %dma_start3A_1241 = arith.constant 0 : i32
    %dma_start3A_1242 = tpu.memref_slice %arg5[%dma_start3A_1235, %dma_start3A_1241] : memref<50x128xi32, #tpu.memory_space<vmem>> -> memref<1x128xi32, #tpu.memory_space<vmem>>
    %dma_start3A_1243 = tpu.memref_squeeze %dma_start3A_1242 : memref<1x128xi32, #tpu.memory_space<vmem>> -> memref<128xi32, #tpu.memory_space<vmem>>
    %dma_start3A_1244 = arith.constant 0 : i32
    %dma_start3A_1245 = arith.constant 0 : i32
    %dma_start3A_1246 = tpu.memref_slice %arg3[%dma_start3A_1244, %dma_start3A_1245] : memref<1000000x64xf32, #tpu.memory_space<hbm>> -> memref<1000000x64xf32, #tpu.memory_space<hbm>>
    tpu.enqueue_indirect_dma source(%dma_start3A_1246 : memref<1000000x64xf32, #tpu.memory_space<hbm>>) target(%dma_start3A_1240 : memref<128x64xf32, #tpu.memory_space<vmem>>) offsets(%dma_start3A_1243 : memref<128xi32, #tpu.memory_space<vmem>>) semaphore(%arg9 : memref<!tpu.dma_semaphore, #tpu.memory_space<semaphore_mem>>)
    %dma_start3A_1247 = arith.constant 48 : i32
    %dma_start3A_1248 = arith.constant 3 : i32
    %dma_start3A_1249 = arith.constant 0 : i32
    %dma_start3A_1250 = arith.constant 0 : i32
    %dma_start3A_1251 = tpu.memref_slice %arg7[%dma_start3A_1248, %dma_start3A_1249, %dma_start3A_1250] : memref<5x128x64xf32, #tpu.memory_space<vmem>> -> memref<1x128x64xf32, #tpu.memory_space<vmem>>
    %dma_start3A_1252 = tpu.memref_squeeze %dma_start3A_1251 : memref<1x128x64xf32, #tpu.memory_space<vmem>> -> memref<128x64xf32, #tpu.memory_space<vmem>>
    %dma_start3A_1253 = arith.constant 0 : i32
    %dma_start3A_1254 = tpu.memref_slice %arg5[%dma_start3A_1247, %dma_start3A_1253] : memref<50x128xi32, #tpu.memory_space<vmem>> -> memref<1x128xi32, #tpu.memory_space<vmem>>
    %dma_start3A_1255 = tpu.memref_squeeze %dma_start3A_1254 : memref<1x128xi32, #tpu.memory_space<vmem>> -> memref<128xi32, #tpu.memory_space<vmem>>
    %dma_start3A_1256 = arith.constant 0 : i32
    %dma_start3A_1257 = arith.constant 0 : i32
    %dma_start3A_1258 = tpu.memref_slice %arg3[%dma_start3A_1256, %dma_start3A_1257] : memref<1000000x64xf32, #tpu.memory_space<hbm>> -> memref<1000000x64xf32, #tpu.memory_space<hbm>>
    tpu.enqueue_indirect_dma source(%dma_start3A_1258 : memref<1000000x64xf32, #tpu.memory_space<hbm>>) target(%dma_start3A_1252 : memref<128x64xf32, #tpu.memory_space<vmem>>) offsets(%dma_start3A_1255 : memref<128xi32, #tpu.memory_space<vmem>>) semaphore(%arg9 : memref<!tpu.dma_semaphore, #tpu.memory_space<semaphore_mem>>)
    %dma_start3A_1259 = arith.constant 49 : i32
    %dma_start3A_1260 = arith.constant 4 : i32
    %dma_start3A_1261 = arith.constant 0 : i32
    %dma_start3A_1262 = arith.constant 0 : i32
    %dma_start3A_1263 = tpu.memref_slice %arg7[%dma_start3A_1260, %dma_start3A_1261, %dma_start3A_1262] : memref<5x128x64xf32, #tpu.memory_space<vmem>> -> memref<1x128x64xf32, #tpu.memory_space<vmem>>
    %dma_start3A_1264 = tpu.memref_squeeze %dma_start3A_1263 : memref<1x128x64xf32, #tpu.memory_space<vmem>> -> memref<128x64xf32, #tpu.memory_space<vmem>>
    %dma_start3A_1265 = arith.constant 0 : i32
    %dma_start3A_1266 = tpu.memref_slice %arg5[%dma_start3A_1259, %dma_start3A_1265] : memref<50x128xi32, #tpu.memory_space<vmem>> -> memref<1x128xi32, #tpu.memory_space<vmem>>
    %dma_start3A_1267 = tpu.memref_squeeze %dma_start3A_1266 : memref<1x128xi32, #tpu.memory_space<vmem>> -> memref<128xi32, #tpu.memory_space<vmem>>
    %dma_start3A_1268 = arith.constant 0 : i32
    %dma_start3A_1269 = arith.constant 0 : i32
    %dma_start3A_1270 = tpu.memref_slice %arg3[%dma_start3A_1268, %dma_start3A_1269] : memref<1000000x64xf32, #tpu.memory_space<hbm>> -> memref<1000000x64xf32, #tpu.memory_space<hbm>>
    tpu.enqueue_indirect_dma source(%dma_start3A_1270 : memref<1000000x64xf32, #tpu.memory_space<hbm>>) target(%dma_start3A_1264 : memref<128x64xf32, #tpu.memory_space<vmem>>) offsets(%dma_start3A_1267 : memref<128xi32, #tpu.memory_space<vmem>>) semaphore(%arg9 : memref<!tpu.dma_semaphore, #tpu.memory_space<semaphore_mem>>)
    %dma_wait3A_1271 = arith.constant 40 : i32
    %dma_wait3A_1272 = arith.constant 0 : i32
    %dma_wait3A_1273 = arith.constant 0 : i32
    %dma_wait3A_1274 = arith.constant 0 : i32
    %dma_wait3A_1275 = tpu.memref_slice %arg6[%dma_wait3A_1272, %dma_wait3A_1273, %dma_wait3A_1274] : memref<5x128x64xf32, #tpu.memory_space<vmem>> -> memref<1x128x64xf32, #tpu.memory_space<vmem>>
    %dma_wait3A_1276 = tpu.memref_squeeze %dma_wait3A_1275 : memref<1x128x64xf32, #tpu.memory_space<vmem>> -> memref<128x64xf32, #tpu.memory_space<vmem>>
    %dma_wait3A_1277 = arith.constant 0 : i32
    %dma_wait3A_1278 = tpu.memref_slice %arg5[%dma_wait3A_1271, %dma_wait3A_1277] : memref<50x128xi32, #tpu.memory_space<vmem>> -> memref<1x128xi32, #tpu.memory_space<vmem>>
    %dma_wait3A_1279 = tpu.memref_squeeze %dma_wait3A_1278 : memref<1x128xi32, #tpu.memory_space<vmem>> -> memref<128xi32, #tpu.memory_space<vmem>>
    %dma_wait3A_1280 = arith.constant 0 : i32
    %dma_wait3A_1281 = arith.constant 0 : i32
    %dma_wait3A_1282 = tpu.memref_slice %arg3[%dma_wait3A_1280, %dma_wait3A_1281] : memref<1000000x64xf32, #tpu.memory_space<hbm>> -> memref<1000000x64xf32, #tpu.memory_space<hbm>>
    tpu.wait_indirect_dma semaphore(%arg8 : memref<!tpu.dma_semaphore, #tpu.memory_space<semaphore_mem>>) src(%dma_wait3A_1282 : memref<1000000x64xf32, #tpu.memory_space<hbm>>) dst(%dma_wait3A_1276 : memref<128x64xf32, #tpu.memory_space<vmem>>)
    %dma_wait3A_1283 = arith.constant 41 : i32
    %dma_wait3A_1284 = arith.constant 1 : i32
    %dma_wait3A_1285 = arith.constant 0 : i32
    %dma_wait3A_1286 = arith.constant 0 : i32
    %dma_wait3A_1287 = tpu.memref_slice %arg6[%dma_wait3A_1284, %dma_wait3A_1285, %dma_wait3A_1286] : memref<5x128x64xf32, #tpu.memory_space<vmem>> -> memref<1x128x64xf32, #tpu.memory_space<vmem>>
    %dma_wait3A_1288 = tpu.memref_squeeze %dma_wait3A_1287 : memref<1x128x64xf32, #tpu.memory_space<vmem>> -> memref<128x64xf32, #tpu.memory_space<vmem>>
    %dma_wait3A_1289 = arith.constant 0 : i32
    %dma_wait3A_1290 = tpu.memref_slice %arg5[%dma_wait3A_1283, %dma_wait3A_1289] : memref<50x128xi32, #tpu.memory_space<vmem>> -> memref<1x128xi32, #tpu.memory_space<vmem>>
    %dma_wait3A_1291 = tpu.memref_squeeze %dma_wait3A_1290 : memref<1x128xi32, #tpu.memory_space<vmem>> -> memref<128xi32, #tpu.memory_space<vmem>>
    %dma_wait3A_1292 = arith.constant 0 : i32
    %dma_wait3A_1293 = arith.constant 0 : i32
    %dma_wait3A_1294 = tpu.memref_slice %arg3[%dma_wait3A_1292, %dma_wait3A_1293] : memref<1000000x64xf32, #tpu.memory_space<hbm>> -> memref<1000000x64xf32, #tpu.memory_space<hbm>>
    tpu.wait_indirect_dma semaphore(%arg8 : memref<!tpu.dma_semaphore, #tpu.memory_space<semaphore_mem>>) src(%dma_wait3A_1294 : memref<1000000x64xf32, #tpu.memory_space<hbm>>) dst(%dma_wait3A_1288 : memref<128x64xf32, #tpu.memory_space<vmem>>)
    %dma_wait3A_1295 = arith.constant 42 : i32
    %dma_wait3A_1296 = arith.constant 2 : i32
    %dma_wait3A_1297 = arith.constant 0 : i32
    %dma_wait3A_1298 = arith.constant 0 : i32
    %dma_wait3A_1299 = tpu.memref_slice %arg6[%dma_wait3A_1296, %dma_wait3A_1297, %dma_wait3A_1298] : memref<5x128x64xf32, #tpu.memory_space<vmem>> -> memref<1x128x64xf32, #tpu.memory_space<vmem>>
    %dma_wait3A_1300 = tpu.memref_squeeze %dma_wait3A_1299 : memref<1x128x64xf32, #tpu.memory_space<vmem>> -> memref<128x64xf32, #tpu.memory_space<vmem>>
    %dma_wait3A_1301 = arith.constant 0 : i32
    %dma_wait3A_1302 = tpu.memref_slice %arg5[%dma_wait3A_1295, %dma_wait3A_1301] : memref<50x128xi32, #tpu.memory_space<vmem>> -> memref<1x128xi32, #tpu.memory_space<vmem>>
    %dma_wait3A_1303 = tpu.memref_squeeze %dma_wait3A_1302 : memref<1x128xi32, #tpu.memory_space<vmem>> -> memref<128xi32, #tpu.memory_space<vmem>>
    %dma_wait3A_1304 = arith.constant 0 : i32
    %dma_wait3A_1305 = arith.constant 0 : i32
    %dma_wait3A_1306 = tpu.memref_slice %arg3[%dma_wait3A_1304, %dma_wait3A_1305] : memref<1000000x64xf32, #tpu.memory_space<hbm>> -> memref<1000000x64xf32, #tpu.memory_space<hbm>>
    tpu.wait_indirect_dma semaphore(%arg8 : memref<!tpu.dma_semaphore, #tpu.memory_space<semaphore_mem>>) src(%dma_wait3A_1306 : memref<1000000x64xf32, #tpu.memory_space<hbm>>) dst(%dma_wait3A_1300 : memref<128x64xf32, #tpu.memory_space<vmem>>)
    %dma_wait3A_1307 = arith.constant 43 : i32
    %dma_wait3A_1308 = arith.constant 3 : i32
    %dma_wait3A_1309 = arith.constant 0 : i32
    %dma_wait3A_1310 = arith.constant 0 : i32
    %dma_wait3A_1311 = tpu.memref_slice %arg6[%dma_wait3A_1308, %dma_wait3A_1309, %dma_wait3A_1310] : memref<5x128x64xf32, #tpu.memory_space<vmem>> -> memref<1x128x64xf32, #tpu.memory_space<vmem>>
    %dma_wait3A_1312 = tpu.memref_squeeze %dma_wait3A_1311 : memref<1x128x64xf32, #tpu.memory_space<vmem>> -> memref<128x64xf32, #tpu.memory_space<vmem>>
    %dma_wait3A_1313 = arith.constant 0 : i32
    %dma_wait3A_1314 = tpu.memref_slice %arg5[%dma_wait3A_1307, %dma_wait3A_1313] : memref<50x128xi32, #tpu.memory_space<vmem>> -> memref<1x128xi32, #tpu.memory_space<vmem>>
    %dma_wait3A_1315 = tpu.memref_squeeze %dma_wait3A_1314 : memref<1x128xi32, #tpu.memory_space<vmem>> -> memref<128xi32, #tpu.memory_space<vmem>>
    %dma_wait3A_1316 = arith.constant 0 : i32
    %dma_wait3A_1317 = arith.constant 0 : i32
    %dma_wait3A_1318 = tpu.memref_slice %arg3[%dma_wait3A_1316, %dma_wait3A_1317] : memref<1000000x64xf32, #tpu.memory_space<hbm>> -> memref<1000000x64xf32, #tpu.memory_space<hbm>>
    tpu.wait_indirect_dma semaphore(%arg8 : memref<!tpu.dma_semaphore, #tpu.memory_space<semaphore_mem>>) src(%dma_wait3A_1318 : memref<1000000x64xf32, #tpu.memory_space<hbm>>) dst(%dma_wait3A_1312 : memref<128x64xf32, #tpu.memory_space<vmem>>)
    %dma_wait3A_1319 = arith.constant 44 : i32
    %dma_wait3A_1320 = arith.constant 4 : i32
    %dma_wait3A_1321 = arith.constant 0 : i32
    %dma_wait3A_1322 = arith.constant 0 : i32
    %dma_wait3A_1323 = tpu.memref_slice %arg6[%dma_wait3A_1320, %dma_wait3A_1321, %dma_wait3A_1322] : memref<5x128x64xf32, #tpu.memory_space<vmem>> -> memref<1x128x64xf32, #tpu.memory_space<vmem>>
    %dma_wait3A_1324 = tpu.memref_squeeze %dma_wait3A_1323 : memref<1x128x64xf32, #tpu.memory_space<vmem>> -> memref<128x64xf32, #tpu.memory_space<vmem>>
    %dma_wait3A_1325 = arith.constant 0 : i32
    %dma_wait3A_1326 = tpu.memref_slice %arg5[%dma_wait3A_1319, %dma_wait3A_1325] : memref<50x128xi32, #tpu.memory_space<vmem>> -> memref<1x128xi32, #tpu.memory_space<vmem>>
    %dma_wait3A_1327 = tpu.memref_squeeze %dma_wait3A_1326 : memref<1x128xi32, #tpu.memory_space<vmem>> -> memref<128xi32, #tpu.memory_space<vmem>>
    %dma_wait3A_1328 = arith.constant 0 : i32
    %dma_wait3A_1329 = arith.constant 0 : i32
    %dma_wait3A_1330 = tpu.memref_slice %arg3[%dma_wait3A_1328, %dma_wait3A_1329] : memref<1000000x64xf32, #tpu.memory_space<hbm>> -> memref<1000000x64xf32, #tpu.memory_space<hbm>>
    tpu.wait_indirect_dma semaphore(%arg8 : memref<!tpu.dma_semaphore, #tpu.memory_space<semaphore_mem>>) src(%dma_wait3A_1330 : memref<1000000x64xf32, #tpu.memory_space<hbm>>) dst(%dma_wait3A_1324 : memref<128x64xf32, #tpu.memory_space<vmem>>)
    %mul3A_1331 = arith.constant 10 : i32
    %mul3A_1332 = arith.muli %add3A, %mul3A_1331 : i32
    %add3A_1333 = arith.constant 8 : i32
    %add3A_1334 = arith.addi %mul3A_1332, %add3A_1333 : i32
    %dma_start3A_1335 = arith.constant 0 : i32
    %dma_start3A_1336 = arith.constant 0 : i32
    %dma_start3A_1337 = arith.constant 0 : i32
    %dma_start3A_1338 = tpu.memref_slice %arg4[%add3A_1334, %dma_start3A_1335, %dma_start3A_1336, %dma_start3A_1337] : memref<320x5x128x64xf32, #tpu.memory_space<hbm>> -> memref<1x5x128x64xf32, #tpu.memory_space<hbm>>
    %dma_start3A_1339 = tpu.memref_squeeze %dma_start3A_1338 : memref<1x5x128x64xf32, #tpu.memory_space<hbm>> -> memref<5x128x64xf32, #tpu.memory_space<hbm>>
    %dma_start3A_1340 = arith.constant 0 : i32
    %dma_start3A_1341 = arith.constant 0 : i32
    %dma_start3A_1342 = arith.constant 0 : i32
    %dma_start3A_1343 = tpu.memref_slice %arg4[%add3A_1334, %dma_start3A_1340, %dma_start3A_1341, %dma_start3A_1342] : memref<320x5x128x64xf32, #tpu.memory_space<hbm>> -> memref<1x5x128x64xf32, #tpu.memory_space<hbm>>
    %dma_start3A_1344 = tpu.memref_squeeze %dma_start3A_1343 : memref<1x5x128x64xf32, #tpu.memory_space<hbm>> -> memref<5x128x64xf32, #tpu.memory_space<hbm>>
    tpu.enqueue_dma source(%arg6 : memref<5x128x64xf32, #tpu.memory_space<vmem>>) target(%dma_start3A_1344 : memref<5x128x64xf32, #tpu.memory_space<hbm>>) target_semaphore(%arg10 : memref<!tpu.dma_semaphore, #tpu.memory_space<semaphore_mem>>)
    %dma_wait3A_1345 = arith.constant 45 : i32
    %dma_wait3A_1346 = arith.constant 0 : i32
    %dma_wait3A_1347 = arith.constant 0 : i32
    %dma_wait3A_1348 = arith.constant 0 : i32
    %dma_wait3A_1349 = tpu.memref_slice %arg7[%dma_wait3A_1346, %dma_wait3A_1347, %dma_wait3A_1348] : memref<5x128x64xf32, #tpu.memory_space<vmem>> -> memref<1x128x64xf32, #tpu.memory_space<vmem>>
    %dma_wait3A_1350 = tpu.memref_squeeze %dma_wait3A_1349 : memref<1x128x64xf32, #tpu.memory_space<vmem>> -> memref<128x64xf32, #tpu.memory_space<vmem>>
    %dma_wait3A_1351 = arith.constant 0 : i32
    %dma_wait3A_1352 = tpu.memref_slice %arg5[%dma_wait3A_1345, %dma_wait3A_1351] : memref<50x128xi32, #tpu.memory_space<vmem>> -> memref<1x128xi32, #tpu.memory_space<vmem>>
    %dma_wait3A_1353 = tpu.memref_squeeze %dma_wait3A_1352 : memref<1x128xi32, #tpu.memory_space<vmem>> -> memref<128xi32, #tpu.memory_space<vmem>>
    %dma_wait3A_1354 = arith.constant 0 : i32
    %dma_wait3A_1355 = arith.constant 0 : i32
    %dma_wait3A_1356 = tpu.memref_slice %arg3[%dma_wait3A_1354, %dma_wait3A_1355] : memref<1000000x64xf32, #tpu.memory_space<hbm>> -> memref<1000000x64xf32, #tpu.memory_space<hbm>>
    tpu.wait_indirect_dma semaphore(%arg9 : memref<!tpu.dma_semaphore, #tpu.memory_space<semaphore_mem>>) src(%dma_wait3A_1356 : memref<1000000x64xf32, #tpu.memory_space<hbm>>) dst(%dma_wait3A_1350 : memref<128x64xf32, #tpu.memory_space<vmem>>)
    %dma_wait3A_1357 = arith.constant 46 : i32
    %dma_wait3A_1358 = arith.constant 1 : i32
    %dma_wait3A_1359 = arith.constant 0 : i32
    %dma_wait3A_1360 = arith.constant 0 : i32
    %dma_wait3A_1361 = tpu.memref_slice %arg7[%dma_wait3A_1358, %dma_wait3A_1359, %dma_wait3A_1360] : memref<5x128x64xf32, #tpu.memory_space<vmem>> -> memref<1x128x64xf32, #tpu.memory_space<vmem>>
    %dma_wait3A_1362 = tpu.memref_squeeze %dma_wait3A_1361 : memref<1x128x64xf32, #tpu.memory_space<vmem>> -> memref<128x64xf32, #tpu.memory_space<vmem>>
    %dma_wait3A_1363 = arith.constant 0 : i32
    %dma_wait3A_1364 = tpu.memref_slice %arg5[%dma_wait3A_1357, %dma_wait3A_1363] : memref<50x128xi32, #tpu.memory_space<vmem>> -> memref<1x128xi32, #tpu.memory_space<vmem>>
    %dma_wait3A_1365 = tpu.memref_squeeze %dma_wait3A_1364 : memref<1x128xi32, #tpu.memory_space<vmem>> -> memref<128xi32, #tpu.memory_space<vmem>>
    %dma_wait3A_1366 = arith.constant 0 : i32
    %dma_wait3A_1367 = arith.constant 0 : i32
    %dma_wait3A_1368 = tpu.memref_slice %arg3[%dma_wait3A_1366, %dma_wait3A_1367] : memref<1000000x64xf32, #tpu.memory_space<hbm>> -> memref<1000000x64xf32, #tpu.memory_space<hbm>>
    tpu.wait_indirect_dma semaphore(%arg9 : memref<!tpu.dma_semaphore, #tpu.memory_space<semaphore_mem>>) src(%dma_wait3A_1368 : memref<1000000x64xf32, #tpu.memory_space<hbm>>) dst(%dma_wait3A_1362 : memref<128x64xf32, #tpu.memory_space<vmem>>)
    %dma_wait3A_1369 = arith.constant 47 : i32
    %dma_wait3A_1370 = arith.constant 2 : i32
    %dma_wait3A_1371 = arith.constant 0 : i32
    %dma_wait3A_1372 = arith.constant 0 : i32
    %dma_wait3A_1373 = tpu.memref_slice %arg7[%dma_wait3A_1370, %dma_wait3A_1371, %dma_wait3A_1372] : memref<5x128x64xf32, #tpu.memory_space<vmem>> -> memref<1x128x64xf32, #tpu.memory_space<vmem>>
    %dma_wait3A_1374 = tpu.memref_squeeze %dma_wait3A_1373 : memref<1x128x64xf32, #tpu.memory_space<vmem>> -> memref<128x64xf32, #tpu.memory_space<vmem>>
    %dma_wait3A_1375 = arith.constant 0 : i32
    %dma_wait3A_1376 = tpu.memref_slice %arg5[%dma_wait3A_1369, %dma_wait3A_1375] : memref<50x128xi32, #tpu.memory_space<vmem>> -> memref<1x128xi32, #tpu.memory_space<vmem>>
    %dma_wait3A_1377 = tpu.memref_squeeze %dma_wait3A_1376 : memref<1x128xi32, #tpu.memory_space<vmem>> -> memref<128xi32, #tpu.memory_space<vmem>>
    %dma_wait3A_1378 = arith.constant 0 : i32
    %dma_wait3A_1379 = arith.constant 0 : i32
    %dma_wait3A_1380 = tpu.memref_slice %arg3[%dma_wait3A_1378, %dma_wait3A_1379] : memref<1000000x64xf32, #tpu.memory_space<hbm>> -> memref<1000000x64xf32, #tpu.memory_space<hbm>>
    tpu.wait_indirect_dma semaphore(%arg9 : memref<!tpu.dma_semaphore, #tpu.memory_space<semaphore_mem>>) src(%dma_wait3A_1380 : memref<1000000x64xf32, #tpu.memory_space<hbm>>) dst(%dma_wait3A_1374 : memref<128x64xf32, #tpu.memory_space<vmem>>)
    %dma_wait3A_1381 = arith.constant 48 : i32
    %dma_wait3A_1382 = arith.constant 3 : i32
    %dma_wait3A_1383 = arith.constant 0 : i32
    %dma_wait3A_1384 = arith.constant 0 : i32
    %dma_wait3A_1385 = tpu.memref_slice %arg7[%dma_wait3A_1382, %dma_wait3A_1383, %dma_wait3A_1384] : memref<5x128x64xf32, #tpu.memory_space<vmem>> -> memref<1x128x64xf32, #tpu.memory_space<vmem>>
    %dma_wait3A_1386 = tpu.memref_squeeze %dma_wait3A_1385 : memref<1x128x64xf32, #tpu.memory_space<vmem>> -> memref<128x64xf32, #tpu.memory_space<vmem>>
    %dma_wait3A_1387 = arith.constant 0 : i32
    %dma_wait3A_1388 = tpu.memref_slice %arg5[%dma_wait3A_1381, %dma_wait3A_1387] : memref<50x128xi32, #tpu.memory_space<vmem>> -> memref<1x128xi32, #tpu.memory_space<vmem>>
    %dma_wait3A_1389 = tpu.memref_squeeze %dma_wait3A_1388 : memref<1x128xi32, #tpu.memory_space<vmem>> -> memref<128xi32, #tpu.memory_space<vmem>>
    %dma_wait3A_1390 = arith.constant 0 : i32
    %dma_wait3A_1391 = arith.constant 0 : i32
    %dma_wait3A_1392 = tpu.memref_slice %arg3[%dma_wait3A_1390, %dma_wait3A_1391] : memref<1000000x64xf32, #tpu.memory_space<hbm>> -> memref<1000000x64xf32, #tpu.memory_space<hbm>>
    tpu.wait_indirect_dma semaphore(%arg9 : memref<!tpu.dma_semaphore, #tpu.memory_space<semaphore_mem>>) src(%dma_wait3A_1392 : memref<1000000x64xf32, #tpu.memory_space<hbm>>) dst(%dma_wait3A_1386 : memref<128x64xf32, #tpu.memory_space<vmem>>)
    %dma_wait3A_1393 = arith.constant 49 : i32
    %dma_wait3A_1394 = arith.constant 4 : i32
    %dma_wait3A_1395 = arith.constant 0 : i32
    %dma_wait3A_1396 = arith.constant 0 : i32
    %dma_wait3A_1397 = tpu.memref_slice %arg7[%dma_wait3A_1394, %dma_wait3A_1395, %dma_wait3A_1396] : memref<5x128x64xf32, #tpu.memory_space<vmem>> -> memref<1x128x64xf32, #tpu.memory_space<vmem>>
    %dma_wait3A_1398 = tpu.memref_squeeze %dma_wait3A_1397 : memref<1x128x64xf32, #tpu.memory_space<vmem>> -> memref<128x64xf32, #tpu.memory_space<vmem>>
    %dma_wait3A_1399 = arith.constant 0 : i32
    %dma_wait3A_1400 = tpu.memref_slice %arg5[%dma_wait3A_1393, %dma_wait3A_1399] : memref<50x128xi32, #tpu.memory_space<vmem>> -> memref<1x128xi32, #tpu.memory_space<vmem>>
    %dma_wait3A_1401 = tpu.memref_squeeze %dma_wait3A_1400 : memref<1x128xi32, #tpu.memory_space<vmem>> -> memref<128xi32, #tpu.memory_space<vmem>>
    %dma_wait3A_1402 = arith.constant 0 : i32
    %dma_wait3A_1403 = arith.constant 0 : i32
    %dma_wait3A_1404 = tpu.memref_slice %arg3[%dma_wait3A_1402, %dma_wait3A_1403] : memref<1000000x64xf32, #tpu.memory_space<hbm>> -> memref<1000000x64xf32, #tpu.memory_space<hbm>>
    tpu.wait_indirect_dma semaphore(%arg9 : memref<!tpu.dma_semaphore, #tpu.memory_space<semaphore_mem>>) src(%dma_wait3A_1404 : memref<1000000x64xf32, #tpu.memory_space<hbm>>) dst(%dma_wait3A_1398 : memref<128x64xf32, #tpu.memory_space<vmem>>)
    %mul3A_1405 = arith.constant 10 : i32
    %mul3A_1406 = arith.muli %add3A, %mul3A_1405 : i32
    %add3A_1407 = arith.constant 9 : i32
    %add3A_1408 = arith.addi %mul3A_1406, %add3A_1407 : i32
    %dma_start3A_1409 = arith.constant 0 : i32
    %dma_start3A_1410 = arith.constant 0 : i32
    %dma_start3A_1411 = arith.constant 0 : i32
    %dma_start3A_1412 = tpu.memref_slice %arg4[%add3A_1408, %dma_start3A_1409, %dma_start3A_1410, %dma_start3A_1411] : memref<320x5x128x64xf32, #tpu.memory_space<hbm>> -> memref<1x5x128x64xf32, #tpu.memory_space<hbm>>
    %dma_start3A_1413 = tpu.memref_squeeze %dma_start3A_1412 : memref<1x5x128x64xf32, #tpu.memory_space<hbm>> -> memref<5x128x64xf32, #tpu.memory_space<hbm>>
    %dma_start3A_1414 = arith.constant 0 : i32
    %dma_start3A_1415 = arith.constant 0 : i32
    %dma_start3A_1416 = arith.constant 0 : i32
    %dma_start3A_1417 = tpu.memref_slice %arg4[%add3A_1408, %dma_start3A_1414, %dma_start3A_1415, %dma_start3A_1416] : memref<320x5x128x64xf32, #tpu.memory_space<hbm>> -> memref<1x5x128x64xf32, #tpu.memory_space<hbm>>
    %dma_start3A_1418 = tpu.memref_squeeze %dma_start3A_1417 : memref<1x5x128x64xf32, #tpu.memory_space<hbm>> -> memref<5x128x64xf32, #tpu.memory_space<hbm>>
    tpu.enqueue_dma source(%arg7 : memref<5x128x64xf32, #tpu.memory_space<vmem>>) target(%dma_start3A_1418 : memref<5x128x64xf32, #tpu.memory_space<hbm>>) target_semaphore(%arg11 : memref<!tpu.dma_semaphore, #tpu.memory_space<semaphore_mem>>)
    %dma_wait3A_1419 = arith.constant 0 : i32
    %dma_wait3A_1420 = arith.constant 0 : i32
    %dma_wait3A_1421 = arith.constant 0 : i32
    %dma_wait3A_1422 = tpu.memref_slice %arg4[%add3A_1334, %dma_wait3A_1419, %dma_wait3A_1420, %dma_wait3A_1421] : memref<320x5x128x64xf32, #tpu.memory_space<hbm>> -> memref<1x5x128x64xf32, #tpu.memory_space<hbm>>
    %dma_wait3A_1423 = tpu.memref_squeeze %dma_wait3A_1422 : memref<1x5x128x64xf32, #tpu.memory_space<hbm>> -> memref<5x128x64xf32, #tpu.memory_space<hbm>>
    %dma_wait3A_1424 = arith.constant 0 : i32
    %dma_wait3A_1425 = arith.constant 0 : i32
    %dma_wait3A_1426 = arith.constant 0 : i32
    %dma_wait3A_1427 = tpu.memref_slice %arg4[%add3A_1334, %dma_wait3A_1424, %dma_wait3A_1425, %dma_wait3A_1426] : memref<320x5x128x64xf32, #tpu.memory_space<hbm>> -> memref<1x5x128x64xf32, #tpu.memory_space<hbm>>
    %dma_wait3A_1428 = tpu.memref_squeeze %dma_wait3A_1427 : memref<1x5x128x64xf32, #tpu.memory_space<hbm>> -> memref<5x128x64xf32, #tpu.memory_space<hbm>>
    tpu.wait_dma2 semaphore(%arg10 : memref<!tpu.dma_semaphore, #tpu.memory_space<semaphore_mem>>) src(%arg6 : memref<5x128x64xf32, #tpu.memory_space<vmem>>) dst(%dma_wait3A_1428 : memref<5x128x64xf32, #tpu.memory_space<hbm>>)
    %dma_wait3A_1429 = arith.constant 0 : i32
    %dma_wait3A_1430 = arith.constant 0 : i32
    %dma_wait3A_1431 = arith.constant 0 : i32
    %dma_wait3A_1432 = tpu.memref_slice %arg4[%add3A_1408, %dma_wait3A_1429, %dma_wait3A_1430, %dma_wait3A_1431] : memref<320x5x128x64xf32, #tpu.memory_space<hbm>> -> memref<1x5x128x64xf32, #tpu.memory_space<hbm>>
    %dma_wait3A_1433 = tpu.memref_squeeze %dma_wait3A_1432 : memref<1x5x128x64xf32, #tpu.memory_space<hbm>> -> memref<5x128x64xf32, #tpu.memory_space<hbm>>
    %dma_wait3A_1434 = arith.constant 0 : i32
    %dma_wait3A_1435 = arith.constant 0 : i32
    %dma_wait3A_1436 = arith.constant 0 : i32
    %dma_wait3A_1437 = tpu.memref_slice %arg4[%add3A_1408, %dma_wait3A_1434, %dma_wait3A_1435, %dma_wait3A_1436] : memref<320x5x128x64xf32, #tpu.memory_space<hbm>> -> memref<1x5x128x64xf32, #tpu.memory_space<hbm>>
    %dma_wait3A_1438 = tpu.memref_squeeze %dma_wait3A_1437 : memref<1x5x128x64xf32, #tpu.memory_space<hbm>> -> memref<5x128x64xf32, #tpu.memory_space<hbm>>
    tpu.wait_dma2 semaphore(%arg11 : memref<!tpu.dma_semaphore, #tpu.memory_space<semaphore_mem>>) src(%arg7 : memref<5x128x64xf32, #tpu.memory_space<vmem>>) dst(%dma_wait3A_1438 : memref<5x128x64xf32, #tpu.memory_space<hbm>>)
    return
  }
}

</mosaic_0001>

<sc_bundles>
// kernel: kernel.3.cloned.1.call-start
scs
__scs_entry_jumppad:
0x0: {  	(pc) =	sbr.rel $0x88, $3  }
0x1: {  	(tag) =	ssettag $0x0;
	lr =	simm.s32 $0x1  }
0x2: {  	[smem:$0x3F9F] =	sst lr;
	_ =	strace $0xD0000000  }
0x3: {  	_ = 	snop  }
0x4: {  	_ = 	snop  }
0x5: {  	_ = 	snop  }
0x6: {  	_ = 	snop  }
0x7: {  	_ = 	snop  }
__scs_overlays_trampoline_lowered:
0x8: {  	[smem:$0x3FAE] =	sst s0  }
0x9: {  	[smem:$0x3FAF] =	sst s1  }
0xa: {  	[smem:$0x3FB0] =	sst s2  }
0xb: {  	[smem:$0x3FB1] =	sst s3  }
0xc: {  	[smem:$0x3FB2] =	sst s4  }
0xd: {  	[smem:$0x3FB3] =	sst s5  }
0xe: {  	[smem:$0x3FB4] =	sst s6  }
0xf: {  	[smem:$0x3FB5] =	sst s7  }
0x10: {  	[smem:$0x3FB6] =	sst s8  }
0x11: {  	[smem:$0x3FB7] =	sst s9;
	s0 =	simm.s32 @!p0 $0x0  }
0x12: {  	s1 =	sld [smem:$0x3F9D];
	s0 =	simm.s32 @p0 $0x1  }
0x13: {  	[smem:$0x3FB8] =	sst s0;
	s0 =	simm.s32 @!p1 $0x0  }
0x14: {  	s2 =	sld [smem:$0x3F9C];
	s0 =	simm.s32 @p1 $0x1  }
0x15: {  	[smem:$0x3FB9] =	sst s0;
	s0 =	simm.s32 @!p2 $0x0  }
0x16: {  	s3 =	sld [smem:$0x3FDB];
	s0 =	simm.s32 @p2 $0x1  }
0x17: {  	s4 =	simm.s32 $0x1BF5;
	[smem:$0x3FBB] =	sst s0  }
0x18: {  	s0 =	sld [smem:$0x3F9E];
	_ =	swait.ge [sflag:s4], $0x0  }
0x19: {  	s7 =	sld [smem:$0x3F9F]  }
0x1a: {  	s8 =	sadd.s32 $0xFFFFE003, lr  }
0x1b: {  	s9 =	sadd.s32 $0xFFFFFEF7, lr;
	s5 =	simm.s32 $0xFFFFFFFF;
	p2 =	slt.u32 s8, $0xFFFFF086  }
0x1c: {  	p1 =	slt.u32 s9, $0xF7A;
	s5 =	simm.s32 @!p2 $0x0  }
0x1d: {  	s5 =	simm.s32 @p1 $0x1;
	p0 =	seq.s32 s7, s2  }
0x1e: {  	s7 =	smul.u32 @!p0 $0xF7A, s2;
	p2 =	seq.s32 @!p0 s5, $0x0  }
0x1f: {  	s9 =	smul.u32 $0xF7A, s1;
	s8 =	simm.s32 @!p0 $0x1BF5;
	p2 =	por !p2, p0  }
0x20: {  	[sflag:s8] =	ssyncset.s32 @!p0 $0xFFFFF086;
	s6 =	sadd.s32 @!p0 s3, s7;
	s7 =	simm.s32 @!p0 $0x108  }
0x21: {  	s3 =	sadd.s32 s3, s9;
	s6 =	sadd.s32 @!p0 $0x88, s6;
	s7 =	simm.s32 @p2 $0x1082  }
0x22: {  	[simem:s7], [sflag:s8] =	dma.local @!p0 [hbm:s6], $0xF7A  }
0x23: {  	s9 =	sor.u32 $0xD0000000, s2;
	s6 =	simm.s32 $0x108;
	_ =	swait.ge @!p0 [sflag:s8], $0x0  }
0x24: {  	s3 =	sadd.s32 $0x88, s3;
	s6 =	simm.s32 @!p1 $0x1082;
	[sflag:s4] =	ssyncset.s32 $0xFFFFF086  }
0x25: {  	[simem:s6], [sflag:s4] =	dma.local [hbm:s3], $0xF7A  }
0x26: {  	[smem:$0x3F9F] =	sst s1;
	(tag) =	ssettag s2;
	_ =	strace s9  }
0x27: {  	s1 =	sld [smem:$0x3FAF]  }
0x28: {  	s2 =	sld [smem:$0x3FB0]  }
0x29: {  	s4 =	sld [smem:$0x3FB2]  }
0x2a: {  	p0 =	seq.s32 s5, $0x0;
	s5 =	sld [smem:$0x3FB3]  }
0x2b: {  	s6 =	sld [smem:$0x3FB4]  }
0x2c: {  	s7 =	sld [smem:$0x3FB5]  }
0x2d: {  	s3 =	simm.s32 $0x108;
	s8 =	sld [smem:$0x3FB6]  }
0x2e: {  	s3 =	simm.s32 @!p0 $0x1082;
	s9 =	sld [smem:$0x3FB7]  }
0x2f: {  	lr =	sadd.s32 s0, s3;
	s0 =	sld [smem:$0x3FAE]  }
0x30: {  	s3 =	sld [smem:$0x3FB1]  }
0x31: {  	[smem:$0x3FBA] =	sst s10  }
0x32: {  	s10 =	sld [smem:$0x3FB8];
	_ =	sdelay $0x3  }
0x33: {  	p0 =	seq.s32 s10, $0x1;
	s10 =	sld [smem:$0x3FBA];
	_ =	sdelay $0x3  }
0x34: {  	[smem:$0x3FBA] =	sst s10  }
0x35: {  	s10 =	sld [smem:$0x3FB9];
	_ =	sdelay $0x3  }
0x36: {  	p1 =	seq.s32 s10, $0x1;
	s10 =	sld [smem:$0x3FBA];
	_ =	sdelay $0x3  }
0x37: {  	[smem:$0x3FBA] =	sst s10  }
0x38: {  	s10 =	sld [smem:$0x3FBB]  }
0x39: {  	_ = 	snop;
	(pc) =	sbr.ind lr, $3  }
0x3a: {  	_ = 	snop  }
0x3b: {  	_ = 	snop  }
0x3c: {  	p2 =	seq.s32 s10, $0x1;
	s10 =	sld [smem:$0x3FBA]  }
0x3d: {  	_ =	shalt  }
0x3e: {  	_ =	shalt  }
0x3f: {  	_ =	shalt  }
0x40: {  	_ =	shalt  }
0x41: {  	_ =	shalt  }
0x42: {  	_ =	shalt  }
0x43: {  	_ =	shalt  }
0x44: {  	_ =	shalt  }
0x45: {  	_ =	shalt  }
0x46: {  	_ =	shalt  }
0x47: {  	_ =	shalt  }
0x48: {  	_ =	shalt  }
0x49: {  	_ =	shalt  }
0x4a: {  	_ =	shalt  }
0x4b: {  	_ =	shalt  }
0x4c: {  	_ =	shalt  }
0x4d: {  	_ =	shalt  }
0x4e: {  	_ =	shalt  }
0x4f: {  	_ =	shalt  }
0x50: {  	_ =	shalt  }
0x51: {  	_ =	shalt  }
0x52: {  	_ =	shalt  }
0x53: {  	_ =	shalt  }
0x54: {  	_ =	shalt  }
0x55: {  	_ =	shalt  }
0x56: {  	_ =	shalt  }
0x57: {  	_ =	shalt  }
0x58: {  	_ =	shalt  }
0x59: {  	_ =	shalt  }
0x5a: {  	_ =	shalt  }
0x5b: {  	_ =	shalt  }
0x5c: {  	_ =	shalt  }
0x5d: {  	_ =	shalt  }
0x5e: {  	_ =	shalt  }
0x5f: {  	_ =	shalt  }
0x60: {  	_ =	shalt  }
0x61: {  	_ =	shalt  }
0x62: {  	_ =	shalt  }
0x63: {  	_ =	shalt  }
0x64: {  	_ =	shalt  }
0x65: {  	_ =	shalt  }
0x66: {  	_ =	shalt  }
0x67: {  	_ =	shalt  }
0x68: {  	_ =	shalt  }
0x69: {  	_ =	shalt  }
0x6a: {  	_ =	shalt  }
0x6b: {  	_ =	shalt  }
0x6c: {  	_ =	shalt  }
0x6d: {  	_ =	shalt  }
0x6e: {  	_ =	shalt  }
0x6f: {  	_ =	shalt  }
0x70: {  	_ =	shalt  }
0x71: {  	_ =	shalt  }
0x72: {  	_ =	shalt  }
0x73: {  	_ =	shalt  }
0x74: {  	_ =	shalt  }
0x75: {  	_ =	shalt  }
0x76: {  	_ =	shalt  }
0x77: {  	_ =	shalt  }
0x78: {  	_ =	shalt  }
0x79: {  	_ =	shalt  }
0x7a: {  	_ =	shalt  }
0x7b: {  	_ =	shalt  }
0x7c: {  	_ =	shalt  }
0x7d: {  	_ =	shalt  }
0x7e: {  	_ =	shalt  }
0x7f: {  	_ =	shalt  }
0x80: {  	_ =	shalt  }
0x81: {  	_ =	shalt  }
0x82: {  	_ =	shalt  }
0x83: {  	_ =	shalt  }
0x84: {  	_ =	shalt  }
0x85: {  	_ =	shalt  }
0x86: {  	_ =	shalt  }
0x87: {  	_ =	shalt  }
.Lfunc_end0:
.L_simem_size_0:
called_computation.1_lowered:
.L_overlay_start_0:
0x88: {  	s2 =	sld [smem:$0x3FD9]  }
0x89: {  	s3 =	sld [smem:$0x3FFE];
	_ =	sdelay $0x1  }
0x8a: {  	s1 =	srdreg.scid  }
0x8b: {  	s0 =	sand.u32 $0x1, s1  }
0x8c: {  	s17 =	sshll.u32 s0, $0xA;
	s2 =	sadd.s32 s3, s2  }
0x8d: {  	s2 =	sadd.s32 s2, s17  }
0x8e: {  	[smem:$0x3FC6] =	sst s2  }
0x8f: {  	_ = 	snop  }
0x90: {  	s2 =	sld [smem:$0x3FD0];
	(tm) =	ssettm $0x1  }
0x91: {  	s18 =	sld [smem:$0x3FFB];
	_ =	sdelay $0x3  }
0x92: {  	_ =	strace s18  }
0x93: {  	s3 =	sld [smem:$0x3FFC];
	_ =	sdelay $0x3  }
0x94: {  	_ =	strace s3  }
0x95: {  	s3 =	sld [smem:$0x3FFD];
	_ =	sdelay $0x3  }
0x96: {  	_ =	strace s3  }
0x97: {  	_ =	strace $0x8FFFFFFF  }
0x98: {  	s19 =	sld [smem:$0x3FDB];
	_ =	sdelay $0x1  }
0x99: {  	s4 =	simm.s32 $_scs_section_size  }
0x9a: {  	s5 =	simm.s32 $_size__tile_overlayer_lowered;
	s6 =	simm.s32 $_tile_overlayer_lowered  }
0x9b: {  	s22 =	simm.s32 $0x1BFF;
	s21 =	sshll.u32 s6, $0x1;
	s3 =	sadd.s32 s4, s19  }
0x9c: {  	s7 =	simm.s32 $0x0;
	s20 =	sshll.u32 s5, $0x1;
	s5 =	sadd.s32 s21, s3  }
0x9d: {  	[timem:s7], [sflag:s22] =	dma.local [hbm:s5], s20  }
0x9e: {  	_ =	swait.ge [sflag:s22], s20  }
0x9f: {  	s4 =	ssub.s32 $0x0, s20;
	[sflag:s22] =	ssyncset.done $0x0  }
0xa0: {  	[sflag:s22] =	ssyncadd.s32 s4;
	_ =	sdelay $0x1  }
0xa1: {  	s23 =	simm.s32 $0x1B8B  }
0xa2: {  	_ =	swait.ge [sflag:s23], $0x1  }
0xa3: {  	[sflag:s23] =	ssyncset.done $0x0  }
0xa4: {  	s25 =	simm.s32 $0x1B8E;
	s24 =	sld [smem:$0x3FFE];
	[sflag:s23] =	ssyncadd.s32 $0xFFFFFFFF  }
0xa5: {  	s26 =	simm.s32 $execute0_lowered;
	[smem:$0x3FD2] =	sst s25  }
0xa6: {  	s5 =	sshll.u32 s26, $0x1;
	_ =	strace $0x80000046;
	[dreg:$0x1] =	wrdreg $0xFFFFFFFF  }
0xa7: {  	s28 =	simm.s32 $_size_execute0_lowered;
	s3 =	sadd.s32 s3, s5;
	[dreg:$0x0] =	wrdreg $0x0  }
0xa8: {  	s5 =	sshll.u32 s28, $0x1;
	[dreg:$0x2] =	wrdreg s3  }
0xa9: {  	[dreg:$0x3] =	wrdreg s5  }
0xaa: {  	[dreg:$0x4] =	wrdreg $0xC0  }
0xab: {  	_ =	task [dreg:s7], $0x5FFFF  }
0xac: {  	[dreg:$0x1] =	wrdreg $0xFFFFFFFF  }
0xad: {  	[dreg:$0x0] =	wrdreg $0x60  }
0xae: {  	[dreg:$0x2] =	wrdreg s24  }
0xaf: {  	[dreg:$0x3] =	wrdreg s2  }
0xb0: {  	[dreg:$0x4] =	wrdreg $0x9  }
0xb1: {  	_ =	task.clear_ibuf [dreg:s7], $0x5FFFF;
	_ =	strace $0x90000046  }
0xb2: {  	s29 =	simm.s32 $0x9;
	_ =	strace $0x80000048  }
0xb3: {  	_ =	swait.ge [sflag:s29], $0x1  }
0xb4: {  	[sflag:s29] =	ssyncadd.s32 $0xFFFFFFFF  }
0xb5: {  	_ =	strace $0x90000048  }
0xb6: {  	_ =	sfence  }
0xb7: {  	s30 =	sld [smem:$0x0];
	_ =	sdelay $0x2  }
0xb8: {  	s31 =	sshll.u32 s1, $0xD;
	s1 =	sshrl.u32 s1, $0x2  }
0xb9: {  	s3 =	sand.u32 $0x4000, s31;
	s1 =	sadd.s32 s1, s30  }
0xba: {  	s0 =	sor.u32 s3, s0;
	s1 =	sshll.u32 s1, $0x11  }
0xbb: {  	s0 =	sor.u32 s1, s0  }
0xbc: {  	s0 =	sadd.s32 $0x8F2B, s0  }
0xbd: {  	[sflag:s0] =	ssyncadd.remote.s32 $0x1  }
0xbe: {  	_ =	sfence.sel $0xFFFF  }
0xbf: {  	[dreg:$0x0] =	wrdreg $0xFFFFFFFF;
	(pc) =	sbr.abs _section_cstart, $3  }
0xc0: {  	[dreg:$0x1] =	wrdreg $0xFFFFFFFF  }
0xc1: {  	_ =	task.clear_ibuf [dreg:s7], $0x2FFFF;
	_ =	strace $0x9FFFFFFF  }
0xc2: {  	(tm) =	ssettm $0x7FFFFFFF  }
0xc3: {  	_ =	shalt  }
tec
execute0_lowered:
.L_overlay_start_1:
0x0: {  	(tag) =	ssettag $0x1  }
0x1: {  	s3 =	rddreg [dreg:$0x0]  }
0x2: {  	s4 =	rddreg [dreg:$0x1];
	s2 =	simm.s32 $0x0  }
0x3: {  	s7 =	simm.s32 $0x200;
	[smem:$0x7FF] =	sst s2  }
0x4: {  	s8 =	simm.s32 $0x280;
	_ =	strace $0x80000047;
	[dreg:$0x10] =	wrdreg s7  }
0x5: {  	s9 =	simm.s32 $0x300;
	[dreg:$0x11] =	wrdreg s8  }
0x6: {  	s10 =	simm.s32 $0x380;
	[dreg:$0x12] =	wrdreg s9  }
0x7: {  	s11 =	simm.s32 $0x400;
	[dreg:$0x13] =	wrdreg s10  }
0x8: {  	s12 =	simm.s32 $0x480;
	[dreg:$0x14] =	wrdreg s11  }
0x9: {  	s0 =	srdreg.scid;
	s13 =	simm.s32 $0x500;
	[dreg:$0x15] =	wrdreg s12  }
0xa: {  	s19 =	stileid.u32;
	s14 =	simm.s32 $0x580;
	[dreg:$0x16] =	wrdreg s13  }
0xb: {  	s15 =	simm.s32 $0x600;
	s16 =	simm.s32 $0x680;
	[dreg:$0x17] =	wrdreg s14  }
0xc: {  	s1 =	sand.u32 $0x1, s0;
	s17 =	sshll.u32 s19, $0x1;
	[dreg:$0x18] =	wrdreg s15  }
0xd: {  	s0 =	sor.u32 s1, s17;
	[dreg:$0x19] =	wrdreg s16;
	s17 =	simm.s32 $0x700  }
0xe: {  	s7 =	simm.s32 $0xC00;
	[dreg:$0x1a] =	wrdreg s17  }
0xf: {  	s8 =	simm.s32 $0xC80;
	[smem:$0x7EF] =	sst s7  }
0x10: {  	s9 =	simm.s32 $0xD00;
	[smem:$0x7F0] =	sst s8  }
0x11: {  	s10 =	simm.s32 $0xD80;
	[smem:$0x7F1] =	sst s9  }
0x12: {  	s11 =	simm.s32 $0xE00;
	s5 =	smul.u32 $0x320, s0;
	[smem:$0x7F2] =	sst s10  }
0x13: {  	s12 =	simm.s32 $0xE80;
	s6 =	smul.u32 $0x64000, s0;
	[smem:$0x7F3] =	sst s11  }
0x14: {  	s13 =	simm.s32 $0xF00;
	s0 =	smul.u32 $0xC800, s0;
	[smem:$0x7F4] =	sst s12  }
0x15: {  	s14 =	simm.s32 $0xF80;
	[smem:$0x7F5] =	sst s13  }
0x16: {  	[smem:$0x7F6] =	sst s14;
	s5 =	sadd.s32 s5, s3;
	s0 =	sadd.s32 s4, s0  }
0x17: {  	s6 =	sshrl.u32 s6, $0x3;
	s5 =	sadd.s32 $0xA00, s5;
	[dreg:$0x4] =	wrdreg s0  }
0x18: {  	s4 =	sadd.s32 s4, s6;
	s6 =	simm.s32 $0x180;
	[dreg:$0x3] =	wrdreg s5  }
0x19: {  	s18 =	sadd.s32 $0x1400, s4;
	[dreg:$0xf] =	wrdreg s6  }
0x1a: {  	s31 =	simm.s32 $0x5;
	s20 =	sadd.s32 $0x2800, s4;
	[dreg:$0x5] =	wrdreg s18  }
0x1b: {  	s28 =	simm.s32 $0x1500;
	s21 =	sadd.s32 $0x3C00, s4;
	[dreg:$0x6] =	wrdreg s20  }
0x1c: {  	s29 =	simm.s32 $0x1580;
	s22 =	sadd.s32 $0x5000, s4;
	[dreg:$0x7] =	wrdreg s21  }
0x1d: {  	p0 =	por $0x0, $0x0;
	s23 =	sadd.s32 $0x6400, s4;
	[dreg:$0x8] =	wrdreg s22  }
0x1e: {  	s30 =	simm.s32 $0x1600;
	s24 =	sadd.s32 $0x7800, s4;
	[dreg:$0x9] =	wrdreg s23  }
0x1f: {  	s1 =	ssub.s32 $0x2, s1;
	s25 =	sadd.s32 $0x8C00, s4;
	[dreg:$0xa] =	wrdreg s24  }
0x20: {  	s15 =	simm.s32 $0x3900;
	s26 =	sadd.s32 $0xA000, s4;
	[dreg:$0xb] =	wrdreg s25  }
0x21: {  	s16 =	simm.s32 $0x5900;
	s4 =	sadd.s32 $0xB400, s4;
	[dreg:$0xc] =	wrdreg s26  }
0x22: {  	s7 =	simm.s32 $0x80;
	s5 =	simm.s32 $0x100;
	[dreg:$0xd] =	wrdreg s4  }
0x23: {  	s17 =	simm.s32 $0x7900;
	s6 =	simm.s32 $0xB80;
	[dreg:$0xe] =	wrdreg s5  }
0x24: {  	s11 =	simm.s32 $0xD900;
	s12 =	simm.s32 $0xF900;
	[smem:$0x7EE] =	sst s6  }
0x25: {  	s13 =	simm.s32 $0x11900;
	s18 =	simm.s32 $0x780;
	s0 =	rddreg [dreg:$0x3]  }
0x26: {  	s14 =	simm.s32 $0x13900;
	s20 =	simm.s32 $0x800;
	[dreg:$0x1b] =	wrdreg s18  }
0x27: {  	s10 =	simm.s32 $0x1;
	s21 =	simm.s32 $0x880;
	[dreg:$0x1c] =	wrdreg s20  }
0x28: {  	s9 =	simm.s32 $0x2;
	s22 =	simm.s32 $0x900;
	[dreg:$0x1d] =	wrdreg s21  }
0x29: {  	s8 =	simm.s32 $0x4;
	s23 =	simm.s32 $0x980;
	[dreg:$0x1e] =	wrdreg s22  }
0x2a: {  	s3 =	sadd.s32 $0xF42E00, s3;
	s24 =	simm.s32 $0xA00;
	[dreg:$0x1f] =	wrdreg s23  }
0x2b: {  	s25 =	simm.s32 $0xA80;
	s26 =	sshrl.u32 s1, $0x1;
	[smem:$0x7EB] =	sst s24  }
0x2c: {  	s5 =	simm.s32 $0xB00;
	s4 =	simm.s32 $0xB900;
	[smem:$0x7EC] =	sst s25  }
0x2d: {  	s6 =	simm.s32 $0x3;
	[smem:$0x7ED] =	sst s5;
	s20 =	simm.s32 $0x1000  }
0x2e: {  	s1 =	ssub.s32 s1, s26;
	s21 =	simm.s32 $0x1080;
	[smem:$0x7F7] =	sst s20  }
0x2f: {  	s5 =	simm.s32 $0x1900;
	s22 =	simm.s32 $0x1100;
	[smem:$0x7F8] =	sst s21  }
0x30: {  	s23 =	simm.s32 $0x1180;
	s1 =	smax.u32 s1, $0x1;
	[smem:$0x7F9] =	sst s22  }
0x31: {  	s24 =	simm.s32 $0x1200;
	[smem:$0x7FA] =	sst s23;
	p1 =	sne.s32 s1, $0x1  }
.Ltmp0:
0x32: {  	s25 =	simm.s32 $0x1280;
	[smem:$0x7FB] =	sst s24;
	(pc) =	sbr.rel @!p1 .LBB2_1-.Ltmp0, $4  }
0x33: {  	s18 =	simm.s32 $0x9900;
	s26 =	simm.s32 $0x1300;
	[smem:$0x7FC] =	sst s25  }
0x34: {  	[smem:$0x7FD] =	sst s26;
	s25 =	simm.s32 $0x1380;
	s26 =	simm.s32 $0x1480  }
0x35: {  	s20 =	simm.s32 $0x1680;
	s21 =	simm.s32 $0x1700;
	s22 =	simm.s32 $0x1780  }
0x36: {  	s23 =	simm.s32 $0x1800;
	s24 =	simm.s32 $0x1880;
	s1 =	sadd.s32 $0xFFFFFFFF, s1  }
0x37: {  	[tilespmem:s2], [sflag:$0x5] =	stream.linear.gather [hbm4b:s0+s2], $0x1900, $0x38;
	[tilespmem:$0x15900] =	vst v63  }
0x38: {  	_ =	swait.ge [sflag:s31], $0x1900  }
0x39: {  	[sflag:s31] =	ssyncset.done $0x0  }
0x3a: {  	[sflag:s31] =	ssyncadd.s32 $0xFFFFE700  }
0x3b: {  	[tilespmem:s5], [sflag:$0x1] =	stream.indirect.gather [hbm4b:s3+s7], $0x40, s2, s7, $0xb8;
	[tilespmem:$0x15900] =	vst v63  }
0x3c: {  	_ = 	snop  }
0x3d: {  	[tilespmem:s15], [sflag:$0x1] =	stream.indirect.gather [hbm4b:s3+s7], $0x40, s7, s7, $0xb8;
	[tilespmem:$0x15900] =	vst v63  }
0x3e: {  	s0 =	rddreg [dreg:$0xe]  }
0x3f: {  	[tilespmem:s16], [sflag:$0x1] =	stream.indirect.gather [hbm4b:s3+s7], $0x40, s0, s7, $0xb8;
	[tilespmem:$0x15900] =	vst v63  }
0x40: {  	s19 =	smov.u32 s1;
	s1 =	rddreg [dreg:$0xf]  }
0x41: {  	[tilespmem:s17], [sflag:$0x1] =	stream.indirect.gather [hbm4b:s3+s7], $0x40, s1, s7, $0xb8;
	[tilespmem:$0x15900] =	vst v63  }
0x42: {  	s0 =	rddreg [dreg:$0x10]  }
0x43: {  	[tilespmem:s18], [sflag:$0x1] =	stream.indirect.gather [hbm4b:s3+s7], $0x40, s0, s7, $0xb8;
	[tilespmem:$0x15900] =	vst v63  }
0x44: {  	s1 =	rddreg [dreg:$0x11]  }
0x45: {  	[tilespmem:s4], [sflag:$0x2] =	stream.indirect.gather [hbm4b:s3+s7], $0x40, s1, s7, $0xb8;
	[tilespmem:$0x15900] =	vst v63  }
0x46: {  	s0 =	rddreg [dreg:$0x12]  }
0x47: {  	[tilespmem:s11], [sflag:$0x2] =	stream.indirect.gather [hbm4b:s3+s7], $0x40, s0, s7, $0xb8;
	[tilespmem:$0x15900] =	vst v63  }
0x48: {  	s1 =	rddreg [dreg:$0x13]  }
0x49: {  	[tilespmem:s12], [sflag:$0x2] =	stream.indirect.gather [hbm4b:s3+s7], $0x40, s1, s7, $0xb8;
	[tilespmem:$0x15900] =	vst v63  }
0x4a: {  	s0 =	rddreg [dreg:$0x14]  }
0x4b: {  	[tilespmem:s13], [sflag:$0x2] =	stream.indirect.gather [hbm4b:s3+s7], $0x40, s0, s7, $0xb8;
	[tilespmem:$0x15900] =	vst v63  }
0x4c: {  	s1 =	rddreg [dreg:$0x15]  }
0x4d: {  	[tilespmem:s14], [sflag:$0x2] =	stream.indirect.gather [hbm4b:s3+s7], $0x40, s1, s7, $0xb8;
	[tilespmem:$0x15900] =	vst v63  }
0x4e: {  	_ =	swait.ge [sflag:s10], $0x2000  }
0x4f: {  	[sflag:s10] =	ssyncset.done $0x0  }
0x50: {  	[sflag:s10] =	ssyncadd.s32 $0xFFFFE000  }
0x51: {  	_ =	swait.ge [sflag:s10], $0x2000  }
0x52: {  	[sflag:s10] =	ssyncset.done $0x0  }
0x53: {  	[sflag:s10] =	ssyncadd.s32 $0xFFFFE000  }
0x54: {  	_ =	swait.ge [sflag:s10], $0x2000  }
0x55: {  	[sflag:s10] =	ssyncset.done $0x0  }
0x56: {  	[sflag:s10] =	ssyncadd.s32 $0xFFFFE000  }
0x57: {  	_ =	swait.ge [sflag:s10], $0x2000  }
0x58: {  	[sflag:s10] =	ssyncset.done $0x0  }
0x59: {  	[sflag:s10] =	ssyncadd.s32 $0xFFFFE000  }
0x5a: {  	_ =	swait.ge [sflag:s10], $0x2000  }
0x5b: {  	[sflag:s10] =	ssyncset.done $0x0  }
0x5c: {  	s1 =	rddreg [dreg:$0x4];
	[sflag:s10] =	ssyncadd.s32 $0xFFFFE000  }
0x5d: {  	[hbm4b:s1+s2] =	stream.linear.scatter [tilespmem:s5], [sflag:$0x3], $0xA000, $0x38;
	[tilespmem:$0x15900] =	vst v63  }
0x5e: {  	_ =	swait.ge [sflag:s6], $0xA000  }
0x5f: {  	[sflag:s6] =	ssyncset.done $0x0  }
0x60: {  	s0 =	rddreg [dreg:$0x16];
	[sflag:s6] =	ssyncadd.s32 $0xFFFF6000  }
0x61: {  	[tilespmem:s5], [sflag:$0x1] =	stream.indirect.gather [hbm4b:s3+s7], $0x40, s0, s7, $0xb8;
	[tilespmem:$0x15900] =	vst v63  }
0x62: {  	s1 =	rddreg [dreg:$0x17]  }
0x63: {  	[tilespmem:s15], [sflag:$0x1] =	stream.indirect.gather [hbm4b:s3+s7], $0x40, s1, s7, $0xb8;
	[tilespmem:$0x15900] =	vst v63  }
0x64: {  	s0 =	rddreg [dreg:$0x18]  }
0x65: {  	[tilespmem:s16], [sflag:$0x1] =	stream.indirect.gather [hbm4b:s3+s7], $0x40, s0, s7, $0xb8;
	[tilespmem:$0x15900] =	vst v63  }
0x66: {  	s1 =	rddreg [dreg:$0x19]  }
0x67: {  	[tilespmem:s17], [sflag:$0x1] =	stream.indirect.gather [hbm4b:s3+s7], $0x40, s1, s7, $0xb8;
	[tilespmem:$0x15900] =	vst v63  }
0x68: {  	s0 =	rddreg [dreg:$0x1a]  }
0x69: {  	[tilespmem:s18], [sflag:$0x1] =	stream.indirect.gather [hbm4b:s3+s7], $0x40, s0, s7, $0xb8;
	[tilespmem:$0x15900] =	vst v63  }
0x6a: {  	_ =	swait.ge [sflag:s9], $0x2000  }
0x6b: {  	[sflag:s9] =	ssyncset.done $0x0  }
0x6c: {  	[sflag:s9] =	ssyncadd.s32 $0xFFFFE000  }
0x6d: {  	_ =	swait.ge [sflag:s9], $0x2000  }
0x6e: {  	[sflag:s9] =	ssyncset.done $0x0  }
0x6f: {  	[sflag:s9] =	ssyncadd.s32 $0xFFFFE000  }
0x70: {  	_ =	swait.ge [sflag:s9], $0x2000  }
0x71: {  	[sflag:s9] =	ssyncset.done $0x0  }
0x72: {  	[sflag:s9] =	ssyncadd.s32 $0xFFFFE000  }
0x73: {  	_ =	swait.ge [sflag:s9], $0x2000  }
0x74: {  	[sflag:s9] =	ssyncset.done $0x0  }
0x75: {  	[sflag:s9] =	ssyncadd.s32 $0xFFFFE000  }
0x76: {  	_ =	swait.ge [sflag:s9], $0x2000  }
0x77: {  	[sflag:s9] =	ssyncset.done $0x0  }
0x78: {  	s1 =	rddreg [dreg:$0x5];
	[sflag:s9] =	ssyncadd.s32 $0xFFFFE000  }
0x79: {  	[hbm4b:s1+s2] =	stream.linear.scatter [tilespmem:s4], [sflag:$0x4], $0xA000, $0x38;
	[tilespmem:$0x15900] =	vst v63  }
0x7a: {  	_ =	swait.ge [sflag:s8], $0xA000  }
0x7b: {  	[sflag:s8] =	ssyncset.done $0x0  }
0x7c: {  	s0 =	rddreg [dreg:$0x1b];
	[sflag:s8] =	ssyncadd.s32 $0xFFFF6000  }
0x7d: {  	[tilespmem:s4], [sflag:$0x2] =	stream.indirect.gather [hbm4b:s3+s7], $0x40, s0, s7, $0xb8;
	[tilespmem:$0x15900] =	vst v63  }
0x7e: {  	s1 =	rddreg [dreg:$0x1c]  }
0x7f: {  	[tilespmem:s11], [sflag:$0x2] =	stream.indirect.gather [hbm4b:s3+s7], $0x40, s1, s7, $0xb8;
	[tilespmem:$0x15900] =	vst v63  }
0x80: {  	s0 =	rddreg [dreg:$0x1d]  }
0x81: {  	[tilespmem:s12], [sflag:$0x2] =	stream.indirect.gather [hbm4b:s3+s7], $0x40, s0, s7, $0xb8;
	[tilespmem:$0x15900] =	vst v63  }
0x82: {  	s1 =	rddreg [dreg:$0x1e]  }
0x83: {  	[tilespmem:s13], [sflag:$0x2] =	stream.indirect.gather [hbm4b:s3+s7], $0x40, s1, s7, $0xb8;
	[tilespmem:$0x15900] =	vst v63  }
0x84: {  	s0 =	rddreg [dreg:$0x1f]  }
0x85: {  	[tilespmem:s14], [sflag:$0x2] =	stream.indirect.gather [hbm4b:s3+s7], $0x40, s0, s7, $0xb8;
	[tilespmem:$0x15900] =	vst v63  }
0x86: {  	_ =	swait.ge [sflag:s10], $0x2000  }
0x87: {  	[sflag:s10] =	ssyncset.done $0x0  }
0x88: {  	[sflag:s10] =	ssyncadd.s32 $0xFFFFE000  }
0x89: {  	_ =	swait.ge [sflag:s10], $0x2000  }
0x8a: {  	[sflag:s10] =	ssyncset.done $0x0  }
0x8b: {  	[sflag:s10] =	ssyncadd.s32 $0xFFFFE000  }
0x8c: {  	_ =	swait.ge [sflag:s10], $0x2000  }
0x8d: {  	[sflag:s10] =	ssyncset.done $0x0  }
0x8e: {  	[sflag:s10] =	ssyncadd.s32 $0xFFFFE000  }
0x8f: {  	_ =	swait.ge [sflag:s10], $0x2000  }
0x90: {  	[sflag:s10] =	ssyncset.done $0x0  }
0x91: {  	[sflag:s10] =	ssyncadd.s32 $0xFFFFE000  }
0x92: {  	_ =	swait.ge [sflag:s10], $0x2000  }
0x93: {  	[sflag:s10] =	ssyncset.done $0x0  }
0x94: {  	s1 =	rddreg [dreg:$0x6];
	[sflag:s10] =	ssyncadd.s32 $0xFFFFE000  }
0x95: {  	[hbm4b:s1+s2] =	stream.linear.scatter [tilespmem:s5], [sflag:$0x3], $0xA000, $0x38;
	[tilespmem:$0x15900] =	vst v63  }
0x96: {  	_ =	swait.ge [sflag:s6], $0xA000  }
0x97: {  	s0 =	sld [smem:$0x7EB]  }
0x98: {  	[sflag:s6] =	ssyncset.done $0x0  }
0x99: {  	s1 =	sld [smem:$0x7EC];
	[sflag:s6] =	ssyncadd.s32 $0xFFFF6000  }
0x9a: {  	[tilespmem:s5], [sflag:$0x1] =	stream.indirect.gather [hbm4b:s3+s7], $0x40, s0, s7, $0xb8;
	[tilespmem:$0x15900] =	vst v63  }
0x9b: {  	s0 =	sld [smem:$0x7ED]  }
0x9c: {  	[tilespmem:s15], [sflag:$0x1] =	stream.indirect.gather [hbm4b:s3+s7], $0x40, s1, s7, $0xb8;
	[tilespmem:$0x15900] =	vst v63  }
0x9d: {  	s1 =	sld [smem:$0x7EE]  }
0x9e: {  	[tilespmem:s16], [sflag:$0x1] =	stream.indirect.gather [hbm4b:s3+s7], $0x40, s0, s7, $0xb8;
	[tilespmem:$0x15900] =	vst v63  }
0x9f: {  	s0 =	sld [smem:$0x7EF]  }
0xa0: {  	[tilespmem:s17], [sflag:$0x1] =	stream.indirect.gather [hbm4b:s3+s7], $0x40, s1, s7, $0xb8;
	[tilespmem:$0x15900] =	vst v63  }
0xa1: {  	_ = 	snop  }
0xa2: {  	[tilespmem:s18], [sflag:$0x1] =	stream.indirect.gather [hbm4b:s3+s7], $0x40, s0, s7, $0xb8;
	[tilespmem:$0x15900] =	vst v63  }
0xa3: {  	_ =	swait.ge [sflag:s9], $0x2000  }
0xa4: {  	[sflag:s9] =	ssyncset.done $0x0  }
0xa5: {  	[sflag:s9] =	ssyncadd.s32 $0xFFFFE000  }
0xa6: {  	_ =	swait.ge [sflag:s9], $0x2000  }
0xa7: {  	[sflag:s9] =	ssyncset.done $0x0  }
0xa8: {  	[sflag:s9] =	ssyncadd.s32 $0xFFFFE000  }
0xa9: {  	_ =	swait.ge [sflag:s9], $0x2000  }
0xaa: {  	[sflag:s9] =	ssyncset.done $0x0  }
0xab: {  	[sflag:s9] =	ssyncadd.s32 $0xFFFFE000  }
0xac: {  	_ =	swait.ge [sflag:s9], $0x2000  }
0xad: {  	[sflag:s9] =	ssyncset.done $0x0  }
0xae: {  	[sflag:s9] =	ssyncadd.s32 $0xFFFFE000  }
0xaf: {  	_ =	swait.ge [sflag:s9], $0x2000  }
0xb0: {  	[sflag:s9] =	ssyncset.done $0x0  }
0xb1: {  	s1 =	rddreg [dreg:$0x7];
	[sflag:s9] =	ssyncadd.s32 $0xFFFFE000  }
0xb2: {  	[hbm4b:s1+s2] =	stream.linear.scatter [tilespmem:s4], [sflag:$0x4], $0xA000, $0x38;
	[tilespmem:$0x15900] =	vst v63  }
0xb3: {  	_ =	swait.ge [sflag:s8], $0xA000  }
0xb4: {  	s0 =	sld [smem:$0x7F0]  }
0xb5: {  	[sflag:s8] =	ssyncset.done $0x0  }
0xb6: {  	s1 =	sld [smem:$0x7F1];
	[sflag:s8] =	ssyncadd.s32 $0xFFFF6000  }
0xb7: {  	[tilespmem:s4], [sflag:$0x2] =	stream.indirect.gather [hbm4b:s3+s7], $0x40, s0, s7, $0xb8;
	[tilespmem:$0x15900] =	vst v63  }
0xb8: {  	s0 =	sld [smem:$0x7F2]  }
0xb9: {  	[tilespmem:s11], [sflag:$0x2] =	stream.indirect.gather [hbm4b:s3+s7], $0x40, s1, s7, $0xb8;
	[tilespmem:$0x15900] =	vst v63  }
0xba: {  	s1 =	sld [smem:$0x7F3]  }
0xbb: {  	[tilespmem:s12], [sflag:$0x2] =	stream.indirect.gather [hbm4b:s3+s7], $0x40, s0, s7, $0xb8;
	[tilespmem:$0x15900] =	vst v63  }
0xbc: {  	s0 =	sld [smem:$0x7F4]  }
0xbd: {  	[tilespmem:s13], [sflag:$0x2] =	stream.indirect.gather [hbm4b:s3+s7], $0x40, s1, s7, $0xb8;
	[tilespmem:$0x15900] =	vst v63  }
0xbe: {  	_ = 	snop  }
0xbf: {  	[tilespmem:s14], [sflag:$0x2] =	stream.indirect.gather [hbm4b:s3+s7], $0x40, s0, s7, $0xb8;
	[tilespmem:$0x15900] =	vst v63  }
0xc0: {  	_ =	swait.ge [sflag:s10], $0x2000  }
0xc1: {  	[sflag:s10] =	ssyncset.done $0x0  }
0xc2: {  	[sflag:s10] =	ssyncadd.s32 $0xFFFFE000  }
0xc3: {  	_ =	swait.ge [sflag:s10], $0x2000  }
0xc4: {  	[sflag:s10] =	ssyncset.done $0x0  }
0xc5: {  	[sflag:s10] =	ssyncadd.s32 $0xFFFFE000  }
0xc6: {  	_ =	swait.ge [sflag:s10], $0x2000  }
0xc7: {  	[sflag:s10] =	ssyncset.done $0x0  }
0xc8: {  	[sflag:s10] =	ssyncadd.s32 $0xFFFFE000  }
0xc9: {  	_ =	swait.ge [sflag:s10], $0x2000  }
0xca: {  	[sflag:s10] =	ssyncset.done $0x0  }
0xcb: {  	[sflag:s10] =	ssyncadd.s32 $0xFFFFE000  }
0xcc: {  	_ =	swait.ge [sflag:s10], $0x2000  }
0xcd: {  	[sflag:s10] =	ssyncset.done $0x0  }
0xce: {  	s1 =	rddreg [dreg:$0x8];
	[sflag:s10] =	ssyncadd.s32 $0xFFFFE000  }
0xcf: {  	[hbm4b:s1+s2] =	stream.linear.scatter [tilespmem:s5], [sflag:$0x3], $0xA000, $0x38;
	[tilespmem:$0x15900] =	vst v63  }
0xd0: {  	_ =	swait.ge [sflag:s6], $0xA000  }
0xd1: {  	s0 =	sld [smem:$0x7F5]  }
0xd2: {  	[sflag:s6] =	ssyncset.done $0x0  }
0xd3: {  	s1 =	sld [smem:$0x7F6];
	[sflag:s6] =	ssyncadd.s32 $0xFFFF6000  }
0xd4: {  	[tilespmem:s5], [sflag:$0x1] =	stream.indirect.gather [hbm4b:s3+s7], $0x40, s0, s7, $0xb8;
	[tilespmem:$0x15900] =	vst v63  }
0xd5: {  	s0 =	sld [smem:$0x7F7]  }
0xd6: {  	[tilespmem:s15], [sflag:$0x1] =	stream.indirect.gather [hbm4b:s3+s7], $0x40, s1, s7, $0xb8;
	[tilespmem:$0x15900] =	vst v63  }
0xd7: {  	s1 =	sld [smem:$0x7F8]  }
0xd8: {  	[tilespmem:s16], [sflag:$0x1] =	stream.indirect.gather [hbm4b:s3+s7], $0x40, s0, s7, $0xb8;
	[tilespmem:$0x15900] =	vst v63  }
0xd9: {  	s0 =	sld [smem:$0x7F9]  }
0xda: {  	[tilespmem:s17], [sflag:$0x1] =	stream.indirect.gather [hbm4b:s3+s7], $0x40, s1, s7, $0xb8;
	[tilespmem:$0x15900] =	vst v63  }
0xdb: {  	_ = 	snop  }
0xdc: {  	[tilespmem:s18], [sflag:$0x1] =	stream.indirect.gather [hbm4b:s3+s7], $0x40, s0, s7, $0xb8;
	[tilespmem:$0x15900] =	vst v63  }
0xdd: {  	_ =	swait.ge [sflag:s9], $0x2000  }
0xde: {  	[sflag:s9] =	ssyncset.done $0x0  }
0xdf: {  	[sflag:s9] =	ssyncadd.s32 $0xFFFFE000  }
0xe0: {  	_ =	swait.ge [sflag:s9], $0x2000  }
0xe1: {  	[sflag:s9] =	ssyncset.done $0x0  }
0xe2: {  	[sflag:s9] =	ssyncadd.s32 $0xFFFFE000  }
0xe3: {  	_ =	swait.ge [sflag:s9], $0x2000  }
0xe4: {  	[sflag:s9] =	ssyncset.done $0x0  }
0xe5: {  	[sflag:s9] =	ssyncadd.s32 $0xFFFFE000  }
0xe6: {  	_ =	swait.ge [sflag:s9], $0x2000  }
0xe7: {  	[sflag:s9] =	ssyncset.done $0x0  }
0xe8: {  	[sflag:s9] =	ssyncadd.s32 $0xFFFFE000  }
0xe9: {  	_ =	swait.ge [sflag:s9], $0x2000  }
0xea: {  	[sflag:s9] =	ssyncset.done $0x0  }
0xeb: {  	s1 =	rddreg [dreg:$0x9];
	[sflag:s9] =	ssyncadd.s32 $0xFFFFE000  }
0xec: {  	[hbm4b:s1+s2] =	stream.linear.scatter [tilespmem:s4], [sflag:$0x4], $0xA000, $0x38;
	[tilespmem:$0x15900] =	vst v63  }
0xed: {  	_ =	swait.ge [sflag:s8], $0xA000  }
0xee: {  	s0 =	sld [smem:$0x7FA]  }
0xef: {  	[sflag:s8] =	ssyncset.done $0x0  }
0xf0: {  	s1 =	sld [smem:$0x7FB];
	[sflag:s8] =	ssyncadd.s32 $0xFFFF6000  }
0xf1: {  	[tilespmem:s4], [sflag:$0x2] =	stream.indirect.gather [hbm4b:s3+s7], $0x40, s0, s7, $0xb8;
	[tilespmem:$0x15900] =	vst v63  }
0xf2: {  	s0 =	sld [smem:$0x7FC]  }
0xf3: {  	[tilespmem:s11], [sflag:$0x2] =	stream.indirect.gather [hbm4b:s3+s7], $0x40, s1, s7, $0xb8;
	[tilespmem:$0x15900] =	vst v63  }
0xf4: {  	s1 =	sld [smem:$0x7FD]  }
0xf5: {  	[tilespmem:s12], [sflag:$0x2] =	stream.indirect.gather [hbm4b:s3+s7], $0x40, s0, s7, $0xb8;
	[tilespmem:$0x15900] =	vst v63  }
0xf6: {  	_ = 	snop  }
0xf7: {  	[tilespmem:s13], [sflag:$0x2] =	stream.indirect.gather [hbm4b:s3+s7], $0x40, s1, s7, $0xb8;
	[tilespmem:$0x15900] =	vst v63  }
0xf8: {  	_ = 	snop  }
0xf9: {  	[tilespmem:s14], [sflag:$0x2] =	stream.indirect.gather [hbm4b:s3+s7], $0x40, s25, s7, $0xb8;
	[tilespmem:$0x15900] =	vst v63  }
0xfa: {  	_ =	swait.ge [sflag:s10], $0x2000  }
0xfb: {  	[sflag:s10] =	ssyncset.done $0x0  }
0xfc: {  	[sflag:s10] =	ssyncadd.s32 $0xFFFFE000  }
0xfd: {  	_ =	swait.ge [sflag:s10], $0x2000  }
0xfe: {  	[sflag:s10] =	ssyncset.done $0x0  }
0xff: {  	[sflag:s10] =	ssyncadd.s32 $0xFFFFE000  }
0x100: {  	_ =	swait.ge [sflag:s10], $0x2000  }
0x101: {  	[sflag:s10] =	ssyncset.done $0x0  }
0x102: {  	[sflag:s10] =	ssyncadd.s32 $0xFFFFE000  }
0x103: {  	_ =	swait.ge [sflag:s10], $0x2000  }
0x104: {  	[sflag:s10] =	ssyncset.done $0x0  }
0x105: {  	[sflag:s10] =	ssyncadd.s32 $0xFFFFE000  }
0x106: {  	_ =	swait.ge [sflag:s10], $0x2000  }
0x107: {  	[sflag:s10] =	ssyncset.done $0x0  }
0x108: {  	s1 =	rddreg [dreg:$0xa];
	[sflag:s10] =	ssyncadd.s32 $0xFFFFE000  }
0x109: {  	[hbm4b:s1+s2] =	stream.linear.scatter [tilespmem:s5], [sflag:$0x3], $0xA000, $0x38;
	[tilespmem:$0x15900] =	vst v63  }
0x10a: {  	_ =	swait.ge [sflag:s6], $0xA000  }
0x10b: {  	[sflag:s6] =	ssyncset.done $0x0  }
0x10c: {  	s1 =	simm.s32 $0x1400;
	[sflag:s6] =	ssyncadd.s32 $0xFFFF6000  }
0x10d: {  	[tilespmem:s5], [sflag:$0x1] =	stream.indirect.gather [hbm4b:s3+s7], $0x40, s1, s7, $0xb8;
	[tilespmem:$0x15900] =	vst v63  }
0x10e: {  	_ = 	snop  }
0x10f: {  	[tilespmem:s15], [sflag:$0x1] =	stream.indirect.gather [hbm4b:s3+s7], $0x40, s26, s7, $0xb8;
	[tilespmem:$0x15900] =	vst v63  }
0x110: {  	_ = 	snop  }
0x111: {  	[tilespmem:s16], [sflag:$0x1] =	stream.indirect.gather [hbm4b:s3+s7], $0x40, s28, s7, $0xb8;
	[tilespmem:$0x15900] =	vst v63  }
0x112: {  	_ = 	snop  }
0x113: {  	[tilespmem:s17], [sflag:$0x1] =	stream.indirect.gather [hbm4b:s3+s7], $0x40, s29, s7, $0xb8;
	[tilespmem:$0x15900] =	vst v63  }
0x114: {  	_ = 	snop  }
0x115: {  	[tilespmem:s18], [sflag:$0x1] =	stream.indirect.gather [hbm4b:s3+s7], $0x40, s30, s7, $0xb8;
	[tilespmem:$0x15900] =	vst v63  }
0x116: {  	_ =	swait.ge [sflag:s9], $0x2000  }
0x117: {  	[sflag:s9] =	ssyncset.done $0x0  }
0x118: {  	[sflag:s9] =	ssyncadd.s32 $0xFFFFE000  }
0x119: {  	_ =	swait.ge [sflag:s9], $0x2000  }
0x11a: {  	[sflag:s9] =	ssyncset.done $0x0  }
0x11b: {  	[sflag:s9] =	ssyncadd.s32 $0xFFFFE000  }
0x11c: {  	_ =	swait.ge [sflag:s9], $0x2000  }
0x11d: {  	[sflag:s9] =	ssyncset.done $0x0  }
0x11e: {  	[sflag:s9] =	ssyncadd.s32 $0xFFFFE000  }
0x11f: {  	_ =	swait.ge [sflag:s9], $0x2000  }
0x120: {  	[sflag:s9] =	ssyncset.done $0x0  }
0x121: {  	[sflag:s9] =	ssyncadd.s32 $0xFFFFE000  }
0x122: {  	_ =	swait.ge [sflag:s9], $0x2000  }
0x123: {  	[sflag:s9] =	ssyncset.done $0x0  }
0x124: {  	s1 =	rddreg [dreg:$0xb];
	[sflag:s9] =	ssyncadd.s32 $0xFFFFE000  }
0x125: {  	[hbm4b:s1+s2] =	stream.linear.scatter [tilespmem:s4], [sflag:$0x4], $0xA000, $0x38;
	[tilespmem:$0x15900] =	vst v63  }
0x126: {  	_ =	swait.ge [sflag:s8], $0xA000  }
0x127: {  	[sflag:s8] =	ssyncset.done $0x0  }
0x128: {  	[sflag:s8] =	ssyncadd.s32 $0xFFFF6000  }
0x129: {  	[tilespmem:s4], [sflag:$0x2] =	stream.indirect.gather [hbm4b:s3+s7], $0x40, s20, s7, $0xb8;
	[tilespmem:$0x15900] =	vst v63  }
0x12a: {  	_ = 	snop  }
0x12b: {  	[tilespmem:s11], [sflag:$0x2] =	stream.indirect.gather [hbm4b:s3+s7], $0x40, s21, s7, $0xb8;
	[tilespmem:$0x15900] =	vst v63  }
0x12c: {  	_ = 	snop  }
0x12d: {  	[tilespmem:s12], [sflag:$0x2] =	stream.indirect.gather [hbm4b:s3+s7], $0x40, s22, s7, $0xb8;
	[tilespmem:$0x15900] =	vst v63  }
0x12e: {  	_ = 	snop  }
0x12f: {  	[tilespmem:s13], [sflag:$0x2] =	stream.indirect.gather [hbm4b:s3+s7], $0x40, s23, s7, $0xb8;
	[tilespmem:$0x15900] =	vst v63  }
0x130: {  	_ = 	snop  }
0x131: {  	[tilespmem:s14], [sflag:$0x2] =	stream.indirect.gather [hbm4b:s3+s7], $0x40, s24, s7, $0xb8;
	[tilespmem:$0x15900] =	vst v63  }
0x132: {  	_ =	swait.ge [sflag:s10], $0x2000  }
0x133: {  	[sflag:s10] =	ssyncset.done $0x0  }
0x134: {  	[sflag:s10] =	ssyncadd.s32 $0xFFFFE000  }
0x135: {  	_ =	swait.ge [sflag:s10], $0x2000  }
0x136: {  	[sflag:s10] =	ssyncset.done $0x0  }
0x137: {  	[sflag:s10] =	ssyncadd.s32 $0xFFFFE000  }
0x138: {  	_ =	swait.ge [sflag:s10], $0x2000  }
0x139: {  	[sflag:s10] =	ssyncset.done $0x0  }
0x13a: {  	[sflag:s10] =	ssyncadd.s32 $0xFFFFE000  }
0x13b: {  	_ =	swait.ge [sflag:s10], $0x2000  }
0x13c: {  	[sflag:s10] =	ssyncset.done $0x0  }
0x13d: {  	[sflag:s10] =	ssyncadd.s32 $0xFFFFE000  }
0x13e: {  	_ =	swait.ge [sflag:s10], $0x2000  }
0x13f: {  	[sflag:s10] =	ssyncset.done $0x0  }
0x140: {  	s1 =	rddreg [dreg:$0xc];
	[sflag:s10] =	ssyncadd.s32 $0xFFFFE000  }
0x141: {  	[hbm4b:s1+s2] =	stream.linear.scatter [tilespmem:s5], [sflag:$0x3], $0xA000, $0x38;
	[tilespmem:$0x15900] =	vst v63  }
0x142: {  	_ =	swait.ge [sflag:s9], $0x2000  }
0x143: {  	[sflag:s9] =	ssyncset.done $0x0  }
0x144: {  	[sflag:s9] =	ssyncadd.s32 $0xFFFFE000  }
0x145: {  	_ =	swait.ge [sflag:s9], $0x2000  }
0x146: {  	[sflag:s9] =	ssyncset.done $0x0  }
0x147: {  	[sflag:s9] =	ssyncadd.s32 $0xFFFFE000  }
0x148: {  	_ =	swait.ge [sflag:s9], $0x2000  }
0x149: {  	[sflag:s9] =	ssyncset.done $0x0  }
0x14a: {  	[sflag:s9] =	ssyncadd.s32 $0xFFFFE000  }
0x14b: {  	_ =	swait.ge [sflag:s9], $0x2000  }
0x14c: {  	[sflag:s9] =	ssyncset.done $0x0  }
0x14d: {  	[sflag:s9] =	ssyncadd.s32 $0xFFFFE000  }
0x14e: {  	_ =	swait.ge [sflag:s9], $0x2000  }
0x14f: {  	[sflag:s9] =	ssyncset.done $0x0  }
0x150: {  	p1 =	sne.s32 s19, $0x1;
	s1 =	rddreg [dreg:$0xd];
	[sflag:s9] =	ssyncadd.s32 $0xFFFFE000  }
0x151: {  	[hbm4b:s1+s2] =	stream.linear.scatter [tilespmem:s4], [sflag:$0x4], $0xA000, $0x38;
	[tilespmem:$0x15900] =	vst v63  }
.Ltmp1:
0x152: {  	_ =	swait.ge [sflag:s6], $0xA000;
	(pc) =	sbr.rel @!p1 .LBB2_3-.Ltmp1, $4  }
0x153: {  	[sflag:s6] =	ssyncset.done $0x0  }
0x154: {  	[sflag:s6] =	ssyncadd.s32 $0xFFFF6000  }
0x155: {  	p0 =	por $0x1, $0x1;
	_ =	swait.ge [sflag:s8], $0xA000  }
0x156: {  	s1 =	sadd.s32 $0xFFFFFFFF, s19;
	s0 =	rddreg [dreg:$0x3];
	[sflag:s8] =	ssyncset.done $0x0  }
.LBB2_4:
0x157: {  	[sflag:s8] =	ssyncadd.s32 $0xFFFF6000  }
0x158: {  	[tilespmem:s2], [sflag:$0x5] =	stream.linear.gather [hbm4b:s0+s2], $0x1900, $0x38;
	[tilespmem:$0x15900] =	vst v63  }
0x159: {  	_ =	swait.ge [sflag:s31], $0x1900  }
0x15a: {  	[sflag:s31] =	ssyncset.done $0x0  }
0x15b: {  	[sflag:s31] =	ssyncadd.s32 $0xFFFFE700  }
0x15c: {  	[tilespmem:s5], [sflag:$0x1] =	stream.indirect.gather [hbm4b:s3+s7], $0x40, s2, s7, $0xb8;
	[tilespmem:$0x15900] =	vst v63  }
0x15d: {  	_ = 	snop  }
0x15e: {  	[tilespmem:s15], [sflag:$0x1] =	stream.indirect.gather [hbm4b:s3+s7], $0x40, s7, s7, $0xb8;
	[tilespmem:$0x15900] =	vst v63  }
0x15f: {  	s0 =	rddreg [dreg:$0xe]  }
0x160: {  	[tilespmem:s16], [sflag:$0x1] =	stream.indirect.gather [hbm4b:s3+s7], $0x40, s0, s7, $0xb8;
	[tilespmem:$0x15900] =	vst v63  }
0x161: {  	s19 =	rddreg [dreg:$0xf]  }
0x162: {  	[tilespmem:s17], [sflag:$0x1] =	stream.indirect.gather [hbm4b:s3+s7], $0x40, s19, s7, $0xb8;
	[tilespmem:$0x15900] =	vst v63  }
0x163: {  	s0 =	rddreg [dreg:$0x10]  }
0x164: {  	[tilespmem:s18], [sflag:$0x1] =	stream.indirect.gather [hbm4b:s3+s7], $0x40, s0, s7, $0xb8;
	[tilespmem:$0x15900] =	vst v63  }
0x165: {  	s19 =	rddreg [dreg:$0x11]  }
0x166: {  	[tilespmem:s4], [sflag:$0x2] =	stream.indirect.gather [hbm4b:s3+s7], $0x40, s19, s7, $0xb8;
	[tilespmem:$0x15900] =	vst v63  }
0x167: {  	s0 =	rddreg [dreg:$0x12]  }
0x168: {  	[tilespmem:s11], [sflag:$0x2] =	stream.indirect.gather [hbm4b:s3+s7], $0x40, s0, s7, $0xb8;
	[tilespmem:$0x15900] =	vst v63  }
0x169: {  	s19 =	rddreg [dreg:$0x13]  }
0x16a: {  	[tilespmem:s12], [sflag:$0x2] =	stream.indirect.gather [hbm4b:s3+s7], $0x40, s19, s7, $0xb8;
	[tilespmem:$0x15900] =	vst v63  }
0x16b: {  	s0 =	rddreg [dreg:$0x14]  }
0x16c: {  	[tilespmem:s13], [sflag:$0x2] =	stream.indirect.gather [hbm4b:s3+s7], $0x40, s0, s7, $0xb8;
	[tilespmem:$0x15900] =	vst v63  }
0x16d: {  	s19 =	rddreg [dreg:$0x15]  }
0x16e: {  	[tilespmem:s14], [sflag:$0x2] =	stream.indirect.gather [hbm4b:s3+s7], $0x40, s19, s7, $0xb8;
	[tilespmem:$0x15900] =	vst v63  }
0x16f: {  	_ =	swait.ge [sflag:s10], $0x2000  }
0x170: {  	[sflag:s10] =	ssyncset.done $0x0  }
0x171: {  	[sflag:s10] =	ssyncadd.s32 $0xFFFFE000  }
0x172: {  	_ =	swait.ge [sflag:s10], $0x2000  }
0x173: {  	[sflag:s10] =	ssyncset.done $0x0  }
0x174: {  	[sflag:s10] =	ssyncadd.s32 $0xFFFFE000  }
0x175: {  	_ =	swait.ge [sflag:s10], $0x2000  }
0x176: {  	[sflag:s10] =	ssyncset.done $0x0  }
0x177: {  	[sflag:s10] =	ssyncadd.s32 $0xFFFFE000  }
0x178: {  	_ =	swait.ge [sflag:s10], $0x2000  }
0x179: {  	[sflag:s10] =	ssyncset.done $0x0  }
0x17a: {  	[sflag:s10] =	ssyncadd.s32 $0xFFFFE000  }
0x17b: {  	_ =	swait.ge [sflag:s10], $0x2000  }
0x17c: {  	[sflag:s10] =	ssyncset.done $0x0  }
0x17d: {  	s19 =	rddreg [dreg:$0x4];
	[sflag:s10] =	ssyncadd.s32 $0xFFFFE000  }
0x17e: {  	[hbm4b:s19+s2] =	stream.linear.scatter [tilespmem:s5], [sflag:$0x3], $0xA000, $0x38;
	[tilespmem:$0x15900] =	vst v63  }
0x17f: {  	_ =	swait.ge [sflag:s6], $0xA000  }
0x180: {  	[sflag:s6] =	ssyncset.done $0x0  }
0x181: {  	s0 =	rddreg [dreg:$0x16];
	[sflag:s6] =	ssyncadd.s32 $0xFFFF6000  }
0x182: {  	[tilespmem:s5], [sflag:$0x1] =	stream.indirect.gather [hbm4b:s3+s7], $0x40, s0, s7, $0xb8;
	[tilespmem:$0x15900] =	vst v63  }
0x183: {  	s19 =	rddreg [dreg:$0x17]  }
0x184: {  	[tilespmem:s15], [sflag:$0x1] =	stream.indirect.gather [hbm4b:s3+s7], $0x40, s19, s7, $0xb8;
	[tilespmem:$0x15900] =	vst v63  }
0x185: {  	s0 =	rddreg [dreg:$0x18]  }
0x186: {  	[tilespmem:s16], [sflag:$0x1] =	stream.indirect.gather [hbm4b:s3+s7], $0x40, s0, s7, $0xb8;
	[tilespmem:$0x15900] =	vst v63  }
0x187: {  	s19 =	rddreg [dreg:$0x19]  }
0x188: {  	[tilespmem:s17], [sflag:$0x1] =	stream.indirect.gather [hbm4b:s3+s7], $0x40, s19, s7, $0xb8;
	[tilespmem:$0x15900] =	vst v63  }
0x189: {  	s0 =	rddreg [dreg:$0x1a]  }
0x18a: {  	[tilespmem:s18], [sflag:$0x1] =	stream.indirect.gather [hbm4b:s3+s7], $0x40, s0, s7, $0xb8;
	[tilespmem:$0x15900] =	vst v63  }
0x18b: {  	_ =	swait.ge [sflag:s9], $0x2000  }
0x18c: {  	[sflag:s9] =	ssyncset.done $0x0  }
0x18d: {  	[sflag:s9] =	ssyncadd.s32 $0xFFFFE000  }
0x18e: {  	_ =	swait.ge [sflag:s9], $0x2000  }
0x18f: {  	[sflag:s9] =	ssyncset.done $0x0  }
0x190: {  	[sflag:s9] =	ssyncadd.s32 $0xFFFFE000  }
0x191: {  	_ =	swait.ge [sflag:s9], $0x2000  }
0x192: {  	[sflag:s9] =	ssyncset.done $0x0  }
0x193: {  	[sflag:s9] =	ssyncadd.s32 $0xFFFFE000  }
0x194: {  	_ =	swait.ge [sflag:s9], $0x2000  }
0x195: {  	[sflag:s9] =	ssyncset.done $0x0  }
0x196: {  	[sflag:s9] =	ssyncadd.s32 $0xFFFFE000  }
0x197: {  	_ =	swait.ge [sflag:s9], $0x2000  }
0x198: {  	[sflag:s9] =	ssyncset.done $0x0  }
0x199: {  	s19 =	rddreg [dreg:$0x5];
	[sflag:s9] =	ssyncadd.s32 $0xFFFFE000  }
0x19a: {  	[hbm4b:s19+s2] =	stream.linear.scatter [tilespmem:s4], [sflag:$0x4], $0xA000, $0x38;
	[tilespmem:$0x15900] =	vst v63  }
0x19b: {  	_ =	swait.ge [sflag:s8], $0xA000  }
0x19c: {  	[sflag:s8] =	ssyncset.done $0x0  }
0x19d: {  	s0 =	rddreg [dreg:$0x1b];
	[sflag:s8] =	ssyncadd.s32 $0xFFFF6000  }
0x19e: {  	[tilespmem:s4], [sflag:$0x2] =	stream.indirect.gather [hbm4b:s3+s7], $0x40, s0, s7, $0xb8;
	[tilespmem:$0x15900] =	vst v63  }
0x19f: {  	s19 =	rddreg [dreg:$0x1c]  }
0x1a0: {  	[tilespmem:s11], [sflag:$0x2] =	stream.indirect.gather [hbm4b:s3+s7], $0x40, s19, s7, $0xb8;
	[tilespmem:$0x15900] =	vst v63  }
0x1a1: {  	s0 =	rddreg [dreg:$0x1d]  }
0x1a2: {  	[tilespmem:s12], [sflag:$0x2] =	stream.indirect.gather [hbm4b:s3+s7], $0x40, s0, s7, $0xb8;
	[tilespmem:$0x15900] =	vst v63  }
0x1a3: {  	s19 =	rddreg [dreg:$0x1e]  }
0x1a4: {  	[tilespmem:s13], [sflag:$0x2] =	stream.indirect.gather [hbm4b:s3+s7], $0x40, s19, s7, $0xb8;
	[tilespmem:$0x15900] =	vst v63  }
0x1a5: {  	s0 =	rddreg [dreg:$0x1f]  }
0x1a6: {  	[tilespmem:s14], [sflag:$0x2] =	stream.indirect.gather [hbm4b:s3+s7], $0x40, s0, s7, $0xb8;
	[tilespmem:$0x15900] =	vst v63  }
0x1a7: {  	_ =	swait.ge [sflag:s10], $0x2000  }
0x1a8: {  	[sflag:s10] =	ssyncset.done $0x0  }
0x1a9: {  	[sflag:s10] =	ssyncadd.s32 $0xFFFFE000  }
0x1aa: {  	_ =	swait.ge [sflag:s10], $0x2000  }
0x1ab: {  	[sflag:s10] =	ssyncset.done $0x0  }
0x1ac: {  	[sflag:s10] =	ssyncadd.s32 $0xFFFFE000  }
0x1ad: {  	_ =	swait.ge [sflag:s10], $0x2000  }
0x1ae: {  	[sflag:s10] =	ssyncset.done $0x0  }
0x1af: {  	[sflag:s10] =	ssyncadd.s32 $0xFFFFE000  }
0x1b0: {  	_ =	swait.ge [sflag:s10], $0x2000  }
0x1b1: {  	[sflag:s10] =	ssyncset.done $0x0  }
0x1b2: {  	[sflag:s10] =	ssyncadd.s32 $0xFFFFE000  }
0x1b3: {  	_ =	swait.ge [sflag:s10], $0x2000  }
0x1b4: {  	[sflag:s10] =	ssyncset.done $0x0  }
0x1b5: {  	s19 =	rddreg [dreg:$0x6];
	[sflag:s10] =	ssyncadd.s32 $0xFFFFE000  }
0x1b6: {  	[hbm4b:s19+s2] =	stream.linear.scatter [tilespmem:s5], [sflag:$0x3], $0xA000, $0x38;
	[tilespmem:$0x15900] =	vst v63  }
0x1b7: {  	_ =	swait.ge [sflag:s6], $0xA000  }
0x1b8: {  	s0 =	sld [smem:$0x7EB]  }
0x1b9: {  	[sflag:s6] =	ssyncset.done $0x0  }
0x1ba: {  	s19 =	sld [smem:$0x7EC];
	[sflag:s6] =	ssyncadd.s32 $0xFFFF6000  }
0x1bb: {  	[tilespmem:s5], [sflag:$0x1] =	stream.indirect.gather [hbm4b:s3+s7], $0x40, s0, s7, $0xb8;
	[tilespmem:$0x15900] =	vst v63  }
0x1bc: {  	s0 =	sld [smem:$0x7ED]  }
0x1bd: {  	[tilespmem:s15], [sflag:$0x1] =	stream.indirect.gather [hbm4b:s3+s7], $0x40, s19, s7, $0xb8;
	[tilespmem:$0x15900] =	vst v63  }
0x1be: {  	s19 =	sld [smem:$0x7EE]  }
0x1bf: {  	[tilespmem:s16], [sflag:$0x1] =	stream.indirect.gather [hbm4b:s3+s7], $0x40, s0, s7, $0xb8;
	[tilespmem:$0x15900] =	vst v63  }
0x1c0: {  	s0 =	sld [smem:$0x7EF]  }
0x1c1: {  	[tilespmem:s17], [sflag:$0x1] =	stream.indirect.gather [hbm4b:s3+s7], $0x40, s19, s7, $0xb8;
	[tilespmem:$0x15900] =	vst v63  }
0x1c2: {  	_ = 	snop  }
0x1c3: {  	[tilespmem:s18], [sflag:$0x1] =	stream.indirect.gather [hbm4b:s3+s7], $0x40, s0, s7, $0xb8;
	[tilespmem:$0x15900] =	vst v63  }
0x1c4: {  	_ =	swait.ge [sflag:s9], $0x2000  }
0x1c5: {  	[sflag:s9] =	ssyncset.done $0x0  }
0x1c6: {  	[sflag:s9] =	ssyncadd.s32 $0xFFFFE000  }
0x1c7: {  	_ =	swait.ge [sflag:s9], $0x2000  }
0x1c8: {  	[sflag:s9] =	ssyncset.done $0x0  }
0x1c9: {  	[sflag:s9] =	ssyncadd.s32 $0xFFFFE000  }
0x1ca: {  	_ =	swait.ge [sflag:s9], $0x2000  }
0x1cb: {  	[sflag:s9] =	ssyncset.done $0x0  }
0x1cc: {  	[sflag:s9] =	ssyncadd.s32 $0xFFFFE000  }
0x1cd: {  	_ =	swait.ge [sflag:s9], $0x2000  }
0x1ce: {  	[sflag:s9] =	ssyncset.done $0x0  }
0x1cf: {  	[sflag:s9] =	ssyncadd.s32 $0xFFFFE000  }
0x1d0: {  	_ =	swait.ge [sflag:s9], $0x2000  }
0x1d1: {  	[sflag:s9] =	ssyncset.done $0x0  }
0x1d2: {  	s19 =	rddreg [dreg:$0x7];
	[sflag:s9] =	ssyncadd.s32 $0xFFFFE000  }
0x1d3: {  	[hbm4b:s19+s2] =	stream.linear.scatter [tilespmem:s4], [sflag:$0x4], $0xA000, $0x38;
	[tilespmem:$0x15900] =	vst v63  }
0x1d4: {  	_ =	swait.ge [sflag:s8], $0xA000  }
0x1d5: {  	s0 =	sld [smem:$0x7F0]  }
0x1d6: {  	[sflag:s8] =	ssyncset.done $0x0  }
0x1d7: {  	s19 =	sld [smem:$0x7F1];
	[sflag:s8] =	ssyncadd.s32 $0xFFFF6000  }
0x1d8: {  	[tilespmem:s4], [sflag:$0x2] =	stream.indirect.gather [hbm4b:s3+s7], $0x40, s0, s7, $0xb8;
	[tilespmem:$0x15900] =	vst v63  }
0x1d9: {  	s0 =	sld [smem:$0x7F2]  }
0x1da: {  	[tilespmem:s11], [sflag:$0x2] =	stream.indirect.gather [hbm4b:s3+s7], $0x40, s19, s7, $0xb8;
	[tilespmem:$0x15900] =	vst v63  }
0x1db: {  	s19 =	sld [smem:$0x7F3]  }
0x1dc: {  	[tilespmem:s12], [sflag:$0x2] =	stream.indirect.gather [hbm4b:s3+s7], $0x40, s0, s7, $0xb8;
	[tilespmem:$0x15900] =	vst v63  }
0x1dd: {  	s0 =	sld [smem:$0x7F4]  }
0x1de: {  	[tilespmem:s13], [sflag:$0x2] =	stream.indirect.gather [hbm4b:s3+s7], $0x40, s19, s7, $0xb8;
	[tilespmem:$0x15900] =	vst v63  }
0x1df: {  	_ = 	snop  }
0x1e0: {  	[tilespmem:s14], [sflag:$0x2] =	stream.indirect.gather [hbm4b:s3+s7], $0x40, s0, s7, $0xb8;
	[tilespmem:$0x15900] =	vst v63  }
0x1e1: {  	_ =	swait.ge [sflag:s10], $0x2000  }
0x1e2: {  	[sflag:s10] =	ssyncset.done $0x0  }
0x1e3: {  	[sflag:s10] =	ssyncadd.s32 $0xFFFFE000  }
0x1e4: {  	_ =	swait.ge [sflag:s10], $0x2000  }
0x1e5: {  	[sflag:s10] =	ssyncset.done $0x0  }
0x1e6: {  	[sflag:s10] =	ssyncadd.s32 $0xFFFFE000  }
0x1e7: {  	_ =	swait.ge [sflag:s10], $0x2000  }
0x1e8: {  	[sflag:s10] =	ssyncset.done $0x0  }
0x1e9: {  	[sflag:s10] =	ssyncadd.s32 $0xFFFFE000  }
0x1ea: {  	_ =	swait.ge [sflag:s10], $0x2000  }
0x1eb: {  	[sflag:s10] =	ssyncset.done $0x0  }
0x1ec: {  	[sflag:s10] =	ssyncadd.s32 $0xFFFFE000  }
0x1ed: {  	_ =	swait.ge [sflag:s10], $0x2000  }
0x1ee: {  	[sflag:s10] =	ssyncset.done $0x0  }
0x1ef: {  	s19 =	rddreg [dreg:$0x8];
	[sflag:s10] =	ssyncadd.s32 $0xFFFFE000  }
0x1f0: {  	[hbm4b:s19+s2] =	stream.linear.scatter [tilespmem:s5], [sflag:$0x3], $0xA000, $0x38;
	[tilespmem:$0x15900] =	vst v63  }
0x1f1: {  	_ =	swait.ge [sflag:s6], $0xA000  }
0x1f2: {  	s0 =	sld [smem:$0x7F5]  }
0x1f3: {  	[sflag:s6] =	ssyncset.done $0x0  }
0x1f4: {  	s19 =	sld [smem:$0x7F6];
	[sflag:s6] =	ssyncadd.s32 $0xFFFF6000  }
0x1f5: {  	[tilespmem:s5], [sflag:$0x1] =	stream.indirect.gather [hbm4b:s3+s7], $0x40, s0, s7, $0xb8;
	[tilespmem:$0x15900] =	vst v63  }
0x1f6: {  	s0 =	sld [smem:$0x7F7]  }
0x1f7: {  	[tilespmem:s15], [sflag:$0x1] =	stream.indirect.gather [hbm4b:s3+s7], $0x40, s19, s7, $0xb8;
	[tilespmem:$0x15900] =	vst v63  }
0x1f8: {  	s19 =	sld [smem:$0x7F8]  }
0x1f9: {  	[tilespmem:s16], [sflag:$0x1] =	stream.indirect.gather [hbm4b:s3+s7], $0x40, s0, s7, $0xb8;
	[tilespmem:$0x15900] =	vst v63  }
0x1fa: {  	s0 =	sld [smem:$0x7F9]  }
0x1fb: {  	[tilespmem:s17], [sflag:$0x1] =	stream.indirect.gather [hbm4b:s3+s7], $0x40, s19, s7, $0xb8;
	[tilespmem:$0x15900] =	vst v63  }
0x1fc: {  	_ = 	snop  }
0x1fd: {  	[tilespmem:s18], [sflag:$0x1] =	stream.indirect.gather [hbm4b:s3+s7], $0x40, s0, s7, $0xb8;
	[tilespmem:$0x15900] =	vst v63  }
0x1fe: {  	_ =	swait.ge [sflag:s9], $0x2000  }
0x1ff: {  	[sflag:s9] =	ssyncset.done $0x0  }
0x200: {  	[sflag:s9] =	ssyncadd.s32 $0xFFFFE000  }
0x201: {  	_ =	swait.ge [sflag:s9], $0x2000  }
0x202: {  	[sflag:s9] =	ssyncset.done $0x0  }
0x203: {  	[sflag:s9] =	ssyncadd.s32 $0xFFFFE000  }
0x204: {  	_ =	swait.ge [sflag:s9], $0x2000  }
0x205: {  	[sflag:s9] =	ssyncset.done $0x0  }
0x206: {  	[sflag:s9] =	ssyncadd.s32 $0xFFFFE000  }
0x207: {  	_ =	swait.ge [sflag:s9], $0x2000  }
0x208: {  	[sflag:s9] =	ssyncset.done $0x0  }
0x209: {  	[sflag:s9] =	ssyncadd.s32 $0xFFFFE000  }
0x20a: {  	_ =	swait.ge [sflag:s9], $0x2000  }
0x20b: {  	[sflag:s9] =	ssyncset.done $0x0  }
0x20c: {  	s19 =	rddreg [dreg:$0x9];
	[sflag:s9] =	ssyncadd.s32 $0xFFFFE000  }
0x20d: {  	[hbm4b:s19+s2] =	stream.linear.scatter [tilespmem:s4], [sflag:$0x4], $0xA000, $0x38;
	[tilespmem:$0x15900] =	vst v63  }
0x20e: {  	_ =	swait.ge [sflag:s8], $0xA000  }
0x20f: {  	s0 =	sld [smem:$0x7FA]  }
0x210: {  	[sflag:s8] =	ssyncset.done $0x0  }
0x211: {  	s19 =	sld [smem:$0x7FB];
	[sflag:s8] =	ssyncadd.s32 $0xFFFF6000  }
0x212: {  	[tilespmem:s4], [sflag:$0x2] =	stream.indirect.gather [hbm4b:s3+s7], $0x40, s0, s7, $0xb8;
	[tilespmem:$0x15900] =	vst v63  }
0x213: {  	s0 =	sld [smem:$0x7FC]  }
0x214: {  	[tilespmem:s11], [sflag:$0x2] =	stream.indirect.gather [hbm4b:s3+s7], $0x40, s19, s7, $0xb8;
	[tilespmem:$0x15900] =	vst v63  }
0x215: {  	s19 =	sld [smem:$0x7FD]  }
0x216: {  	[tilespmem:s12], [sflag:$0x2] =	stream.indirect.gather [hbm4b:s3+s7], $0x40, s0, s7, $0xb8;
	[tilespmem:$0x15900] =	vst v63  }
0x217: {  	_ = 	snop  }
0x218: {  	[tilespmem:s13], [sflag:$0x2] =	stream.indirect.gather [hbm4b:s3+s7], $0x40, s19, s7, $0xb8;
	[tilespmem:$0x15900] =	vst v63  }
0x219: {  	_ = 	snop  }
0x21a: {  	[tilespmem:s14], [sflag:$0x2] =	stream.indirect.gather [hbm4b:s3+s7], $0x40, s25, s7, $0xb8;
	[tilespmem:$0x15900] =	vst v63  }
0x21b: {  	_ =	swait.ge [sflag:s10], $0x2000  }
0x21c: {  	[sflag:s10] =	ssyncset.done $0x0  }
0x21d: {  	[sflag:s10] =	ssyncadd.s32 $0xFFFFE000  }
0x21e: {  	_ =	swait.ge [sflag:s10], $0x2000  }
0x21f: {  	[sflag:s10] =	ssyncset.done $0x0  }
0x220: {  	[sflag:s10] =	ssyncadd.s32 $0xFFFFE000  }
0x221: {  	_ =	swait.ge [sflag:s10], $0x2000  }
0x222: {  	[sflag:s10] =	ssyncset.done $0x0  }
0x223: {  	[sflag:s10] =	ssyncadd.s32 $0xFFFFE000  }
0x224: {  	_ =	swait.ge [sflag:s10], $0x2000  }
0x225: {  	[sflag:s10] =	ssyncset.done $0x0  }
0x226: {  	[sflag:s10] =	ssyncadd.s32 $0xFFFFE000  }
0x227: {  	_ =	swait.ge [sflag:s10], $0x2000  }
0x228: {  	[sflag:s10] =	ssyncset.done $0x0  }
0x229: {  	s19 =	rddreg [dreg:$0xa];
	[sflag:s10] =	ssyncadd.s32 $0xFFFFE000  }
0x22a: {  	[hbm4b:s19+s2] =	stream.linear.scatter [tilespmem:s5], [sflag:$0x3], $0xA000, $0x38;
	[tilespmem:$0x15900] =	vst v63  }
0x22b: {  	_ =	swait.ge [sflag:s6], $0xA000  }
0x22c: {  	[sflag:s6] =	ssyncset.done $0x0  }
0x22d: {  	s19 =	simm.s32 $0x1400;
	[sflag:s6] =	ssyncadd.s32 $0xFFFF6000  }
0x22e: {  	[tilespmem:s5], [sflag:$0x1] =	stream.indirect.gather [hbm4b:s3+s7], $0x40, s19, s7, $0xb8;
	[tilespmem:$0x15900] =	vst v63  }
0x22f: {  	_ = 	snop  }
0x230: {  	[tilespmem:s15], [sflag:$0x1] =	stream.indirect.gather [hbm4b:s3+s7], $0x40, s26, s7, $0xb8;
	[tilespmem:$0x15900] =	vst v63  }
0x231: {  	_ = 	snop  }
0x232: {  	[tilespmem:s16], [sflag:$0x1] =	stream.indirect.gather [hbm4b:s3+s7], $0x40, s28, s7, $0xb8;
	[tilespmem:$0x15900] =	vst v63  }
0x233: {  	_ = 	snop  }
0x234: {  	[tilespmem:s17], [sflag:$0x1] =	stream.indirect.gather [hbm4b:s3+s7], $0x40, s29, s7, $0xb8;
	[tilespmem:$0x15900] =	vst v63  }
0x235: {  	_ = 	snop  }
0x236: {  	[tilespmem:s18], [sflag:$0x1] =	stream.indirect.gather [hbm4b:s3+s7], $0x40, s30, s7, $0xb8;
	[tilespmem:$0x15900] =	vst v63  }
0x237: {  	_ =	swait.ge [sflag:s9], $0x2000  }
0x238: {  	[sflag:s9] =	ssyncset.done $0x0  }
0x239: {  	[sflag:s9] =	ssyncadd.s32 $0xFFFFE000  }
0x23a: {  	_ =	swait.ge [sflag:s9], $0x2000  }
0x23b: {  	[sflag:s9] =	ssyncset.done $0x0  }
0x23c: {  	[sflag:s9] =	ssyncadd.s32 $0xFFFFE000  }
0x23d: {  	_ =	swait.ge [sflag:s9], $0x2000  }
0x23e: {  	[sflag:s9] =	ssyncset.done $0x0  }
0x23f: {  	[sflag:s9] =	ssyncadd.s32 $0xFFFFE000  }
0x240: {  	_ =	swait.ge [sflag:s9], $0x2000  }
0x241: {  	[sflag:s9] =	ssyncset.done $0x0  }
0x242: {  	[sflag:s9] =	ssyncadd.s32 $0xFFFFE000  }
0x243: {  	_ =	swait.ge [sflag:s9], $0x2000  }
0x244: {  	[sflag:s9] =	ssyncset.done $0x0  }
0x245: {  	s19 =	rddreg [dreg:$0xb];
	[sflag:s9] =	ssyncadd.s32 $0xFFFFE000  }
0x246: {  	[hbm4b:s19+s2] =	stream.linear.scatter [tilespmem:s4], [sflag:$0x4], $0xA000, $0x38;
	[tilespmem:$0x15900] =	vst v63  }
0x247: {  	_ =	swait.ge [sflag:s8], $0xA000  }
0x248: {  	[sflag:s8] =	ssyncset.done $0x0  }
0x249: {  	[sflag:s8] =	ssyncadd.s32 $0xFFFF6000  }
0x24a: {  	[tilespmem:s4], [sflag:$0x2] =	stream.indirect.gather [hbm4b:s3+s7], $0x40, s20, s7, $0xb8;
	[tilespmem:$0x15900] =	vst v63  }
0x24b: {  	_ = 	snop  }
0x24c: {  	[tilespmem:s11], [sflag:$0x2] =	stream.indirect.gather [hbm4b:s3+s7], $0x40, s21, s7, $0xb8;
	[tilespmem:$0x15900] =	vst v63  }
0x24d: {  	_ = 	snop  }
0x24e: {  	[tilespmem:s12], [sflag:$0x2] =	stream.indirect.gather [hbm4b:s3+s7], $0x40, s22, s7, $0xb8;
	[tilespmem:$0x15900] =	vst v63  }
0x24f: {  	_ = 	snop  }
0x250: {  	[tilespmem:s13], [sflag:$0x2] =	stream.indirect.gather [hbm4b:s3+s7], $0x40, s23, s7, $0xb8;
	[tilespmem:$0x15900] =	vst v63  }
0x251: {  	_ = 	snop  }
0x252: {  	[tilespmem:s14], [sflag:$0x2] =	stream.indirect.gather [hbm4b:s3+s7], $0x40, s24, s7, $0xb8;
	[tilespmem:$0x15900] =	vst v63  }
0x253: {  	_ =	swait.ge [sflag:s10], $0x2000  }
0x254: {  	[sflag:s10] =	ssyncset.done $0x0  }
0x255: {  	[sflag:s10] =	ssyncadd.s32 $0xFFFFE000  }
0x256: {  	_ =	swait.ge [sflag:s10], $0x2000  }
0x257: {  	[sflag:s10] =	ssyncset.done $0x0  }
0x258: {  	[sflag:s10] =	ssyncadd.s32 $0xFFFFE000  }
0x259: {  	_ =	swait.ge [sflag:s10], $0x2000  }
0x25a: {  	[sflag:s10] =	ssyncset.done $0x0  }
0x25b: {  	[sflag:s10] =	ssyncadd.s32 $0xFFFFE000  }
0x25c: {  	_ =	swait.ge [sflag:s10], $0x2000  }
0x25d: {  	[sflag:s10] =	ssyncset.done $0x0  }
0x25e: {  	[sflag:s10] =	ssyncadd.s32 $0xFFFFE000  }
0x25f: {  	_ =	swait.ge [sflag:s10], $0x2000  }
0x260: {  	[sflag:s10] =	ssyncset.done $0x0  }
0x261: {  	s19 =	rddreg [dreg:$0xc];
	[sflag:s10] =	ssyncadd.s32 $0xFFFFE000  }
0x262: {  	[hbm4b:s19+s2] =	stream.linear.scatter [tilespmem:s5], [sflag:$0x3], $0xA000, $0x38;
	[tilespmem:$0x15900] =	vst v63  }
0x263: {  	_ =	swait.ge [sflag:s9], $0x2000  }
0x264: {  	[sflag:s9] =	ssyncset.done $0x0  }
0x265: {  	[sflag:s9] =	ssyncadd.s32 $0xFFFFE000  }
0x266: {  	_ =	swait.ge [sflag:s9], $0x2000  }
0x267: {  	[sflag:s9] =	ssyncset.done $0x0  }
0x268: {  	[sflag:s9] =	ssyncadd.s32 $0xFFFFE000  }
0x269: {  	_ =	swait.ge [sflag:s9], $0x2000  }
0x26a: {  	[sflag:s9] =	ssyncset.done $0x0  }
0x26b: {  	[sflag:s9] =	ssyncadd.s32 $0xFFFFE000  }
0x26c: {  	_ =	swait.ge [sflag:s9], $0x2000  }
0x26d: {  	[sflag:s9] =	ssyncset.done $0x0  }
0x26e: {  	[sflag:s9] =	ssyncadd.s32 $0xFFFFE000  }
0x26f: {  	_ =	swait.ge [sflag:s9], $0x2000  }
0x270: {  	[sflag:s9] =	ssyncset.done $0x0  }
0x271: {  	p1 =	sne.s32 s1, $0x1;
	s19 =	rddreg [dreg:$0xd];
	[sflag:s9] =	ssyncadd.s32 $0xFFFFE000  }
0x272: {  	[hbm4b:s19+s2] =	stream.linear.scatter [tilespmem:s4], [sflag:$0x4], $0xA000, $0x38;
	[tilespmem:$0x15900] =	vst v63  }
.Ltmp2:
0x273: {  	_ =	swait.ge [sflag:s6], $0xA000;
	(pc) =	sbr.rel @p1 .LBB2_4-.Ltmp2, $4  }
0x274: {  	[sflag:s6] =	ssyncset.done $0x0  }
0x275: {  	[sflag:s6] =	ssyncadd.s32 $0xFFFF6000  }
0x276: {  	_ =	swait.ge [sflag:s8], $0xA000  }
0x277: {  	s1 =	sadd.s32 $0xFFFFFFFF, s1;
	s0 =	rddreg [dreg:$0x3];
	[sflag:s8] =	ssyncset.done $0x0  }
0x278: {  	s24 =	simm.s32 $0x1380;
	s30 =	simm.s32 $0x1600  }
0x279: {  	s29 =	simm.s32 $0x1580;
	s28 =	simm.s32 $0x1500;
	s26 =	simm.s32 $0x1480  }
0x27a: {  	s25 =	simm.s32 $0x1400;
	s23 =	simm.s32 $0x1800;
	s22 =	simm.s32 $0x1780  }
0x27b: {  	s21 =	simm.s32 $0x1700;
	s20 =	simm.s32 $0x1680;
	s19 =	stileid.u32  }
.LBB2_6:
0x27c: {  	[sflag:s8] =	ssyncadd.s32 @p0 $0xFFFF6000  }
0x27d: {  	[tilespmem:s2], [sflag:$0x5] =	stream.linear.gather [hbm4b:s0+s2], $0x1900, $0x38;
	[tilespmem:$0x15900] =	vst v63  }
0x27e: {  	_ =	swait.ge [sflag:s31], $0x1900  }
0x27f: {  	[sflag:s31] =	ssyncset.done $0x0  }
0x280: {  	[sflag:s31] =	ssyncadd.s32 $0xFFFFE700  }
0x281: {  	[tilespmem:s5], [sflag:$0x1] =	stream.indirect.gather [hbm4b:s3+s7], $0x40, s2, s7, $0xb8;
	[tilespmem:$0x15900] =	vst v63  }
0x282: {  	_ = 	snop  }
0x283: {  	[tilespmem:s15], [sflag:$0x1] =	stream.indirect.gather [hbm4b:s3+s7], $0x40, s7, s7, $0xb8;
	[tilespmem:$0x15900] =	vst v63  }
0x284: {  	s31 =	rddreg [dreg:$0xe]  }
0x285: {  	[tilespmem:s16], [sflag:$0x1] =	stream.indirect.gather [hbm4b:s3+s7], $0x40, s31, s7, $0xb8;
	[tilespmem:$0x15900] =	vst v63  }
0x286: {  	s1 =	rddreg [dreg:$0xf]  }
0x287: {  	[tilespmem:s17], [sflag:$0x1] =	stream.indirect.gather [hbm4b:s3+s7], $0x40, s1, s7, $0xb8;
	[tilespmem:$0x15900] =	vst v63  }
0x288: {  	s0 =	rddreg [dreg:$0x10]  }
0x289: {  	[tilespmem:s18], [sflag:$0x1] =	stream.indirect.gather [hbm4b:s3+s7], $0x40, s0, s7, $0xb8;
	[tilespmem:$0x15900] =	vst v63  }
0x28a: {  	s31 =	rddreg [dreg:$0x11]  }
0x28b: {  	[tilespmem:s4], [sflag:$0x2] =	stream.indirect.gather [hbm4b:s3+s7], $0x40, s31, s7, $0xb8;
	[tilespmem:$0x15900] =	vst v63  }
0x28c: {  	s0 =	rddreg [dreg:$0x12]  }
0x28d: {  	[tilespmem:s11], [sflag:$0x2] =	stream.indirect.gather [hbm4b:s3+s7], $0x40, s0, s7, $0xb8;
	[tilespmem:$0x15900] =	vst v63  }
0x28e: {  	s31 =	rddreg [dreg:$0x13]  }
0x28f: {  	[tilespmem:s12], [sflag:$0x2] =	stream.indirect.gather [hbm4b:s3+s7], $0x40, s31, s7, $0xb8;
	[tilespmem:$0x15900] =	vst v63  }
0x290: {  	s0 =	rddreg [dreg:$0x14]  }
0x291: {  	[tilespmem:s13], [sflag:$0x2] =	stream.indirect.gather [hbm4b:s3+s7], $0x40, s0, s7, $0xb8;
	[tilespmem:$0x15900] =	vst v63  }
0x292: {  	s31 =	rddreg [dreg:$0x15]  }
0x293: {  	[tilespmem:s14], [sflag:$0x2] =	stream.indirect.gather [hbm4b:s3+s7], $0x40, s31, s7, $0xb8;
	[tilespmem:$0x15900] =	vst v63  }
0x294: {  	_ =	swait.ge [sflag:s10], $0x2000  }
0x295: {  	[sflag:s10] =	ssyncset.done $0x0  }
0x296: {  	[sflag:s10] =	ssyncadd.s32 $0xFFFFE000  }
0x297: {  	_ =	swait.ge [sflag:s10], $0x2000  }
0x298: {  	[sflag:s10] =	ssyncset.done $0x0  }
0x299: {  	[sflag:s10] =	ssyncadd.s32 $0xFFFFE000  }
0x29a: {  	_ =	swait.ge [sflag:s10], $0x2000  }
0x29b: {  	[sflag:s10] =	ssyncset.done $0x0  }
0x29c: {  	[sflag:s10] =	ssyncadd.s32 $0xFFFFE000  }
0x29d: {  	_ =	swait.ge [sflag:s10], $0x2000  }
0x29e: {  	[sflag:s10] =	ssyncset.done $0x0  }
0x29f: {  	[sflag:s10] =	ssyncadd.s32 $0xFFFFE000  }
0x2a0: {  	_ =	swait.ge [sflag:s10], $0x2000  }
0x2a1: {  	[sflag:s10] =	ssyncset.done $0x0  }
0x2a2: {  	s1 =	rddreg [dreg:$0x4];
	[sflag:s10] =	ssyncadd.s32 $0xFFFFE000  }
0x2a3: {  	[hbm4b:s1+s2] =	stream.linear.scatter [tilespmem:s5], [sflag:$0x3], $0xA000, $0x38;
	[tilespmem:$0x15900] =	vst v63  }
0x2a4: {  	_ =	swait.ge [sflag:s6], $0xA000  }
0x2a5: {  	[sflag:s6] =	ssyncset.done $0x0  }
0x2a6: {  	s31 =	rddreg [dreg:$0x16];
	[sflag:s6] =	ssyncadd.s32 $0xFFFF6000  }
0x2a7: {  	[tilespmem:s5], [sflag:$0x1] =	stream.indirect.gather [hbm4b:s3+s7], $0x40, s31, s7, $0xb8;
	[tilespmem:$0x15900] =	vst v63  }
0x2a8: {  	s1 =	rddreg [dreg:$0x17]  }
0x2a9: {  	[tilespmem:s15], [sflag:$0x1] =	stream.indirect.gather [hbm4b:s3+s7], $0x40, s1, s7, $0xb8;
	[tilespmem:$0x15900] =	vst v63  }
0x2aa: {  	s31 =	rddreg [dreg:$0x18]  }
0x2ab: {  	[tilespmem:s16], [sflag:$0x1] =	stream.indirect.gather [hbm4b:s3+s7], $0x40, s31, s7, $0xb8;
	[tilespmem:$0x15900] =	vst v63  }
0x2ac: {  	s1 =	rddreg [dreg:$0x19]  }
0x2ad: {  	[tilespmem:s17], [sflag:$0x1] =	stream.indirect.gather [hbm4b:s3+s7], $0x40, s1, s7, $0xb8;
	[tilespmem:$0x15900] =	vst v63  }
0x2ae: {  	s31 =	rddreg [dreg:$0x1a]  }
0x2af: {  	[tilespmem:s18], [sflag:$0x1] =	stream.indirect.gather [hbm4b:s3+s7], $0x40, s31, s7, $0xb8;
	[tilespmem:$0x15900] =	vst v63  }
0x2b0: {  	_ =	swait.ge [sflag:s9], $0x2000  }
0x2b1: {  	[sflag:s9] =	ssyncset.done $0x0  }
0x2b2: {  	[sflag:s9] =	ssyncadd.s32 $0xFFFFE000  }
0x2b3: {  	_ =	swait.ge [sflag:s9], $0x2000  }
0x2b4: {  	[sflag:s9] =	ssyncset.done $0x0  }
0x2b5: {  	[sflag:s9] =	ssyncadd.s32 $0xFFFFE000  }
0x2b6: {  	_ =	swait.ge [sflag:s9], $0x2000  }
0x2b7: {  	[sflag:s9] =	ssyncset.done $0x0  }
0x2b8: {  	[sflag:s9] =	ssyncadd.s32 $0xFFFFE000  }
0x2b9: {  	_ =	swait.ge [sflag:s9], $0x2000  }
0x2ba: {  	[sflag:s9] =	ssyncset.done $0x0  }
0x2bb: {  	[sflag:s9] =	ssyncadd.s32 $0xFFFFE000  }
0x2bc: {  	_ =	swait.ge [sflag:s9], $0x2000  }
0x2bd: {  	[sflag:s9] =	ssyncset.done $0x0  }
0x2be: {  	s1 =	rddreg [dreg:$0x5];
	[sflag:s9] =	ssyncadd.s32 $0xFFFFE000  }
0x2bf: {  	[hbm4b:s1+s2] =	stream.linear.scatter [tilespmem:s4], [sflag:$0x4], $0xA000, $0x38;
	[tilespmem:$0x15900] =	vst v63  }
0x2c0: {  	_ =	swait.ge [sflag:s8], $0xA000  }
0x2c1: {  	[sflag:s8] =	ssyncset.done $0x0  }
0x2c2: {  	s31 =	rddreg [dreg:$0x1b];
	[sflag:s8] =	ssyncadd.s32 $0xFFFF6000  }
0x2c3: {  	[tilespmem:s4], [sflag:$0x2] =	stream.indirect.gather [hbm4b:s3+s7], $0x40, s31, s7, $0xb8;
	[tilespmem:$0x15900] =	vst v63  }
0x2c4: {  	s1 =	rddreg [dreg:$0x1c]  }
0x2c5: {  	[tilespmem:s11], [sflag:$0x2] =	stream.indirect.gather [hbm4b:s3+s7], $0x40, s1, s7, $0xb8;
	[tilespmem:$0x15900] =	vst v63  }
0x2c6: {  	s31 =	rddreg [dreg:$0x1d]  }
0x2c7: {  	[tilespmem:s12], [sflag:$0x2] =	stream.indirect.gather [hbm4b:s3+s7], $0x40, s31, s7, $0xb8;
	[tilespmem:$0x15900] =	vst v63  }
0x2c8: {  	s1 =	rddreg [dreg:$0x1e]  }
0x2c9: {  	[tilespmem:s13], [sflag:$0x2] =	stream.indirect.gather [hbm4b:s3+s7], $0x40, s1, s7, $0xb8;
	[tilespmem:$0x15900] =	vst v63  }
0x2ca: {  	s31 =	rddreg [dreg:$0x1f]  }
0x2cb: {  	[tilespmem:s14], [sflag:$0x2] =	stream.indirect.gather [hbm4b:s3+s7], $0x40, s31, s7, $0xb8;
	[tilespmem:$0x15900] =	vst v63  }
0x2cc: {  	_ =	swait.ge [sflag:s10], $0x2000  }
0x2cd: {  	[sflag:s10] =	ssyncset.done $0x0  }
0x2ce: {  	[sflag:s10] =	ssyncadd.s32 $0xFFFFE000  }
0x2cf: {  	_ =	swait.ge [sflag:s10], $0x2000  }
0x2d0: {  	[sflag:s10] =	ssyncset.done $0x0  }
0x2d1: {  	[sflag:s10] =	ssyncadd.s32 $0xFFFFE000  }
0x2d2: {  	_ =	swait.ge [sflag:s10], $0x2000  }
0x2d3: {  	[sflag:s10] =	ssyncset.done $0x0  }
0x2d4: {  	[sflag:s10] =	ssyncadd.s32 $0xFFFFE000  }
0x2d5: {  	_ =	swait.ge [sflag:s10], $0x2000  }
0x2d6: {  	[sflag:s10] =	ssyncset.done $0x0  }
0x2d7: {  	[sflag:s10] =	ssyncadd.s32 $0xFFFFE000  }
0x2d8: {  	_ =	swait.ge [sflag:s10], $0x2000  }
0x2d9: {  	[sflag:s10] =	ssyncset.done $0x0  }
0x2da: {  	s1 =	rddreg [dreg:$0x6];
	[sflag:s10] =	ssyncadd.s32 $0xFFFFE000  }
0x2db: {  	[hbm4b:s1+s2] =	stream.linear.scatter [tilespmem:s5], [sflag:$0x3], $0xA000, $0x38;
	[tilespmem:$0x15900] =	vst v63  }
0x2dc: {  	_ =	swait.ge [sflag:s6], $0xA000  }
0x2dd: {  	s31 =	sld [smem:$0x7EB]  }
0x2de: {  	[sflag:s6] =	ssyncset.done $0x0  }
0x2df: {  	s1 =	sld [smem:$0x7EC];
	[sflag:s6] =	ssyncadd.s32 $0xFFFF6000  }
0x2e0: {  	[tilespmem:s5], [sflag:$0x1] =	stream.indirect.gather [hbm4b:s3+s7], $0x40, s31, s7, $0xb8;
	[tilespmem:$0x15900] =	vst v63  }
0x2e1: {  	s31 =	sld [smem:$0x7ED]  }
0x2e2: {  	[tilespmem:s15], [sflag:$0x1] =	stream.indirect.gather [hbm4b:s3+s7], $0x40, s1, s7, $0xb8;
	[tilespmem:$0x15900] =	vst v63  }
0x2e3: {  	s1 =	sld [smem:$0x7EE]  }
0x2e4: {  	[tilespmem:s16], [sflag:$0x1] =	stream.indirect.gather [hbm4b:s3+s7], $0x40, s31, s7, $0xb8;
	[tilespmem:$0x15900] =	vst v63  }
0x2e5: {  	s31 =	sld [smem:$0x7EF]  }
0x2e6: {  	[tilespmem:s17], [sflag:$0x1] =	stream.indirect.gather [hbm4b:s3+s7], $0x40, s1, s7, $0xb8;
	[tilespmem:$0x15900] =	vst v63  }
0x2e7: {  	_ = 	snop  }
0x2e8: {  	[tilespmem:s18], [sflag:$0x1] =	stream.indirect.gather [hbm4b:s3+s7], $0x40, s31, s7, $0xb8;
	[tilespmem:$0x15900] =	vst v63  }
0x2e9: {  	_ =	swait.ge [sflag:s9], $0x2000  }
0x2ea: {  	[sflag:s9] =	ssyncset.done $0x0  }
0x2eb: {  	[sflag:s9] =	ssyncadd.s32 $0xFFFFE000  }
0x2ec: {  	_ =	swait.ge [sflag:s9], $0x2000  }
0x2ed: {  	[sflag:s9] =	ssyncset.done $0x0  }
0x2ee: {  	[sflag:s9] =	ssyncadd.s32 $0xFFFFE000  }
0x2ef: {  	_ =	swait.ge [sflag:s9], $0x2000  }
0x2f0: {  	[sflag:s9] =	ssyncset.done $0x0  }
0x2f1: {  	[sflag:s9] =	ssyncadd.s32 $0xFFFFE000  }
0x2f2: {  	_ =	swait.ge [sflag:s9], $0x2000  }
0x2f3: {  	[sflag:s9] =	ssyncset.done $0x0  }
0x2f4: {  	[sflag:s9] =	ssyncadd.s32 $0xFFFFE000  }
0x2f5: {  	_ =	swait.ge [sflag:s9], $0x2000  }
0x2f6: {  	[sflag:s9] =	ssyncset.done $0x0  }
0x2f7: {  	s1 =	rddreg [dreg:$0x7];
	[sflag:s9] =	ssyncadd.s32 $0xFFFFE000  }
0x2f8: {  	[hbm4b:s1+s2] =	stream.linear.scatter [tilespmem:s4], [sflag:$0x4], $0xA000, $0x38;
	[tilespmem:$0x15900] =	vst v63  }
0x2f9: {  	_ =	swait.ge [sflag:s8], $0xA000  }
0x2fa: {  	s31 =	sld [smem:$0x7F0]  }
0x2fb: {  	[sflag:s8] =	ssyncset.done $0x0  }
0x2fc: {  	s1 =	sld [smem:$0x7F1];
	[sflag:s8] =	ssyncadd.s32 $0xFFFF6000  }
0x2fd: {  	[tilespmem:s4], [sflag:$0x2] =	stream.indirect.gather [hbm4b:s3+s7], $0x40, s31, s7, $0xb8;
	[tilespmem:$0x15900] =	vst v63  }
0x2fe: {  	s31 =	sld [smem:$0x7F2]  }
0x2ff: {  	[tilespmem:s11], [sflag:$0x2] =	stream.indirect.gather [hbm4b:s3+s7], $0x40, s1, s7, $0xb8;
	[tilespmem:$0x15900] =	vst v63  }
0x300: {  	s1 =	sld [smem:$0x7F3]  }
0x301: {  	[tilespmem:s12], [sflag:$0x2] =	stream.indirect.gather [hbm4b:s3+s7], $0x40, s31, s7, $0xb8;
	[tilespmem:$0x15900] =	vst v63  }
0x302: {  	s31 =	sld [smem:$0x7F4]  }
0x303: {  	[tilespmem:s13], [sflag:$0x2] =	stream.indirect.gather [hbm4b:s3+s7], $0x40, s1, s7, $0xb8;
	[tilespmem:$0x15900] =	vst v63  }
0x304: {  	_ = 	snop  }
0x305: {  	[tilespmem:s14], [sflag:$0x2] =	stream.indirect.gather [hbm4b:s3+s7], $0x40, s31, s7, $0xb8;
	[tilespmem:$0x15900] =	vst v63  }
0x306: {  	_ =	swait.ge [sflag:s10], $0x2000  }
0x307: {  	[sflag:s10] =	ssyncset.done $0x0  }
0x308: {  	[sflag:s10] =	ssyncadd.s32 $0xFFFFE000  }
0x309: {  	_ =	swait.ge [sflag:s10], $0x2000  }
0x30a: {  	[sflag:s10] =	ssyncset.done $0x0  }
0x30b: {  	[sflag:s10] =	ssyncadd.s32 $0xFFFFE000  }
0x30c: {  	_ =	swait.ge [sflag:s10], $0x2000  }
0x30d: {  	[sflag:s10] =	ssyncset.done $0x0  }
0x30e: {  	[sflag:s10] =	ssyncadd.s32 $0xFFFFE000  }
0x30f: {  	_ =	swait.ge [sflag:s10], $0x2000  }
0x310: {  	[sflag:s10] =	ssyncset.done $0x0  }
0x311: {  	[sflag:s10] =	ssyncadd.s32 $0xFFFFE000  }
0x312: {  	_ =	swait.ge [sflag:s10], $0x2000  }
0x313: {  	[sflag:s10] =	ssyncset.done $0x0  }
0x314: {  	s1 =	rddreg [dreg:$0x8];
	[sflag:s10] =	ssyncadd.s32 $0xFFFFE000  }
0x315: {  	[hbm4b:s1+s2] =	stream.linear.scatter [tilespmem:s5], [sflag:$0x3], $0xA000, $0x38;
	[tilespmem:$0x15900] =	vst v63  }
0x316: {  	_ =	swait.ge [sflag:s6], $0xA000  }
0x317: {  	s31 =	sld [smem:$0x7F5]  }
0x318: {  	[sflag:s6] =	ssyncset.done $0x0  }
0x319: {  	s1 =	sld [smem:$0x7F6];
	[sflag:s6] =	ssyncadd.s32 $0xFFFF6000  }
0x31a: {  	[tilespmem:s5], [sflag:$0x1] =	stream.indirect.gather [hbm4b:s3+s7], $0x40, s31, s7, $0xb8;
	[tilespmem:$0x15900] =	vst v63  }
0x31b: {  	s31 =	sld [smem:$0x7F7]  }
0x31c: {  	[tilespmem:s15], [sflag:$0x1] =	stream.indirect.gather [hbm4b:s3+s7], $0x40, s1, s7, $0xb8;
	[tilespmem:$0x15900] =	vst v63  }
0x31d: {  	s1 =	sld [smem:$0x7F8]  }
0x31e: {  	[tilespmem:s16], [sflag:$0x1] =	stream.indirect.gather [hbm4b:s3+s7], $0x40, s31, s7, $0xb8;
	[tilespmem:$0x15900] =	vst v63  }
0x31f: {  	s31 =	sld [smem:$0x7F9]  }
0x320: {  	[tilespmem:s17], [sflag:$0x1] =	stream.indirect.gather [hbm4b:s3+s7], $0x40, s1, s7, $0xb8;
	[tilespmem:$0x15900] =	vst v63  }
0x321: {  	_ = 	snop  }
0x322: {  	[tilespmem:s18], [sflag:$0x1] =	stream.indirect.gather [hbm4b:s3+s7], $0x40, s31, s7, $0xb8;
	[tilespmem:$0x15900] =	vst v63  }
0x323: {  	_ =	swait.ge [sflag:s9], $0x2000  }
0x324: {  	[sflag:s9] =	ssyncset.done $0x0  }
0x325: {  	[sflag:s9] =	ssyncadd.s32 $0xFFFFE000  }
0x326: {  	_ =	swait.ge [sflag:s9], $0x2000  }
0x327: {  	[sflag:s9] =	ssyncset.done $0x0  }
0x328: {  	[sflag:s9] =	ssyncadd.s32 $0xFFFFE000  }
0x329: {  	_ =	swait.ge [sflag:s9], $0x2000  }
0x32a: {  	[sflag:s9] =	ssyncset.done $0x0  }
0x32b: {  	[sflag:s9] =	ssyncadd.s32 $0xFFFFE000  }
0x32c: {  	_ =	swait.ge [sflag:s9], $0x2000  }
0x32d: {  	[sflag:s9] =	ssyncset.done $0x0  }
0x32e: {  	[sflag:s9] =	ssyncadd.s32 $0xFFFFE000  }
0x32f: {  	_ =	swait.ge [sflag:s9], $0x2000  }
0x330: {  	[sflag:s9] =	ssyncset.done $0x0  }
0x331: {  	s31 =	rddreg [dreg:$0x9];
	[sflag:s9] =	ssyncadd.s32 $0xFFFFE000  }
0x332: {  	[hbm4b:s31+s2] =	stream.linear.scatter [tilespmem:s4], [sflag:$0x4], $0xA000, $0x38;
	[tilespmem:$0x15900] =	vst v63  }
0x333: {  	_ =	swait.ge [sflag:s8], $0xA000  }
0x334: {  	s1 =	sld [smem:$0x7FA]  }
0x335: {  	[sflag:s8] =	ssyncset.done $0x0  }
0x336: {  	s31 =	sld [smem:$0x7FB];
	[sflag:s8] =	ssyncadd.s32 $0xFFFF6000  }
0x337: {  	[tilespmem:s4], [sflag:$0x2] =	stream.indirect.gather [hbm4b:s3+s7], $0x40, s1, s7, $0xb8;
	[tilespmem:$0x15900] =	vst v63  }
0x338: {  	s0 =	sld [smem:$0x7FC]  }
0x339: {  	[tilespmem:s11], [sflag:$0x2] =	stream.indirect.gather [hbm4b:s3+s7], $0x40, s31, s7, $0xb8;
	[tilespmem:$0x15900] =	vst v63  }
0x33a: {  	s31 =	sld [smem:$0x7FD]  }
0x33b: {  	[tilespmem:s12], [sflag:$0x2] =	stream.indirect.gather [hbm4b:s3+s7], $0x40, s0, s7, $0xb8;
	[tilespmem:$0x15900] =	vst v63  }
0x33c: {  	_ = 	snop  }
0x33d: {  	[tilespmem:s13], [sflag:$0x2] =	stream.indirect.gather [hbm4b:s3+s7], $0x40, s31, s7, $0xb8;
	[tilespmem:$0x15900] =	vst v63  }
0x33e: {  	_ = 	snop  }
0x33f: {  	[tilespmem:s14], [sflag:$0x2] =	stream.indirect.gather [hbm4b:s3+s7], $0x40, s24, s7, $0xb8;
	[tilespmem:$0x15900] =	vst v63  }
0x340: {  	_ =	swait.ge [sflag:s10], $0x2000  }
0x341: {  	[sflag:s10] =	ssyncset.done $0x0  }
0x342: {  	[sflag:s10] =	ssyncadd.s32 $0xFFFFE000  }
0x343: {  	_ =	swait.ge [sflag:s10], $0x2000  }
0x344: {  	[sflag:s10] =	ssyncset.done $0x0  }
0x345: {  	[sflag:s10] =	ssyncadd.s32 $0xFFFFE000  }
0x346: {  	_ =	swait.ge [sflag:s10], $0x2000  }
0x347: {  	[sflag:s10] =	ssyncset.done $0x0  }
0x348: {  	[sflag:s10] =	ssyncadd.s32 $0xFFFFE000  }
0x349: {  	_ =	swait.ge [sflag:s10], $0x2000  }
0x34a: {  	[sflag:s10] =	ssyncset.done $0x0  }
0x34b: {  	[sflag:s10] =	ssyncadd.s32 $0xFFFFE000  }
0x34c: {  	_ =	swait.ge [sflag:s10], $0x2000  }
0x34d: {  	[sflag:s10] =	ssyncset.done $0x0  }
0x34e: {  	s24 =	rddreg [dreg:$0xa];
	[sflag:s10] =	ssyncadd.s32 $0xFFFFE000  }
0x34f: {  	[hbm4b:s24+s2] =	stream.linear.scatter [tilespmem:s5], [sflag:$0x3], $0xA000, $0x38;
	[tilespmem:$0x15900] =	vst v63  }
0x350: {  	_ =	swait.ge [sflag:s6], $0xA000  }
0x351: {  	[sflag:s6] =	ssyncset.done $0x0  }
0x352: {  	[sflag:s6] =	ssyncadd.s32 $0xFFFF6000  }
0x353: {  	[tilespmem:s5], [sflag:$0x1] =	stream.indirect.gather [hbm4b:s3+s7], $0x40, s25, s7, $0xb8;
	[tilespmem:$0x15900] =	vst v63  }
0x354: {  	_ = 	snop  }
0x355: {  	[tilespmem:s15], [sflag:$0x1] =	stream.indirect.gather [hbm4b:s3+s7], $0x40, s26, s7, $0xb8;
	[tilespmem:$0x15900] =	vst v63  }
0x356: {  	_ = 	snop  }
0x357: {  	[tilespmem:s16], [sflag:$0x1] =	stream.indirect.gather [hbm4b:s3+s7], $0x40, s28, s7, $0xb8;
	[tilespmem:$0x15900] =	vst v63  }
0x358: {  	_ = 	snop  }
0x359: {  	[tilespmem:s17], [sflag:$0x1] =	stream.indirect.gather [hbm4b:s3+s7], $0x40, s29, s7, $0xb8;
	[tilespmem:$0x15900] =	vst v63  }
0x35a: {  	_ = 	snop  }
0x35b: {  	[tilespmem:s18], [sflag:$0x1] =	stream.indirect.gather [hbm4b:s3+s7], $0x40, s30, s7, $0xb8;
	[tilespmem:$0x15900] =	vst v63  }
0x35c: {  	_ =	swait.ge [sflag:s9], $0x2000  }
0x35d: {  	[sflag:s9] =	ssyncset.done $0x0  }
0x35e: {  	[sflag:s9] =	ssyncadd.s32 $0xFFFFE000  }
0x35f: {  	_ =	swait.ge [sflag:s9], $0x2000  }
0x360: {  	[sflag:s9] =	ssyncset.done $0x0  }
0x361: {  	[sflag:s9] =	ssyncadd.s32 $0xFFFFE000  }
0x362: {  	_ =	swait.ge [sflag:s9], $0x2000  }
0x363: {  	[sflag:s9] =	ssyncset.done $0x0  }
0x364: {  	[sflag:s9] =	ssyncadd.s32 $0xFFFFE000  }
0x365: {  	_ =	swait.ge [sflag:s9], $0x2000  }
0x366: {  	[sflag:s9] =	ssyncset.done $0x0  }
0x367: {  	[sflag:s9] =	ssyncadd.s32 $0xFFFFE000  }
0x368: {  	_ =	swait.ge [sflag:s9], $0x2000  }
0x369: {  	[sflag:s9] =	ssyncset.done $0x0  }
0x36a: {  	s28 =	rddreg [dreg:$0xb];
	[sflag:s9] =	ssyncadd.s32 $0xFFFFE000  }
0x36b: {  	[hbm4b:s28+s2] =	stream.linear.scatter [tilespmem:s4], [sflag:$0x4], $0xA000, $0x38;
	[tilespmem:$0x15900] =	vst v63  }
0x36c: {  	_ =	swait.ge [sflag:s8], $0xA000  }
0x36d: {  	[sflag:s8] =	ssyncset.done $0x0  }
0x36e: {  	[sflag:s8] =	ssyncadd.s32 $0xFFFF6000  }
0x36f: {  	[tilespmem:s4], [sflag:$0x2] =	stream.indirect.gather [hbm4b:s3+s7], $0x40, s20, s7, $0xb8;
	[tilespmem:$0x15900] =	vst v63  }
0x370: {  	_ = 	snop  }
0x371: {  	[tilespmem:s11], [sflag:$0x2] =	stream.indirect.gather [hbm4b:s3+s7], $0x40, s21, s7, $0xb8;
	[tilespmem:$0x15900] =	vst v63  }
0x372: {  	_ = 	snop  }
0x373: {  	[tilespmem:s12], [sflag:$0x2] =	stream.indirect.gather [hbm4b:s3+s7], $0x40, s22, s7, $0xb8;
	[tilespmem:$0x15900] =	vst v63  }
0x374: {  	_ = 	snop  }
0x375: {  	[tilespmem:s13], [sflag:$0x2] =	stream.indirect.gather [hbm4b:s3+s7], $0x40, s23, s7, $0xb8;
	[tilespmem:$0x15900] =	vst v63  }
0x376: {  	s29 =	simm.s32 $0x1880  }
0x377: {  	[tilespmem:s14], [sflag:$0x2] =	stream.indirect.gather [hbm4b:s3+s7], $0x40, s29, s7, $0xb8;
	[tilespmem:$0x15900] =	vst v63  }
0x378: {  	_ =	swait.ge [sflag:s10], $0x2000  }
0x379: {  	[sflag:s10] =	ssyncset.done $0x0  }
0x37a: {  	[sflag:s10] =	ssyncadd.s32 $0xFFFFE000  }
0x37b: {  	_ =	swait.ge [sflag:s10], $0x2000  }
0x37c: {  	[sflag:s10] =	ssyncset.done $0x0  }
0x37d: {  	[sflag:s10] =	ssyncadd.s32 $0xFFFFE000  }
0x37e: {  	_ =	swait.ge [sflag:s10], $0x2000  }
0x37f: {  	[sflag:s10] =	ssyncset.done $0x0  }
0x380: {  	[sflag:s10] =	ssyncadd.s32 $0xFFFFE000  }
0x381: {  	_ =	swait.ge [sflag:s10], $0x2000  }
0x382: {  	[sflag:s10] =	ssyncset.done $0x0  }
0x383: {  	[sflag:s10] =	ssyncadd.s32 $0xFFFFE000  }
0x384: {  	_ =	swait.ge [sflag:s10], $0x2000  }
0x385: {  	[sflag:s10] =	ssyncset.done $0x0  }
0x386: {  	s30 =	rddreg [dreg:$0xc];
	[sflag:s10] =	ssyncadd.s32 $0xFFFFE000  }
0x387: {  	[hbm4b:s30+s2] =	stream.linear.scatter [tilespmem:s5], [sflag:$0x3], $0xA000, $0x38;
	[tilespmem:$0x15900] =	vst v63  }
0x388: {  	_ =	swait.ge [sflag:s9], $0x2000  }
0x389: {  	[sflag:s9] =	ssyncset.done $0x0  }
0x38a: {  	[sflag:s9] =	ssyncadd.s32 $0xFFFFE000  }
0x38b: {  	_ =	swait.ge [sflag:s9], $0x2000  }
0x38c: {  	[sflag:s9] =	ssyncset.done $0x0  }
0x38d: {  	[sflag:s9] =	ssyncadd.s32 $0xFFFFE000  }
0x38e: {  	_ =	swait.ge [sflag:s9], $0x2000  }
0x38f: {  	[sflag:s9] =	ssyncset.done $0x0  }
0x390: {  	[sflag:s9] =	ssyncadd.s32 $0xFFFFE000  }
0x391: {  	_ =	swait.ge [sflag:s9], $0x2000  }
0x392: {  	[sflag:s9] =	ssyncset.done $0x0  }
0x393: {  	[sflag:s9] =	ssyncadd.s32 $0xFFFFE000  }
0x394: {  	_ =	swait.ge [sflag:s9], $0x2000  }
0x395: {  	[sflag:s9] =	ssyncset.done $0x0  }
0x396: {  	s31 =	rddreg [dreg:$0xd];
	[sflag:s9] =	ssyncadd.s32 $0xFFFFE000  }
0x397: {  	[hbm4b:s31+s2] =	stream.linear.scatter [tilespmem:s4], [sflag:$0x4], $0xA000, $0x38;
	[tilespmem:$0x15900] =	vst v63  }
0x398: {  	_ =	swait.ge [sflag:s6], $0xA000  }
0x399: {  	[sflag:s6] =	ssyncset.done $0x0  }
0x39a: {  	[sflag:s6] =	ssyncadd.s32 $0xFFFF6000  }
0x39b: {  	_ =	swait.ge [sflag:s8], $0xA000  }
0x39c: {  	[sflag:s8] =	ssyncset.done $0x0  }
0x39d: {  	[sflag:s8] =	ssyncadd.s32 $0xFFFF6000  }
0x39e: {  	_ =	sfence.sel $0x180000  }
0x39f: {  	[bflag:$0x0] =	sbarrier.arrive $0xFFFF  }
0x3a0: {  	_ =	strace $0x90000047  }
0x3a1: {  	[bflag:$0x2] =	sbarrier.arrive $0xFFFF  }
0x3a2: {  	p0 =	sne.s32 s19, $0x0;
	s0 =	rddreg [dreg:$0x2]  }
0x3a3: {  	s0 =	sadd.s32 @!p0 $0x100000, s0  }
0x3a4: {  	[sflag:s0] =	ssyncadd.tile.s32 @!p0 $0x1;
	_ =	shalt  }
.LBB2_1:
.Ltmp3:
0x3a5: {  	(pc) =	sbr.rel .LBB2_6-.Ltmp3, $4  }
0x3a6: {  	s24 =	simm.s32 $0x1380  }
0x3a7: {  	s30 =	simm.s32 $0x1600;
	s29 =	simm.s32 $0x1580;
	s28 =	simm.s32 $0x1500  }
0x3a8: {  	s26 =	simm.s32 $0x1480;
	s25 =	simm.s32 $0x1400;
	s23 =	simm.s32 $0x1800  }
0x3a9: {  	s22 =	simm.s32 $0x1780;
	s21 =	simm.s32 $0x1700;
	s20 =	simm.s32 $0x1680  }
.LBB2_3:
.Ltmp4:
0x3aa: {  	(pc) =	sbr.rel .LBB2_6-.Ltmp4, $4  }
0x3ab: {  	s24 =	simm.s32 $0x1380;
	s30 =	simm.s32 $0x1600  }
0x3ac: {  	s29 =	simm.s32 $0x1580;
	s28 =	simm.s32 $0x1500;
	s26 =	simm.s32 $0x1480  }
0x3ad: {  	s25 =	simm.s32 $0x1400;
	s23 =	simm.s32 $0x1800;
	s22 =	simm.s32 $0x1780  }
0x3ae: {  	s21 =	simm.s32 $0x1700;
	s20 =	simm.s32 $0x1680;
	s19 =	stileid.u32  }
.Lfunc_end2:
_tile_overlayer_lowered:
.L_overlay_start_2:
0x3af: {  	(tag) =	ssettag $0x2  }
0x3b0: {  	s0 =	rddreg [dreg:$0x0];
	s2 =	stileid.u32  }
0x3b1: {  	s1 =	rddreg [dreg:$0x1];
	p0 =	sne.s32 s2, $0x0  }
0x3b2: {  	s3 =	rddreg [dreg:$0x2];
	[bflag:$0x3] =	sbarrier.arrive $0xFFFF;
	s2 =	simm.s32 @!p0 $0x1C05  }
0x3b3: {  	[timem:s3], [sflag:s2] =	dma.local @!p0 [hbm:s0], s1  }
0x3b4: {  	s0 =	simm.s32 @!p0 $0x5  }
0x3b5: {  	_ =	swait.ge @!p0 [sflag:s0], s1  }
0x3b6: {  	s1 =	ssub.s32 @!p0 $0x0, s1;
	[sflag:s0] =	ssyncset.done @!p0 $0x0  }
0x3b7: {  	[sflag:s0] =	ssyncadd.s32 @!p0 s1  }
0x3b8: {  	[bflag:$0x3] =	sbarrier.arrive $0xFFFF  }
0x3b9: {  	_ =	shalt  }

// kernel: sparse-core-data-format-call.cloned.1.call-start
scs
called_computation_lowered:
.L_overlay_start_0:
0x0: {  	s2 =	sld [smem:$0x3FD9]  }
0x1: {  	s3 =	sld [smem:$0x3FFE];
	_ =	sdelay $0x1  }
0x2: {  	s1 =	srdreg.scid  }
0x3: {  	s0 =	sand.u32 $0x1, s1  }
0x4: {  	s18 =	sshll.u32 s0, $0xA;
	s2 =	sadd.s32 s3, s2  }
0x5: {  	s2 =	sadd.s32 s2, s18  }
0x6: {  	[smem:$0x3FC6] =	sst s2  }
0x7: {  	_ = 	snop  }
0x8: {  	s2 =	sld [smem:$0x3FD0];
	(tm) =	ssettm $0x1  }
0x9: {  	s19 =	sld [smem:$0x3FFB];
	_ =	sdelay $0x3  }
0xa: {  	_ =	strace s19  }
0xb: {  	s3 =	sld [smem:$0x3FFC];
	_ =	sdelay $0x3  }
0xc: {  	_ =	strace s3  }
0xd: {  	s3 =	sld [smem:$0x3FFD];
	_ =	sdelay $0x3  }
0xe: {  	_ =	strace s3  }
0xf: {  	_ =	strace $0x8FFFFFFF  }
0x10: {  	s20 =	sld [smem:$0x3FDB];
	_ =	sdelay $0x1  }
0x11: {  	s4 =	simm.s32 $_scs_section_size  }
0x12: {  	s5 =	simm.s32 $_size__tile_overlayer_lowered;
	s6 =	simm.s32 $_tile_overlayer_lowered  }
0x13: {  	s23 =	simm.s32 $0x1BFF;
	s22 =	sshll.u32 s6, $0x1;
	s3 =	sadd.s32 s4, s20  }
0x14: {  	s7 =	simm.s32 $0x0;
	s21 =	sshll.u32 s5, $0x1;
	s5 =	sadd.s32 s22, s3  }
0x15: {  	[timem:s7], [sflag:s23] =	dma.local [hbm:s5], s21  }
0x16: {  	_ =	swait.ge [sflag:s23], s21  }
0x17: {  	s4 =	ssub.s32 $0x0, s21;
	[sflag:s23] =	ssyncset.done $0x0  }
0x18: {  	[sflag:s23] =	ssyncadd.s32 s4;
	_ =	sdelay $0x1  }
0x19: {  	s24 =	simm.s32 $0x1B8B  }
0x1a: {  	_ =	swait.ge [sflag:s24], $0x1  }
0x1b: {  	[sflag:s24] =	ssyncset.done $0x0  }
0x1c: {  	s26 =	simm.s32 $0x1B8E;
	s25 =	sld [smem:$0x3FFE];
	[sflag:s24] =	ssyncadd.s32 $0xFFFFFFFF  }
0x1d: {  	s27 =	simm.s32 $execute0_lowered;
	[smem:$0x3FD2] =	sst s26  }
0x1e: {  	s5 =	sshll.u32 s27, $0x1;
	_ =	strace $0x80000049;
	[dreg:$0x1] =	wrdreg $0xFFFFFFFF  }
0x1f: {  	s28 =	simm.s32 $_size_execute0_lowered;
	s3 =	sadd.s32 s3, s5;
	[dreg:$0x0] =	wrdreg $0x0  }
0x20: {  	s5 =	sshll.u32 s28, $0x1;
	[dreg:$0x2] =	wrdreg s3  }
0x21: {  	[dreg:$0x3] =	wrdreg s5  }
0x22: {  	[dreg:$0x4] =	wrdreg $0xC0  }
0x23: {  	_ =	task [dreg:s7], $0x5FFFF  }
0x24: {  	[dreg:$0x1] =	wrdreg $0xFFFFFFFF  }
0x25: {  	[dreg:$0x0] =	wrdreg $0x60  }
0x26: {  	[dreg:$0x2] =	wrdreg s25  }
0x27: {  	[dreg:$0x3] =	wrdreg s2  }
0x28: {  	[dreg:$0x4] =	wrdreg $0x9  }
0x29: {  	_ =	task.clear_ibuf [dreg:s7], $0x5FFFF;
	_ =	strace $0x90000049  }
0x2a: {  	s29 =	simm.s32 $0x9;
	_ =	strace $0x8000004B  }
0x2b: {  	_ =	swait.ge [sflag:s29], $0x1  }
0x2c: {  	[sflag:s29] =	ssyncadd.s32 $0xFFFFFFFF  }
0x2d: {  	_ =	strace $0x9000004B  }
0x2e: {  	_ =	sfence  }
0x2f: {  	s30 =	sld [smem:$0x0];
	_ =	sdelay $0x2  }
0x30: {  	s31 =	sshll.u32 s1, $0xD;
	s1 =	sshrl.u32 s1, $0x2  }
0x31: {  	s3 =	sand.u32 $0x4000, s31;
	s1 =	sadd.s32 s1, s30  }
0x32: {  	s0 =	sor.u32 s3, s0;
	s1 =	sshll.u32 s1, $0x11  }
0x33: {  	s0 =	sor.u32 s1, s0  }
0x34: {  	s0 =	sadd.s32 $0x8F2B, s0  }
0x35: {  	[sflag:s0] =	ssyncadd.remote.s32 $0x1  }
0x36: {  	_ =	sfence.sel $0xFFFF  }
0x37: {  	[dreg:$0x0] =	wrdreg $0xFFFFFFFF;
	(pc) =	sbr.abs _section_cstart, $3  }
0x38: {  	[dreg:$0x1] =	wrdreg $0xFFFFFFFF  }
0x39: {  	_ =	task.clear_ibuf [dreg:s7], $0x2FFFF;
	_ =	strace $0x9FFFFFFF  }
0x3a: {  	(tm) =	ssettm $0x7FFFFFFF  }
0x3b: {  	_ =	shalt  }
tec
execute0_lowered:
.L_overlay_start_1:
0x0: {  	(tag) =	ssettag $0x1  }
0x1: {  	s0 =	srdreg.scid  }
0x2: {  	s1 =	sshll.u32 s0, $0x4  }
0x3: {  	s0 =	stileid.u32;
	s1 =	sand.u32 $0x10, s1  }
0x4: {  	s1 =	sor.u32 s0, s1  }
0x5: {  	s6 =	rddreg [dreg:$0x0];
	s4 =	simm.s32 $0x1;
	s2 =	sshll.u32 s1, $0x7  }
0x6: {  	s7 =	simm.s32 $0x2;
	s12 =	simm.s32 $0x0;
	s1 =	ssub.s32 $0x1000, s2  }
0x7: {  	s8 =	simm.s32 $0x8000;
	s13 =	simm.s32 $0x0;
	s3 =	sand.u32 $0xF80, s1  }
0x8: {  	s9 =	simm.s32 $0x0;
	s5 =	sshrl.u32 s1, $0xC;
	p0 =	sne.s32 s3, $0x0  }
.Ltmp0:
0x9: {  	s1 =	rddreg [dreg:$0x2];
	s4 =	simm.s32 @!p0 $0x0;
	(pc) =	sbr.rel .LBB1_1-.Ltmp0, $4  }
0xa: {  	s11 =	simm.s32 $0x0;
	s3 =	rddreg [dreg:$0x1];
	s5 =	sadd.s32 s4, s5  }
0xb: {  	_ =	strace $0x8000004A;
	s4 =	simm.s32 $0x1;
	s5 =	smul.u32 $0x32, s5  }
0xc: {  	s6 =	sadd.s32 $0xA00, s6;
	s10 =	smov.u32 s2;
	[sflag:s4] =	ssyncpa.u1 $0x0  }
0xd: {  	p0 =	por $0x0, $0x0;
	[sflag:s7] =	ssyncpa.u1 $0x0;
	s7 =	sor.u32 $0x1, s5  }
.LBB1_4:
0xe: {  	s16 =	sshll.u32 s13, $0x3;
	s17 =	sand.u32 $0x78, s13  }
0xf: {  	s30 =	sand.u32 $0x7E00, s13;
	s12 =	sshll.u32 s12, $0xF;
	s16 =	sand.u32 $0xC00, s16  }
0x10: {  	[tilespmem:s15+$0x810 ss:$0x81] =	vst.msk $0xffff, v2;
	s31 =	sand.u32 $0x7, s13;
	s16 =	sor.u32 s17, s16;
	s17 =	sadd.s32 s3, s30  }
0x11: {  	[tilespmem:s15+$0x1020 ss:$0x81] =	vst.msk $0xffff, v0;
	s13 =	sshll.u32 s31, $0x12;
	s12 =	sadd.s32 s12, s17;
	s16 =	sshrl.u32 s16, $0x3  }
0x12: {  	[tilespmem:s15+$0x0 ss:$0x81] =	vst.msk $0xffff, v1;
	s13 =	sor.u32 $0x400, s13;
	s12 =	sadd.s32 s16, s12  }
0x13: {  	[hbm4b:s12+s13] =	stream.strided.scatter [tilespmem:s14], [sflag:$0x2], $0x2000, s8, s13, $0x20;
	[tilespmem:$0x8080] =	vst v63  }
.LBB1_5:
0x14: {  	s14 =	sadd.s32 $0x1, s9  }
0x15: {  	s12 =	sadd.s32 $0x1000, s10;
	s16 =	smov.u32 s10;
	p2 =	sgt.s32 s14, $0x31  }
0x16: {  	s16 =	smov.u32 @p2 s12  }
0x17: {  	s14 =	simm.s32 @p2 $0x0;
	p2 =	sgt.s32 s16, $0xFFF  }
0x18: {  	s16 =	smov.u32 @p2 s2;
	p2 =	sne.s32 s11, s7  }
.Ltmp1:
0x19: {  	p1 =	slt.u32 s11, $0x2;
	(pc) =	sbr.rel @!p2 .LBB1_6-.Ltmp1, $4  }
0x1a: {  	s15 =	simm.s32 @!p1 $0x2  }
0x1b: {  	s13 =	smov.u32 s10;
	p0 =	por !p0, !p0;
	_ =	swait.ge @!p1 [sflag:s15], $0x2000  }
0x1c: {  	s12 =	smov.u32 s9;
	[sflag:s15] =	ssyncset.done @!p1 $0x0;
	s9 =	smov.u32 s14  }
0x1d: {  	s11 =	sadd.s32 $0x1, s11;
	[sflag:s15] =	ssyncadd.s32 @!p1 $0xFFFFE000;
	s10 =	smov.u32 s16  }
.LBB1_1:
0x1e: {  	p1 =	sge.u32 s11, s5  }
0x1f: {  	s14 =	sand.u32 @!p1 $0x1FFFFFF, s9  }
0x20: {  	s15 =	smulhi.u32 @!p1 $0x4924925, s14;
	_ =	sdelay $0x1  }
0x21: {  	s15 =	smul.u32 @!p1 $0x38, s15  }
0x22: {  	s16 =	sxor.u32 @!p1 $0xFFFFFFFF, s11;
	s17 =	smul.u32 @!p1 $0x380, s10  }
0x23: {  	s31 =	sadd.s32 $0xFFFFFFFF, s11;
	s16 =	sshll.u32 @!p1 s16, $0xD;
	s14 =	ssub.s32 @!p1 s14, s15  }
0x24: {  	s15 =	sand.u32 @!p1 $0x2000, s16;
	s16 =	sadd.s32 @!p1 s6, s17;
	s14 =	sshll.u32 @!p1 s14, $0x4  }
0x25: {  	s17 =	simm.s32 @!p1 $0x1C00;
	s14 =	sadd.s32 @!p1 s14, s16;
	s16 =	simm.s32 @!p1 $0x40  }
0x26: {  	[tilespmem:s15], [sflag:$0x1] =	stream.strided.gather @!p1 [hbm4b:s14+s16], $0x2000, s17, s16, $0x38;
	[tilespmem:$0x8080] =	vst v63  }
0x27: {  	p1 =	sge.u32 s31, s5  }
.Ltmp2:
0x28: {  	_ = 	snop;
	(pc) =	sbr.rel @p1 .LBB1_5-.Ltmp2, $1  }
0x29: {  	_ =	sdelay $0x3  }
0x2a: {  	s14 =	simm.s32 $0x1  }
0x2b: {  	_ =	swait.ge [sflag:s4], $0x2000;
	s14 =	simm.s32 @!p0 $0x0  }
0x2c: {  	[sflag:s4] =	ssyncset.done $0x0;
	s15 =	sshll.u32 s14, $0xD  }
0x2d: {  	[sflag:s4] =	ssyncadd.s32 $0xFFFFE000;
	s18 =	sor.u32 $0x20, s15  }
0x2e: {  	s14 =	smul.u32 $0x8100, s14;
	v3 =	vld [tilespmem:s18+$0x10]  }
0x2f: {  	s30 =	sand.u32 $0x1, s11;
	v2 =	vld [tilespmem:s18+$0xFFFFFFF0]  }
0x30: {  	s15 =	smul.u32 $0x8100, s30;
	s14 =	sshrl.u32 s14, $0x2;
	v0 =	vld [tilespmem:s18+$0x0]  }
0x31: {  	v1 =	vld [tilespmem:s18+$0xFFFFFFE0];
	s16 =	sor.u32 $0x4000, s14  }
0x32: {  	s31 =	sshrl.u32 s15, $0x2;
	s15 =	sadd.s32 $0x0, s16  }
0x33: {  	s17 =	simm.s32 $0x4;
	s18 =	sadd.s32 $0x40, s18;
	s14 =	sor.u32 $0x4000, s31;
	[tilespmem:s15+$0x1830 ss:$0x81] =	vst.msk $0xffff, v3  }
.LBB1_3:
0x34: {  	v3 =	vld [tilespmem:s18+$0x10];
	p1 =	sne.s32 s17, $0x1FC;
	[tilespmem:s15+$0x810 ss:$0x81] =	vst.msk $0xffff, v2;
	s19 =	smov.u32 s17;
	s17 =	sadd.s32 $0x4, s17  }
.Ltmp3:
0x35: {  	v2 =	vld [tilespmem:s18+$0xFFFFFFF0];
	[tilespmem:s15+$0x1020 ss:$0x81] =	vst.msk $0xffff, v0;
	(pc) =	sbr.rel @p1 .LBB1_3-.Ltmp3, $4  }
0x36: {  	v0 =	vld [tilespmem:s18+$0x0];
	[tilespmem:s15+$0x0 ss:$0x81] =	vst.msk $0xffff, v1  }
0x37: {  	s15 =	sshra.s32 s19, $0x2;
	v1 =	vld [tilespmem:s18+$0xFFFFFFE0]  }
0x38: {  	s15 =	sadd.s32 s15, s16  }
0x39: {  	s18 =	sadd.s32 $0x40, s18;
	[tilespmem:s15+$0x1830 ss:$0x81] =	vst.msk $0xffff, v3  }
.Ltmp4:
0x3a: {  	_ = 	snop;
	(pc) =	sbr.rel .LBB1_4-.Ltmp4, $1  }
0x3b: {  	_ =	sdelay $0x3  }
.LBB1_6:
0x3c: {  	_ =	sfence.sel $0x180000  }
0x3d: {  	s2 =	simm.s32 $0x1;
	[bflag:$0x0] =	sbarrier.arrive $0xFFFF  }
0x3e: {  	s31 =	simm.s32 $0x2;
	[sflag:s2] =	ssyncpa.u1 $0x1  }
0x3f: {  	[sflag:s31] =	ssyncpa.u1 $0x1  }
0x40: {  	p0 =	sne.s32 s0, $0x0;
	_ =	strace $0x9000004A  }
0x41: {  	s0 =	sadd.s32 @!p0 $0x100000, s1;
	[bflag:$0x2] =	sbarrier.arrive $0xFFFF  }
0x42: {  	[sflag:s0] =	ssyncadd.tile.s32 @!p0 $0x1;
	_ =	shalt  }
.Lfunc_end1:
_tile_overlayer_lowered:
.L_overlay_start_2:
0x43: {  	(tag) =	ssettag $0x2  }
0x44: {  	s0 =	rddreg [dreg:$0x0];
	s2 =	stileid.u32  }
0x45: {  	s1 =	rddreg [dreg:$0x1];
	p0 =	sne.s32 s2, $0x0  }
0x46: {  	s3 =	rddreg [dreg:$0x2];
	[bflag:$0x3] =	sbarrier.arrive $0xFFFF;
	s2 =	simm.s32 @!p0 $0x1C01  }
0x47: {  	[timem:s3], [sflag:s2] =	dma.local @!p0 [hbm:s0], s1  }
0x48: {  	s0 =	simm.s32 @!p0 $0x1  }
0x49: {  	_ =	swait.ge @!p0 [sflag:s0], s1  }
0x4a: {  	s1 =	ssub.s32 @!p0 $0x0, s1;
	[sflag:s0] =	ssyncset.done @!p0 $0x0  }
0x4b: {  	[sflag:s0] =	ssyncadd.s32 @!p0 s1  }
0x4c: {  	[bflag:$0x3] =	sbarrier.arrive $0xFFFF  }
0x4d: {  	_ =	shalt  }

</sc_bundles>
